<compile_context>
chip_gen: v7x
topology: tpu7x:2x2x1
jax: 0.10.2.dev20260603
libtpu: 0.0.44.dev20260713+nightly
codegen_flags: <defaults>
</compile_context>

<pallas_src>
import functools

import jax
import jax.numpy as jnp
from jax import lax
from jax.experimental import pallas as pl
from jax.experimental.pallas import tpu as pltpu
from jax.experimental.pallas import tpu_sc as plsc

N = 10000
E = 320000
D = 128

NC, NS, L = 2, 16, 16
NW = NC * NS
B = 128
CH = 80
EP = NW * CH * B
NP = 10240
RPT = NP // NS
HD2 = D // 2


_sc_mesh = plsc.VectorSubcoreMesh(core_axis_name="c", subcore_axis_name="s")
_sc_params = pltpu.CompilerParams(needs_layout_passes=False,
                                  use_tc_tiling_on_sc=False)


@functools.partial(
    pl.kernel,
    out_type=jax.ShapeDtypeStruct((NW, NP), jnp.float32),
    mesh=_sc_mesh,
    compiler_params=_sc_params,
    scratch_types=[
        pltpu.VMEM((CH, B), jnp.int32),
        pltpu.VMEM((NP,), jnp.float32),
    ],
)
def _deg_kernel(colp_hbm, degp_hbm, col_v, deg_v):
    cid = lax.axis_index("c")
    sid = lax.axis_index("s")
    wid = cid * NS + sid

    pltpu.sync_copy(colp_hbm.at[pl.ds(wid * CH, CH)], col_v)

    zeros16 = jnp.zeros((L,), jnp.float32)

    @pl.loop(0, NP // L)
    def _(i):
        deg_v[pl.ds(i * L, L)] = zeros16

    ones16 = jnp.ones((L,), jnp.float32)

    @pl.loop(0, CH)
    def _(i):
        for k in range(B // L):
            idx = col_v[i, pl.ds(k * L, L)]
            plsc.addupdate_scatter(deg_v, [idx], ones16)

    pltpu.sync_copy(deg_v, degp_hbm.at[wid])



CHT = EP // (NS * B)
CHP = 40
NB = 4


@functools.partial(
    pl.kernel,
    out_type=jax.ShapeDtypeStruct((NC, NP, HD2), jnp.float32),
    mesh=_sc_mesh,
    compiler_params=_sc_params,
    scratch_types=[
        pltpu.VMEM((CHP, B), jnp.int32),
        pltpu.VMEM((CHP, B), jnp.int32),
        [pltpu.VMEM((B, HD2), jnp.float32)] * NB,
        pltpu.VMEM((16, HD2), jnp.float32),
        pltpu.VMEM_SHARED((NP, HD2), jnp.float32),
        pltpu.VMEM_SHARED((NP, HD2), jnp.float32),
        [pltpu.SemaphoreType.DMA] * NB,
        [pltpu.SemaphoreType.DMA] * NB,
    ],
)
def _msg_kernel(ys_hbm, rowp_hbm, colp_hbm, hp_hbm,
                row_v, col_v, bufs, zbuf, y_s, acc_s, gsem, ssem):
    cid = lax.axis_index("c")
    sid = lax.axis_index("s")

    pltpu.sync_copy(ys_hbm.at[cid, pl.ds(sid * RPT, RPT)],
                    y_s.at[pl.ds(sid * RPT, RPT)])

    zeros16 = jnp.zeros((L,), jnp.float32)

    @pl.loop(0, 16)
    def _(i):
        for k in range(HD2 // L):
            zbuf[i, pl.ds(k * L, L)] = zeros16

    @pl.loop(0, RPT // 16)
    def _(j):
        pltpu.sync_copy(zbuf, acc_s.at[pl.ds(sid * RPT + j * 16, 16)])

    plsc.subcore_barrier()

    def one_pass(base):
        pltpu.sync_copy(rowp_hbm.at[pl.ds(base, CHP)], row_v)
        pltpu.sync_copy(colp_hbm.at[pl.ds(base, CHP)], col_v)
        for b in range(NB):
            pltpu.async_copy(y_s.at[row_v.at[b]], bufs[b], gsem[b])

        @pl.loop(0, CHP, step=NB)
        def _(j):
            for b in range(NB):
                pltpu.make_async_copy(y_s.at[row_v.at[j + b]],
                                      bufs[b], gsem[b]).wait()
                pltpu.async_copy(bufs[b], acc_s.at[col_v.at[j + b]],
                                 ssem[b], add=True)
            for b in range(NB):
                pltpu.make_async_copy(bufs[b], acc_s.at[col_v.at[j + b]],
                                      ssem[b]).wait()

                @pl.when(j + NB + b < CHP)
                def _():
                    pltpu.async_copy(y_s.at[row_v.at[j + NB + b]],
                                     bufs[b], gsem[b])

    for p in range(CHT // CHP):
        one_pass(sid * CHT + p * CHP)

    plsc.subcore_barrier()
    pltpu.sync_copy(acc_s.at[pl.ds(sid * RPT, RPT)],
                    hp_hbm.at[cid, pl.ds(sid * RPT, RPT)])




def _lstm_w_new(W_gcn, W_ih, W_hh, b_ih, b_hh, h0, c0):
    dn = (((1,), (1,)), ((), ()))
    gates = (lax.dot_general(W_gcn, W_ih, dn, preferred_element_type=jnp.float32)
             + lax.dot_general(h0, W_hh, dn, preferred_element_type=jnp.float32)
             + b_ih[0, :] + b_hh[0, :])
    ig = jax.nn.sigmoid(gates[:, 0:D])
    fg = jax.nn.sigmoid(gates[:, D:2 * D])
    gg = jnp.tanh(gates[:, 2 * D:3 * D])
    og = jax.nn.sigmoid(gates[:, 3 * D:4 * D])
    c_new = fg * c0 + ig * gg
    return og * jnp.tanh(c_new)


def _pre_body(feat_ref, degp_ref, Wg_ref, Wih_ref, Whh_ref, bih_ref, bhh_ref,
              h0_ref, c0_ref, ys_ref):
    W_new = _lstm_w_new(Wg_ref[...], Wih_ref[...], Whh_ref[...],
                        bih_ref[...], bhh_ref[...], h0_ref[...], c0_ref[...])
    deg = jnp.sum(degp_ref[...], axis=0) + 1.0
    dis = lax.rsqrt(deg)
    xw = jnp.dot(feat_ref[...], W_new, preferred_element_type=jnp.float32)
    y = xw * dis[:, None]
    ys_ref[0] = y[:, :HD2]
    ys_ref[1] = y[:, HD2:]


def _post_body(hp_ref, ys_ref, degp_ref, Wlin_ref, blin_ref, z_ref):
    deg = jnp.sum(degp_ref[...], axis=0) + 1.0
    dis = lax.rsqrt(deg)
    s = jnp.concatenate([hp_ref[0] + ys_ref[0], hp_ref[1] + ys_ref[1]],
                        axis=1)
    h = dis[:, None] * s
    z = jnp.maximum(h, 0.0)
    dn = (((1,), (1,)), ((), ()))
    z_ref[...] = (lax.dot_general(z, Wlin_ref[...], dn,
                                  preferred_element_type=jnp.float32)
                  + blin_ref[0, :])


_BLK = 1024
_GRID = NP // _BLK


def _full(shape):
    return pl.BlockSpec(shape, lambda j: tuple(0 for _ in shape))


def _pre_call(feat_pad, degp, W_gcn, W_ih, W_hh, b_ih2, b_hh2, h0, c0):
    return pl.pallas_call(
        _pre_body,
        grid=(_GRID,),
        in_specs=[
            pl.BlockSpec((_BLK, D), lambda j: (j, 0)),
            pl.BlockSpec((NW, _BLK), lambda j: (0, j)),
            _full((D, D)), _full((4 * D, D)), _full((4 * D, D)),
            _full((1, 4 * D)), _full((1, 4 * D)),
            _full((D, D)), _full((D, D)),
        ],
        out_specs=pl.BlockSpec((NC, _BLK, HD2), lambda j: (0, j, 0)),
        out_shape=jax.ShapeDtypeStruct((NC, NP, HD2), jnp.float32),
    )(feat_pad, degp, W_gcn, W_ih, W_hh, b_ih2, b_hh2, h0, c0)


def _post_call(hp, ys, degp, W_lin, b_lin2):
    return pl.pallas_call(
        _post_body,
        grid=(_GRID,),
        in_specs=[
            pl.BlockSpec((NC, _BLK, HD2), lambda j: (0, j, 0)),
            pl.BlockSpec((NC, _BLK, HD2), lambda j: (0, j, 0)),
            pl.BlockSpec((NW, _BLK), lambda j: (0, j)),
            _full((D, D)), _full((1, D)),
        ],
        out_specs=pl.BlockSpec((_BLK, D), lambda j: (j, 0)),
        out_shape=jax.ShapeDtypeStruct((NP, D), jnp.float32),
    )(hp, ys, degp, W_lin, b_lin2)




def kernel(edge_index, node_feat, W_gcn, W_ih, W_hh, b_ih, b_hh, h0, c0,
           W_lin, b_lin):
    row, col = edge_index[0], edge_index[1]
    pad = EP - E
    rowp = jnp.concatenate([row, jnp.zeros((pad,), jnp.int32)]).reshape(EP // B, B)
    colp = jnp.concatenate([col, jnp.full((pad,), N, jnp.int32)]).reshape(EP // B, B)
    feat_pad = jnp.pad(node_feat, ((0, NP - N), (0, 0)))
    b_ih2 = b_ih.reshape(1, 4 * D)
    b_hh2 = b_hh.reshape(1, 4 * D)
    b_lin2 = b_lin.reshape(1, D)

    degp = _deg_kernel(colp)
    ys = _pre_call(feat_pad, degp, W_gcn, W_ih, W_hh, b_ih2, b_hh2, h0, c0)
    hp = _msg_kernel(ys, rowp, colp)
    z = _post_call(hp, ys, degp, W_lin, b_lin2)
    return z[:N]

# --- scband reference (transcript-rebuilt; emitter-appended) ---
"""Pipeline reference for scband-recurrent-gcn-33139967656315 (READ-ONLY COPY).

The authoritative reference and input builder live on the scoring server;
editing this copy changes nothing except your own understanding.
"""

import jax, jax.numpy as jnp
import numpy as np

N = 10000      # num_nodes
E = 320000     # num_edges
D = 128        # in_channels
HD = 128       # hidden_dim of output linear


def setup_inputs(seed: int = 0) -> dict:
    key = jax.random.key(seed)
    ks = jax.random.split(key, 12)
    s = 1.0 / np.sqrt(D)
    inp = {}
    inp["edge_index"] = jax.random.randint(ks[0], (2, E), 0, N, dtype=jnp.int32)
    inp["node_feat"] = jax.random.normal(ks[1], (N, D), dtype=jnp.float32)
    # GCN weight that is evolved by the LSTM (EvolveGCN-O)
    inp["W_gcn"] = jax.random.uniform(ks[2], (D, D), jnp.float32, -s, s)
    # LSTM params: input_size=D, hidden_size=D, PyTorch gate order (i, f, g, o)
    inp["W_ih"] = jax.random.uniform(ks[3], (4 * D, D), jnp.float32, -s, s)
    inp["W_hh"] = jax.random.uniform(ks[4], (4 * D, D), jnp.float32, -s, s)
    inp["b_ih"] = jax.random.uniform(ks[5], (4 * D,), jnp.float32, -s, s)
    inp["b_hh"] = jax.random.uniform(ks[6], (4 * D,), jnp.float32, -s, s)
    # LSTM hidden/cell state: batch dim = D (rows of W treated as batch)
    inp["h0"] = jnp.zeros((D, D), dtype=jnp.float32)
    inp["c0"] = jnp.zeros((D, D), dtype=jnp.float32)
    # output linear layer
    inp["W_lin"] = jax.random.uniform(ks[7], (HD, D), jnp.float32, -s, s)
    inp["b_lin"] = jax.random.uniform(ks[8], (HD,), jnp.float32, -s, s)
    return inp


def _lstm_step(x, h, c, W_ih, W_hh, b_ih, b_hh):
    gates = x @ W_ih.T + b_ih + h @ W_hh.T + b_hh
    i, f, g, o = jnp.split(gates, 4, axis=1)
    i = jax.nn.sigmoid(i)
    f = jax.nn.sigmoid(f)
    g = jnp.tanh(g)
    o = jax.nn.sigmoid(o)
    c_new = f * c + i * g
    h_new = o * jnp.tanh(c_new)
    return h_new, c_new


def reference(edge_index, node_feat, W_gcn, W_ih, W_hh, b_ih, b_hh, h0, c0, W_lin, b_lin):
    # --- EvolveGCN-O: evolve GCN weight with one LSTM step ---
    W_new, _c = _lstm_step(W_gcn, h0, c0, W_ih, W_hh, b_ih, b_hh)

    # --- GCNConv with fixed (evolved) weight, gcn_norm with self loops ---
    row, col = edge_index[0], edge_index[1]
    loop = jnp.arange(N, dtype=edge_index.dtype)
    row2 = jnp.concatenate([row, loop])
    col2 = jnp.concatenate([col, loop])
    w = jnp.ones((E + N,), dtype=jnp.float32)  # edge_weight = ones, self-loop fill 1
    deg = jax.ops.segment_sum(w, col2, num_segments=N)
    deg_inv_sqrt = jnp.where(deg > 0, deg ** -0.5, 0.0)
    norm = deg_inv_sqrt[row2] * w * deg_inv_sqrt[col2]

    xw = node_feat @ W_new
    msg = xw[row2] * norm[:, None]
    h = jax.ops.segment_sum(msg, col2, num_segments=N)

    # --- relu + linear head ---
    z = jax.nn.relu(h)
    z = z @ W_lin.T + b_lin
    return z

if __name__ == "__main__":
    import jax
    _d = setup_inputs()
    print(jax.jit(kernel)(*tuple(_d.values())))

</pallas_src>

<mosaic_0001>
#map = affine_map<(d0, d1) -> (0, 0, 0)>
#map1 = affine_map<(d0, d1) -> (0, 0)>
module attributes {stable_mosaic.version = 14 : i64} {
  func.func @_msg_kernel(%arg0: i32, %arg1: i32, %arg2: memref<2x10240x64xf32, #tpu.memory_space<hbm>>, %arg3: memref<2560x128xi32, #tpu.memory_space<hbm>>, %arg4: memref<2560x128xi32, #tpu.memory_space<hbm>>, %arg5: memref<2x10240x64xf32, #tpu.memory_space<hbm>>, %arg6: memref<40x128xi32, #tpu.memory_space<vmem>>, %arg7: memref<40x128xi32, #tpu.memory_space<vmem>>, %arg8: memref<128x64xf32, #tpu.memory_space<vmem>>, %arg9: memref<128x64xf32, #tpu.memory_space<vmem>>, %arg10: memref<128x64xf32, #tpu.memory_space<vmem>>, %arg11: memref<128x64xf32, #tpu.memory_space<vmem>>, %arg12: memref<16x64xf32, #tpu.memory_space<vmem>>, %arg13: memref<10240x64xf32, #tpu.memory_space<vmem_shared>>, %arg14: memref<10240x64xf32, #tpu.memory_space<vmem_shared>>, %arg15: memref<!tpu.dma_semaphore, #tpu.memory_space<semaphore_mem>>, %arg16: memref<!tpu.dma_semaphore, #tpu.memory_space<semaphore_mem>>, %arg17: memref<!tpu.dma_semaphore, #tpu.memory_space<semaphore_mem>>, %arg18: memref<!tpu.dma_semaphore, #tpu.memory_space<semaphore_mem>>, %arg19: memref<!tpu.dma_semaphore, #tpu.memory_space<semaphore_mem>>, %arg20: memref<!tpu.dma_semaphore, #tpu.memory_space<semaphore_mem>>, %arg21: memref<!tpu.dma_semaphore, #tpu.memory_space<semaphore_mem>>, %arg22: memref<!tpu.dma_semaphore, #tpu.memory_space<semaphore_mem>>) attributes {dimension_semantics = [#tpu.dimension_semantics<core_parallel>, #tpu.dimension_semantics<subcore_parallel>], iteration_bounds = array<i64: 2, 16>, scalar_prefetch = 0 : i64, scratch_operands = 17 : i64, tpu.core_type = #tpu.core_type<sc_vector_subcore>, window_params = [{transform_indices = #map}, {transform_indices = #map1}, {transform_indices = #map1}, {transform_indices = #map}]} {
    %mul3A = arith.constant 640 : i32
    %mul3A_0 = arith.muli %arg1, %mul3A : i32
    %mul3A_1 = arith.constant 640 : i32
    %mul3A_2 = arith.muli %arg1, %mul3A_1 : i32
    "tpu.region"() ({
      %run_scoped3A = tpu.sem_alloc : memref<!tpu.dma_semaphore, #tpu.memory_space<semaphore_mem>>
      %dma_start3A_164 = arith.constant 0 : i32
      %dma_start3A_165 = tpu.memref_slice %arg13[%mul3A_2, %dma_start3A_164] : memref<10240x64xf32, #tpu.memory_space<vmem_shared>> -> memref<640x64xf32, #tpu.memory_space<vmem_shared>>
      %dma_start3A_166 = arith.constant 0 : i32
      %dma_start3A_167 = tpu.memref_slice %arg2[%arg0, %mul3A_0, %dma_start3A_166] : memref<2x10240x64xf32, #tpu.memory_space<hbm>> -> memref<1x640x64xf32, #tpu.memory_space<hbm>>
      %dma_start3A_168 = tpu.memref_squeeze %dma_start3A_167 : memref<1x640x64xf32, #tpu.memory_space<hbm>> -> memref<640x64xf32, #tpu.memory_space<hbm>>
      tpu.enqueue_dma source(%dma_start3A_168 : memref<640x64xf32, #tpu.memory_space<hbm>>) target(%dma_start3A_165 : memref<640x64xf32, #tpu.memory_space<vmem_shared>>) target_semaphore(%run_scoped3A : memref<!tpu.dma_semaphore, #tpu.memory_space<semaphore_mem>>)
      %dma_wait3A = arith.constant 0 : i32
      %dma_wait3A_169 = tpu.memref_slice %arg13[%mul3A_2, %dma_wait3A] : memref<10240x64xf32, #tpu.memory_space<vmem_shared>> -> memref<640x64xf32, #tpu.memory_space<vmem_shared>>
      %dma_wait3A_170 = arith.constant 0 : i32
      %dma_wait3A_171 = tpu.memref_slice %arg2[%arg0, %mul3A_0, %dma_wait3A_170] : memref<2x10240x64xf32, #tpu.memory_space<hbm>> -> memref<1x640x64xf32, #tpu.memory_space<hbm>>
      %dma_wait3A_172 = tpu.memref_squeeze %dma_wait3A_171 : memref<1x640x64xf32, #tpu.memory_space<hbm>> -> memref<640x64xf32, #tpu.memory_space<hbm>>
      tpu.wait_dma2 semaphore(%run_scoped3A : memref<!tpu.dma_semaphore, #tpu.memory_space<semaphore_mem>>) src(%dma_wait3A_172 : memref<640x64xf32, #tpu.memory_space<hbm>>) dst(%dma_wait3A_169 : memref<640x64xf32, #tpu.memory_space<vmem_shared>>)
      tpu.yield
    }) : () -> ()
    %broadcast_in_dim3A = arith.constant 0.000000e+00 : f32
    %broadcast_in_dim3A_3 = vector.broadcast %broadcast_in_dim3A : f32 to vector<16xf32>
    %scan3A = arith.constant 0 : i32
    %scan3A_4 = arith.constant 16 : i32
    %scan3A_5 = arith.addi %scan3A, %scan3A_4 : i32
    %scan3A_6 = arith.constant 1 : i32
    scf.for %scan3A_164 = %scan3A to %scan3A_5 step %scan3A_6  : i32 {
      %mul3A_165 = arith.constant 1 : i32
      %mul3A_166 = arith.muli %scan3A_164, %mul3A_165 : i32
      %add3A_167 = arith.constant 0 : i32
      %add3A_168 = arith.addi %add3A_167, %mul3A_166 : i32
      %swap3A = arith.index_cast %add3A_168 : i32 to index
      %swap3A_169 = arith.constant 0 : index
      %swap3A_170 = tpu.vector_load %arg12[%swap3A, %swap3A_169] {strides = array<i32>} : memref<16x64xf32, #tpu.memory_space<vmem>>, vector<16xf32>,
      tpu.vector_store %arg12[%swap3A, %swap3A_169], %broadcast_in_dim3A_3 {strides = array<i32>} : memref<16x64xf32, #tpu.memory_space<vmem>>, vector<16xf32>,
      %swap3A_171 = arith.index_cast %add3A_168 : i32 to index
      %swap3A_172 = arith.constant 16 : index
      %swap3A_173 = tpu.vector_load %arg12[%swap3A_171, %swap3A_172] {strides = array<i32>} : memref<16x64xf32, #tpu.memory_space<vmem>>, vector<16xf32>,
      tpu.vector_store %arg12[%swap3A_171, %swap3A_172], %broadcast_in_dim3A_3 {strides = array<i32>} : memref<16x64xf32, #tpu.memory_space<vmem>>, vector<16xf32>,
      %swap3A_174 = arith.index_cast %add3A_168 : i32 to index
      %swap3A_175 = arith.constant 32 : index
      %swap3A_176 = tpu.vector_load %arg12[%swap3A_174, %swap3A_175] {strides = array<i32>} : memref<16x64xf32, #tpu.memory_space<vmem>>, vector<16xf32>,
      tpu.vector_store %arg12[%swap3A_174, %swap3A_175], %broadcast_in_dim3A_3 {strides = array<i32>} : memref<16x64xf32, #tpu.memory_space<vmem>>, vector<16xf32>,
      %swap3A_177 = arith.index_cast %add3A_168 : i32 to index
      %swap3A_178 = arith.constant 48 : index
      %swap3A_179 = tpu.vector_load %arg12[%swap3A_177, %swap3A_178] {strides = array<i32>} : memref<16x64xf32, #tpu.memory_space<vmem>>, vector<16xf32>,
      tpu.vector_store %arg12[%swap3A_177, %swap3A_178], %broadcast_in_dim3A_3 {strides = array<i32>} : memref<16x64xf32, #tpu.memory_space<vmem>>, vector<16xf32>,
    }
    %scan3A_7 = arith.constant 16 : i32
    %scan3A_8 = arith.constant 0 : i32
    %scan3A_9 = arith.constant 40 : i32
    %scan3A_10 = arith.addi %scan3A_8, %scan3A_9 : i32
    %scan3A_11 = arith.constant 1 : i32
    scf.for %scan3A_164 = %scan3A_8 to %scan3A_10 step %scan3A_11  : i32 {
      %mul3A_165 = arith.constant 1 : i32
      %mul3A_166 = arith.muli %scan3A_164, %mul3A_165 : i32
      %add3A_167 = arith.constant 0 : i32
      %add3A_168 = arith.addi %add3A_167, %mul3A_166 : i32
      %mul3A_169 = arith.constant 640 : i32
      %mul3A_170 = arith.muli %arg1, %mul3A_169 : i32
      %mul3A_171 = arith.constant 16 : i32
      %mul3A_172 = arith.muli %add3A_168, %mul3A_171 : i32
      %add3A_173 = arith.addi %mul3A_170, %mul3A_172 : i32
      "tpu.region"() ({
        %run_scoped3A = tpu.sem_alloc : memref<!tpu.dma_semaphore, #tpu.memory_space<semaphore_mem>>
        %dma_start3A_174 = arith.constant 0 : i32
        %dma_start3A_175 = tpu.memref_slice %arg14[%add3A_173, %dma_start3A_174] : memref<10240x64xf32, #tpu.memory_space<vmem_shared>> -> memref<16x64xf32, #tpu.memory_space<vmem_shared>>
        %dma_start3A_176 = arith.constant 0 : i32
        %dma_start3A_177 = tpu.memref_slice %arg14[%add3A_173, %dma_start3A_176] : memref<10240x64xf32, #tpu.memory_space<vmem_shared>> -> memref<16x64xf32, #tpu.memory_space<vmem_shared>>
        tpu.enqueue_dma source(%arg12 : memref<16x64xf32, #tpu.memory_space<vmem>>) target(%dma_start3A_177 : memref<16x64xf32, #tpu.memory_space<vmem_shared>>) target_semaphore(%run_scoped3A : memref<!tpu.dma_semaphore, #tpu.memory_space<semaphore_mem>>)
        %dma_wait3A = arith.constant 0 : i32
        %dma_wait3A_178 = tpu.memref_slice %arg14[%add3A_173, %dma_wait3A] : memref<10240x64xf32, #tpu.memory_space<vmem_shared>> -> memref<16x64xf32, #tpu.memory_space<vmem_shared>>
        %dma_wait3A_179 = arith.constant 0 : i32
        %dma_wait3A_180 = tpu.memref_slice %arg14[%add3A_173, %dma_wait3A_179] : memref<10240x64xf32, #tpu.memory_space<vmem_shared>> -> memref<16x64xf32, #tpu.memory_space<vmem_shared>>
        tpu.wait_dma2 semaphore(%run_scoped3A : memref<!tpu.dma_semaphore, #tpu.memory_space<semaphore_mem>>) src(%arg12 : memref<16x64xf32, #tpu.memory_space<vmem>>) dst(%dma_wait3A_180 : memref<16x64xf32, #tpu.memory_space<vmem_shared>>)
        tpu.yield
      }) : () -> ()
    }
    %scan3A_12 = arith.constant 40 : i32
    %barrier3A = arith.constant 0 : index
    tpu.barrier barrier_id(%barrier3A)
    %mul3A_13 = arith.constant 160 : i32
    %mul3A_14 = arith.muli %arg1, %mul3A_13 : i32
    %add3A = arith.constant 0 : i32
    %add3A_15 = arith.addi %mul3A_14, %add3A : i32
    "tpu.region"() ({
      %run_scoped3A = tpu.sem_alloc : memref<!tpu.dma_semaphore, #tpu.memory_space<semaphore_mem>>
      %dma_start3A_164 = arith.constant 0 : i32
      %dma_start3A_165 = tpu.memref_slice %arg3[%add3A_15, %dma_start3A_164] : memref<2560x128xi32, #tpu.memory_space<hbm>> -> memref<40x128xi32, #tpu.memory_space<hbm>>
      %dma_start3A_166 = arith.constant 0 : i32
      %dma_start3A_167 = tpu.memref_slice %arg3[%add3A_15, %dma_start3A_166] : memref<2560x128xi32, #tpu.memory_space<hbm>> -> memref<40x128xi32, #tpu.memory_space<hbm>>
      tpu.enqueue_dma source(%dma_start3A_167 : memref<40x128xi32, #tpu.memory_space<hbm>>) target(%arg6 : memref<40x128xi32, #tpu.memory_space<vmem>>) target_semaphore(%run_scoped3A : memref<!tpu.dma_semaphore, #tpu.memory_space<semaphore_mem>>)
      %dma_wait3A = arith.constant 0 : i32
      %dma_wait3A_168 = tpu.memref_slice %arg3[%add3A_15, %dma_wait3A] : memref<2560x128xi32, #tpu.memory_space<hbm>> -> memref<40x128xi32, #tpu.memory_space<hbm>>
      %dma_wait3A_169 = arith.constant 0 : i32
      %dma_wait3A_170 = tpu.memref_slice %arg3[%add3A_15, %dma_wait3A_169] : memref<2560x128xi32, #tpu.memory_space<hbm>> -> memref<40x128xi32, #tpu.memory_space<hbm>>
      tpu.wait_dma2 semaphore(%run_scoped3A : memref<!tpu.dma_semaphore, #tpu.memory_space<semaphore_mem>>) src(%dma_wait3A_170 : memref<40x128xi32, #tpu.memory_space<hbm>>) dst(%arg6 : memref<40x128xi32, #tpu.memory_space<vmem>>)
      tpu.yield
    }) : () -> ()
    "tpu.region"() ({
      %run_scoped3A = tpu.sem_alloc : memref<!tpu.dma_semaphore, #tpu.memory_space<semaphore_mem>>
      %dma_start3A_164 = arith.constant 0 : i32
      %dma_start3A_165 = tpu.memref_slice %arg4[%add3A_15, %dma_start3A_164] : memref<2560x128xi32, #tpu.memory_space<hbm>> -> memref<40x128xi32, #tpu.memory_space<hbm>>
      %dma_start3A_166 = arith.constant 0 : i32
      %dma_start3A_167 = tpu.memref_slice %arg4[%add3A_15, %dma_start3A_166] : memref<2560x128xi32, #tpu.memory_space<hbm>> -> memref<40x128xi32, #tpu.memory_space<hbm>>
      tpu.enqueue_dma source(%dma_start3A_167 : memref<40x128xi32, #tpu.memory_space<hbm>>) target(%arg7 : memref<40x128xi32, #tpu.memory_space<vmem>>) target_semaphore(%run_scoped3A : memref<!tpu.dma_semaphore, #tpu.memory_space<semaphore_mem>>)
      %dma_wait3A = arith.constant 0 : i32
      %dma_wait3A_168 = tpu.memref_slice %arg4[%add3A_15, %dma_wait3A] : memref<2560x128xi32, #tpu.memory_space<hbm>> -> memref<40x128xi32, #tpu.memory_space<hbm>>
      %dma_wait3A_169 = arith.constant 0 : i32
      %dma_wait3A_170 = tpu.memref_slice %arg4[%add3A_15, %dma_wait3A_169] : memref<2560x128xi32, #tpu.memory_space<hbm>> -> memref<40x128xi32, #tpu.memory_space<hbm>>
      tpu.wait_dma2 semaphore(%run_scoped3A : memref<!tpu.dma_semaphore, #tpu.memory_space<semaphore_mem>>) src(%dma_wait3A_170 : memref<40x128xi32, #tpu.memory_space<hbm>>) dst(%arg7 : memref<40x128xi32, #tpu.memory_space<vmem>>)
      tpu.yield
    }) : () -> ()
    %dma_start3A = arith.constant 0 : i32
    %dma_start3A_16 = arith.constant 0 : i32
    %dma_start3A_17 = tpu.memref_slice %arg6[%dma_start3A, %dma_start3A_16] : memref<40x128xi32, #tpu.memory_space<vmem>> -> memref<1x128xi32, #tpu.memory_space<vmem>>
    %dma_start3A_18 = tpu.memref_squeeze %dma_start3A_17 : memref<1x128xi32, #tpu.memory_space<vmem>> -> memref<128xi32, #tpu.memory_space<vmem>>
    %dma_start3A_19 = arith.constant 0 : i32
    %dma_start3A_20 = arith.constant 0 : i32
    %dma_start3A_21 = tpu.memref_slice %arg13[%dma_start3A_19, %dma_start3A_20] : memref<10240x64xf32, #tpu.memory_space<vmem_shared>> -> memref<10240x64xf32, #tpu.memory_space<vmem_shared>>
    tpu.enqueue_indirect_dma source(%dma_start3A_21 : memref<10240x64xf32, #tpu.memory_space<vmem_shared>>) target(%arg8 : memref<128x64xf32, #tpu.memory_space<vmem>>) offsets(%dma_start3A_18 : memref<128xi32, #tpu.memory_space<vmem>>) semaphore(%arg15 : memref<!tpu.dma_semaphore, #tpu.memory_space<semaphore_mem>>)
    %dma_start3A_22 = arith.constant 1 : i32
    %dma_start3A_23 = arith.constant 0 : i32
    %dma_start3A_24 = tpu.memref_slice %arg6[%dma_start3A_22, %dma_start3A_23] : memref<40x128xi32, #tpu.memory_space<vmem>> -> memref<1x128xi32, #tpu.memory_space<vmem>>
    %dma_start3A_25 = tpu.memref_squeeze %dma_start3A_24 : memref<1x128xi32, #tpu.memory_space<vmem>> -> memref<128xi32, #tpu.memory_space<vmem>>
    %dma_start3A_26 = arith.constant 0 : i32
    %dma_start3A_27 = arith.constant 0 : i32
    %dma_start3A_28 = tpu.memref_slice %arg13[%dma_start3A_26, %dma_start3A_27] : memref<10240x64xf32, #tpu.memory_space<vmem_shared>> -> memref<10240x64xf32, #tpu.memory_space<vmem_shared>>
    tpu.enqueue_indirect_dma source(%dma_start3A_28 : memref<10240x64xf32, #tpu.memory_space<vmem_shared>>) target(%arg9 : memref<128x64xf32, #tpu.memory_space<vmem>>) offsets(%dma_start3A_25 : memref<128xi32, #tpu.memory_space<vmem>>) semaphore(%arg16 : memref<!tpu.dma_semaphore, #tpu.memory_space<semaphore_mem>>)
    %dma_start3A_29 = arith.constant 2 : i32
    %dma_start3A_30 = arith.constant 0 : i32
    %dma_start3A_31 = tpu.memref_slice %arg6[%dma_start3A_29, %dma_start3A_30] : memref<40x128xi32, #tpu.memory_space<vmem>> -> memref<1x128xi32, #tpu.memory_space<vmem>>
    %dma_start3A_32 = tpu.memref_squeeze %dma_start3A_31 : memref<1x128xi32, #tpu.memory_space<vmem>> -> memref<128xi32, #tpu.memory_space<vmem>>
    %dma_start3A_33 = arith.constant 0 : i32
    %dma_start3A_34 = arith.constant 0 : i32
    %dma_start3A_35 = tpu.memref_slice %arg13[%dma_start3A_33, %dma_start3A_34] : memref<10240x64xf32, #tpu.memory_space<vmem_shared>> -> memref<10240x64xf32, #tpu.memory_space<vmem_shared>>
    tpu.enqueue_indirect_dma source(%dma_start3A_35 : memref<10240x64xf32, #tpu.memory_space<vmem_shared>>) target(%arg10 : memref<128x64xf32, #tpu.memory_space<vmem>>) offsets(%dma_start3A_32 : memref<128xi32, #tpu.memory_space<vmem>>) semaphore(%arg17 : memref<!tpu.dma_semaphore, #tpu.memory_space<semaphore_mem>>)
    %dma_start3A_36 = arith.constant 3 : i32
    %dma_start3A_37 = arith.constant 0 : i32
    %dma_start3A_38 = tpu.memref_slice %arg6[%dma_start3A_36, %dma_start3A_37] : memref<40x128xi32, #tpu.memory_space<vmem>> -> memref<1x128xi32, #tpu.memory_space<vmem>>
    %dma_start3A_39 = tpu.memref_squeeze %dma_start3A_38 : memref<1x128xi32, #tpu.memory_space<vmem>> -> memref<128xi32, #tpu.memory_space<vmem>>
    %dma_start3A_40 = arith.constant 0 : i32
    %dma_start3A_41 = arith.constant 0 : i32
    %dma_start3A_42 = tpu.memref_slice %arg13[%dma_start3A_40, %dma_start3A_41] : memref<10240x64xf32, #tpu.memory_space<vmem_shared>> -> memref<10240x64xf32, #tpu.memory_space<vmem_shared>>
    tpu.enqueue_indirect_dma source(%dma_start3A_42 : memref<10240x64xf32, #tpu.memory_space<vmem_shared>>) target(%arg11 : memref<128x64xf32, #tpu.memory_space<vmem>>) offsets(%dma_start3A_39 : memref<128xi32, #tpu.memory_space<vmem>>) semaphore(%arg18 : memref<!tpu.dma_semaphore, #tpu.memory_space<semaphore_mem>>)
    %scan3A_43 = arith.constant 0 : i32
    %scan3A_44 = arith.constant 10 : i32
    %scan3A_45 = arith.addi %scan3A_43, %scan3A_44 : i32
    %scan3A_46 = arith.constant 1 : i32
    scf.for %scan3A_164 = %scan3A_43 to %scan3A_45 step %scan3A_46  : i32 {
      %mul3A_165 = arith.constant 4 : i32
      %mul3A_166 = arith.muli %scan3A_164, %mul3A_165 : i32
      %add3A_167 = arith.constant 0 : i32
      %add3A_168 = arith.addi %add3A_167, %mul3A_166 : i32
      %add3A_169 = arith.constant 0 : i32
      %add3A_170 = arith.addi %add3A_168, %add3A_169 : i32
      %dma_wait3A = arith.constant 0 : i32
      %dma_wait3A_171 = tpu.memref_slice %arg6[%add3A_170, %dma_wait3A] : memref<40x128xi32, #tpu.memory_space<vmem>> -> memref<1x128xi32, #tpu.memory_space<vmem>>
      %dma_wait3A_172 = tpu.memref_squeeze %dma_wait3A_171 : memref<1x128xi32, #tpu.memory_space<vmem>> -> memref<128xi32, #tpu.memory_space<vmem>>
      %dma_wait3A_173 = arith.constant 0 : i32
      %dma_wait3A_174 = arith.constant 0 : i32
      %dma_wait3A_175 = tpu.memref_slice %arg13[%dma_wait3A_173, %dma_wait3A_174] : memref<10240x64xf32, #tpu.memory_space<vmem_shared>> -> memref<10240x64xf32, #tpu.memory_space<vmem_shared>>
      tpu.wait_indirect_dma semaphore(%arg15 : memref<!tpu.dma_semaphore, #tpu.memory_space<semaphore_mem>>) src(%dma_wait3A_175 : memref<10240x64xf32, #tpu.memory_space<vmem_shared>>) dst(%arg8 : memref<128x64xf32, #tpu.memory_space<vmem>>)
      %add3A_176 = arith.constant 0 : i32
      %add3A_177 = arith.addi %add3A_168, %add3A_176 : i32
      %dma_start3A_178 = arith.constant 0 : i32
      %dma_start3A_179 = tpu.memref_slice %arg7[%add3A_177, %dma_start3A_178] : memref<40x128xi32, #tpu.memory_space<vmem>> -> memref<1x128xi32, #tpu.memory_space<vmem>>
      %dma_start3A_180 = tpu.memref_squeeze %dma_start3A_179 : memref<1x128xi32, #tpu.memory_space<vmem>> -> memref<128xi32, #tpu.memory_space<vmem>>
      %dma_start3A_181 = arith.constant 0 : i32
      %dma_start3A_182 = arith.constant 0 : i32
      %dma_start3A_183 = tpu.memref_slice %arg14[%dma_start3A_181, %dma_start3A_182] : memref<10240x64xf32, #tpu.memory_space<vmem_shared>> -> memref<10240x64xf32, #tpu.memory_space<vmem_shared>>
      tpu.enqueue_indirect_dma source(%arg8 : memref<128x64xf32, #tpu.memory_space<vmem>>) target(%dma_start3A_183 : memref<10240x64xf32, #tpu.memory_space<vmem_shared>>) offsets(%dma_start3A_180 : memref<128xi32, #tpu.memory_space<vmem>>) semaphore(%arg19 : memref<!tpu.dma_semaphore, #tpu.memory_space<semaphore_mem>>) {add = true}
      %add3A_184 = arith.constant 1 : i32
      %add3A_185 = arith.addi %add3A_168, %add3A_184 : i32
      %dma_wait3A_186 = arith.constant 0 : i32
      %dma_wait3A_187 = tpu.memref_slice %arg6[%add3A_185, %dma_wait3A_186] : memref<40x128xi32, #tpu.memory_space<vmem>> -> memref<1x128xi32, #tpu.memory_space<vmem>>
      %dma_wait3A_188 = tpu.memref_squeeze %dma_wait3A_187 : memref<1x128xi32, #tpu.memory_space<vmem>> -> memref<128xi32, #tpu.memory_space<vmem>>
      %dma_wait3A_189 = arith.constant 0 : i32
      %dma_wait3A_190 = arith.constant 0 : i32
      %dma_wait3A_191 = tpu.memref_slice %arg13[%dma_wait3A_189, %dma_wait3A_190] : memref<10240x64xf32, #tpu.memory_space<vmem_shared>> -> memref<10240x64xf32, #tpu.memory_space<vmem_shared>>
      tpu.wait_indirect_dma semaphore(%arg16 : memref<!tpu.dma_semaphore, #tpu.memory_space<semaphore_mem>>) src(%dma_wait3A_191 : memref<10240x64xf32, #tpu.memory_space<vmem_shared>>) dst(%arg9 : memref<128x64xf32, #tpu.memory_space<vmem>>)
      %add3A_192 = arith.constant 1 : i32
      %add3A_193 = arith.addi %add3A_168, %add3A_192 : i32
      %dma_start3A_194 = arith.constant 0 : i32
      %dma_start3A_195 = tpu.memref_slice %arg7[%add3A_193, %dma_start3A_194] : memref<40x128xi32, #tpu.memory_space<vmem>> -> memref<1x128xi32, #tpu.memory_space<vmem>>
      %dma_start3A_196 = tpu.memref_squeeze %dma_start3A_195 : memref<1x128xi32, #tpu.memory_space<vmem>> -> memref<128xi32, #tpu.memory_space<vmem>>
      %dma_start3A_197 = arith.constant 0 : i32
      %dma_start3A_198 = arith.constant 0 : i32
      %dma_start3A_199 = tpu.memref_slice %arg14[%dma_start3A_197, %dma_start3A_198] : memref<10240x64xf32, #tpu.memory_space<vmem_shared>> -> memref<10240x64xf32, #tpu.memory_space<vmem_shared>>
      tpu.enqueue_indirect_dma source(%arg9 : memref<128x64xf32, #tpu.memory_space<vmem>>) target(%dma_start3A_199 : memref<10240x64xf32, #tpu.memory_space<vmem_shared>>) offsets(%dma_start3A_196 : memref<128xi32, #tpu.memory_space<vmem>>) semaphore(%arg20 : memref<!tpu.dma_semaphore, #tpu.memory_space<semaphore_mem>>) {add = true}
      %add3A_200 = arith.constant 2 : i32
      %add3A_201 = arith.addi %add3A_168, %add3A_200 : i32
      %dma_wait3A_202 = arith.constant 0 : i32
      %dma_wait3A_203 = tpu.memref_slice %arg6[%add3A_201, %dma_wait3A_202] : memref<40x128xi32, #tpu.memory_space<vmem>> -> memref<1x128xi32, #tpu.memory_space<vmem>>
      %dma_wait3A_204 = tpu.memref_squeeze %dma_wait3A_203 : memref<1x128xi32, #tpu.memory_space<vmem>> -> memref<128xi32, #tpu.memory_space<vmem>>
      %dma_wait3A_205 = arith.constant 0 : i32
      %dma_wait3A_206 = arith.constant 0 : i32
      %dma_wait3A_207 = tpu.memref_slice %arg13[%dma_wait3A_205, %dma_wait3A_206] : memref<10240x64xf32, #tpu.memory_space<vmem_shared>> -> memref<10240x64xf32, #tpu.memory_space<vmem_shared>>
      tpu.wait_indirect_dma semaphore(%arg17 : memref<!tpu.dma_semaphore, #tpu.memory_space<semaphore_mem>>) src(%dma_wait3A_207 : memref<10240x64xf32, #tpu.memory_space<vmem_shared>>) dst(%arg10 : memref<128x64xf32, #tpu.memory_space<vmem>>)
      %add3A_208 = arith.constant 2 : i32
      %add3A_209 = arith.addi %add3A_168, %add3A_208 : i32
      %dma_start3A_210 = arith.constant 0 : i32
      %dma_start3A_211 = tpu.memref_slice %arg7[%add3A_209, %dma_start3A_210] : memref<40x128xi32, #tpu.memory_space<vmem>> -> memref<1x128xi32, #tpu.memory_space<vmem>>
      %dma_start3A_212 = tpu.memref_squeeze %dma_start3A_211 : memref<1x128xi32, #tpu.memory_space<vmem>> -> memref<128xi32, #tpu.memory_space<vmem>>
      %dma_start3A_213 = arith.constant 0 : i32
      %dma_start3A_214 = arith.constant 0 : i32
      %dma_start3A_215 = tpu.memref_slice %arg14[%dma_start3A_213, %dma_start3A_214] : memref<10240x64xf32, #tpu.memory_space<vmem_shared>> -> memref<10240x64xf32, #tpu.memory_space<vmem_shared>>
      tpu.enqueue_indirect_dma source(%arg10 : memref<128x64xf32, #tpu.memory_space<vmem>>) target(%dma_start3A_215 : memref<10240x64xf32, #tpu.memory_space<vmem_shared>>) offsets(%dma_start3A_212 : memref<128xi32, #tpu.memory_space<vmem>>) semaphore(%arg21 : memref<!tpu.dma_semaphore, #tpu.memory_space<semaphore_mem>>) {add = true}
      %add3A_216 = arith.constant 3 : i32
      %add3A_217 = arith.addi %add3A_168, %add3A_216 : i32
      %dma_wait3A_218 = arith.constant 0 : i32
      %dma_wait3A_219 = tpu.memref_slice %arg6[%add3A_217, %dma_wait3A_218] : memref<40x128xi32, #tpu.memory_space<vmem>> -> memref<1x128xi32, #tpu.memory_space<vmem>>
      %dma_wait3A_220 = tpu.memref_squeeze %dma_wait3A_219 : memref<1x128xi32, #tpu.memory_space<vmem>> -> memref<128xi32, #tpu.memory_space<vmem>>
      %dma_wait3A_221 = arith.constant 0 : i32
      %dma_wait3A_222 = arith.constant 0 : i32
      %dma_wait3A_223 = tpu.memref_slice %arg13[%dma_wait3A_221, %dma_wait3A_222] : memref<10240x64xf32, #tpu.memory_space<vmem_shared>> -> memref<10240x64xf32, #tpu.memory_space<vmem_shared>>
      tpu.wait_indirect_dma semaphore(%arg18 : memref<!tpu.dma_semaphore, #tpu.memory_space<semaphore_mem>>) src(%dma_wait3A_223 : memref<10240x64xf32, #tpu.memory_space<vmem_shared>>) dst(%arg11 : memref<128x64xf32, #tpu.memory_space<vmem>>)
      %add3A_224 = arith.constant 3 : i32
      %add3A_225 = arith.addi %add3A_168, %add3A_224 : i32
      %dma_start3A_226 = arith.constant 0 : i32
      %dma_start3A_227 = tpu.memref_slice %arg7[%add3A_225, %dma_start3A_226] : memref<40x128xi32, #tpu.memory_space<vmem>> -> memref<1x128xi32, #tpu.memory_space<vmem>>
      %dma_start3A_228 = tpu.memref_squeeze %dma_start3A_227 : memref<1x128xi32, #tpu.memory_space<vmem>> -> memref<128xi32, #tpu.memory_space<vmem>>
      %dma_start3A_229 = arith.constant 0 : i32
      %dma_start3A_230 = arith.constant 0 : i32
      %dma_start3A_231 = tpu.memref_slice %arg14[%dma_start3A_229, %dma_start3A_230] : memref<10240x64xf32, #tpu.memory_space<vmem_shared>> -> memref<10240x64xf32, #tpu.memory_space<vmem_shared>>
      tpu.enqueue_indirect_dma source(%arg11 : memref<128x64xf32, #tpu.memory_space<vmem>>) target(%dma_start3A_231 : memref<10240x64xf32, #tpu.memory_space<vmem_shared>>) offsets(%dma_start3A_228 : memref<128xi32, #tpu.memory_space<vmem>>) semaphore(%arg22 : memref<!tpu.dma_semaphore, #tpu.memory_space<semaphore_mem>>) {add = true}
      %add3A_232 = arith.constant 0 : i32
      %add3A_233 = arith.addi %add3A_168, %add3A_232 : i32
      %dma_wait3A_234 = arith.constant 0 : i32
      %dma_wait3A_235 = tpu.memref_slice %arg7[%add3A_233, %dma_wait3A_234] : memref<40x128xi32, #tpu.memory_space<vmem>> -> memref<1x128xi32, #tpu.memory_space<vmem>>
      %dma_wait3A_236 = tpu.memref_squeeze %dma_wait3A_235 : memref<1x128xi32, #tpu.memory_space<vmem>> -> memref<128xi32, #tpu.memory_space<vmem>>
      %dma_wait3A_237 = arith.constant 0 : i32
      %dma_wait3A_238 = arith.constant 0 : i32
      %dma_wait3A_239 = tpu.memref_slice %arg14[%dma_wait3A_237, %dma_wait3A_238] : memref<10240x64xf32, #tpu.memory_space<vmem_shared>> -> memref<10240x64xf32, #tpu.memory_space<vmem_shared>>
      tpu.wait_indirect_dma semaphore(%arg19 : memref<!tpu.dma_semaphore, #tpu.memory_space<semaphore_mem>>) src(%arg8 : memref<128x64xf32, #tpu.memory_space<vmem>>) dst(%dma_wait3A_239 : memref<10240x64xf32, #tpu.memory_space<vmem_shared>>)
      %add3A_240 = arith.constant 4 : i32
      %add3A_241 = arith.addi %add3A_168, %add3A_240 : i32
      %add3A_242 = arith.constant 0 : i32
      %add3A_243 = arith.addi %add3A_241, %add3A_242 : i32
      %lt3A = arith.constant 40 : i32
      %lt3A_244 = arith.cmpi slt, %add3A_243, %lt3A : i32
      %convert_element_type3A = arith.extui %lt3A_244 : i1 to i32
      %cond3A = arith.constant 0 : i32
      %cond3A_245 = arith.cmpi ne, %convert_element_type3A, %cond3A : i32
      scf.if %cond3A_245 {
        %add3A_297 = arith.constant 4 : i32
        %add3A_298 = arith.addi %add3A_168, %add3A_297 : i32
        %add3A_299 = arith.constant 0 : i32
        %add3A_300 = arith.addi %add3A_298, %add3A_299 : i32
        %dma_start3A_301 = arith.constant 0 : i32
        %dma_start3A_302 = tpu.memref_slice %arg6[%add3A_300, %dma_start3A_301] : memref<40x128xi32, #tpu.memory_space<vmem>> -> memref<1x128xi32, #tpu.memory_space<vmem>>
        %dma_start3A_303 = tpu.memref_squeeze %dma_start3A_302 : memref<1x128xi32, #tpu.memory_space<vmem>> -> memref<128xi32, #tpu.memory_space<vmem>>
        %dma_start3A_304 = arith.constant 0 : i32
        %dma_start3A_305 = arith.constant 0 : i32
        %dma_start3A_306 = tpu.memref_slice %arg13[%dma_start3A_304, %dma_start3A_305] : memref<10240x64xf32, #tpu.memory_space<vmem_shared>> -> memref<10240x64xf32, #tpu.memory_space<vmem_shared>>
        tpu.enqueue_indirect_dma source(%dma_start3A_306 : memref<10240x64xf32, #tpu.memory_space<vmem_shared>>) target(%arg8 : memref<128x64xf32, #tpu.memory_space<vmem>>) offsets(%dma_start3A_303 : memref<128xi32, #tpu.memory_space<vmem>>) semaphore(%arg15 : memref<!tpu.dma_semaphore, #tpu.memory_space<semaphore_mem>>)
      } else {
      }
      %add3A_246 = arith.constant 1 : i32
      %add3A_247 = arith.addi %add3A_168, %add3A_246 : i32
      %dma_wait3A_248 = arith.constant 0 : i32
      %dma_wait3A_249 = tpu.memref_slice %arg7[%add3A_247, %dma_wait3A_248] : memref<40x128xi32, #tpu.memory_space<vmem>> -> memref<1x128xi32, #tpu.memory_space<vmem>>
      %dma_wait3A_250 = tpu.memref_squeeze %dma_wait3A_249 : memref<1x128xi32, #tpu.memory_space<vmem>> -> memref<128xi32, #tpu.memory_space<vmem>>
      %dma_wait3A_251 = arith.constant 0 : i32
      %dma_wait3A_252 = arith.constant 0 : i32
      %dma_wait3A_253 = tpu.memref_slice %arg14[%dma_wait3A_251, %dma_wait3A_252] : memref<10240x64xf32, #tpu.memory_space<vmem_shared>> -> memref<10240x64xf32, #tpu.memory_space<vmem_shared>>
      tpu.wait_indirect_dma semaphore(%arg20 : memref<!tpu.dma_semaphore, #tpu.memory_space<semaphore_mem>>) src(%arg9 : memref<128x64xf32, #tpu.memory_space<vmem>>) dst(%dma_wait3A_253 : memref<10240x64xf32, #tpu.memory_space<vmem_shared>>)
      %add3A_254 = arith.constant 4 : i32
      %add3A_255 = arith.addi %add3A_168, %add3A_254 : i32
      %add3A_256 = arith.constant 1 : i32
      %add3A_257 = arith.addi %add3A_255, %add3A_256 : i32
      %lt3A_258 = arith.constant 40 : i32
      %lt3A_259 = arith.cmpi slt, %add3A_257, %lt3A_258 : i32
      %convert_element_type3A_260 = arith.extui %lt3A_259 : i1 to i32
      %cond3A_261 = arith.constant 0 : i32
      %cond3A_262 = arith.cmpi ne, %convert_element_type3A_260, %cond3A_261 : i32
      scf.if %cond3A_262 {
        %add3A_297 = arith.constant 4 : i32
        %add3A_298 = arith.addi %add3A_168, %add3A_297 : i32
        %add3A_299 = arith.constant 1 : i32
        %add3A_300 = arith.addi %add3A_298, %add3A_299 : i32
        %dma_start3A_301 = arith.constant 0 : i32
        %dma_start3A_302 = tpu.memref_slice %arg6[%add3A_300, %dma_start3A_301] : memref<40x128xi32, #tpu.memory_space<vmem>> -> memref<1x128xi32, #tpu.memory_space<vmem>>
        %dma_start3A_303 = tpu.memref_squeeze %dma_start3A_302 : memref<1x128xi32, #tpu.memory_space<vmem>> -> memref<128xi32, #tpu.memory_space<vmem>>
        %dma_start3A_304 = arith.constant 0 : i32
        %dma_start3A_305 = arith.constant 0 : i32
        %dma_start3A_306 = tpu.memref_slice %arg13[%dma_start3A_304, %dma_start3A_305] : memref<10240x64xf32, #tpu.memory_space<vmem_shared>> -> memref<10240x64xf32, #tpu.memory_space<vmem_shared>>
        tpu.enqueue_indirect_dma source(%dma_start3A_306 : memref<10240x64xf32, #tpu.memory_space<vmem_shared>>) target(%arg9 : memref<128x64xf32, #tpu.memory_space<vmem>>) offsets(%dma_start3A_303 : memref<128xi32, #tpu.memory_space<vmem>>) semaphore(%arg16 : memref<!tpu.dma_semaphore, #tpu.memory_space<semaphore_mem>>)
      } else {
      }
      %add3A_263 = arith.constant 2 : i32
      %add3A_264 = arith.addi %add3A_168, %add3A_263 : i32
      %dma_wait3A_265 = arith.constant 0 : i32
      %dma_wait3A_266 = tpu.memref_slice %arg7[%add3A_264, %dma_wait3A_265] : memref<40x128xi32, #tpu.memory_space<vmem>> -> memref<1x128xi32, #tpu.memory_space<vmem>>
      %dma_wait3A_267 = tpu.memref_squeeze %dma_wait3A_266 : memref<1x128xi32, #tpu.memory_space<vmem>> -> memref<128xi32, #tpu.memory_space<vmem>>
      %dma_wait3A_268 = arith.constant 0 : i32
      %dma_wait3A_269 = arith.constant 0 : i32
      %dma_wait3A_270 = tpu.memref_slice %arg14[%dma_wait3A_268, %dma_wait3A_269] : memref<10240x64xf32, #tpu.memory_space<vmem_shared>> -> memref<10240x64xf32, #tpu.memory_space<vmem_shared>>
      tpu.wait_indirect_dma semaphore(%arg21 : memref<!tpu.dma_semaphore, #tpu.memory_space<semaphore_mem>>) src(%arg10 : memref<128x64xf32, #tpu.memory_space<vmem>>) dst(%dma_wait3A_270 : memref<10240x64xf32, #tpu.memory_space<vmem_shared>>)
      %add3A_271 = arith.constant 4 : i32
      %add3A_272 = arith.addi %add3A_168, %add3A_271 : i32
      %add3A_273 = arith.constant 2 : i32
      %add3A_274 = arith.addi %add3A_272, %add3A_273 : i32
      %lt3A_275 = arith.constant 40 : i32
      %lt3A_276 = arith.cmpi slt, %add3A_274, %lt3A_275 : i32
      %convert_element_type3A_277 = arith.extui %lt3A_276 : i1 to i32
      %cond3A_278 = arith.constant 0 : i32
      %cond3A_279 = arith.cmpi ne, %convert_element_type3A_277, %cond3A_278 : i32
      scf.if %cond3A_279 {
        %add3A_297 = arith.constant 4 : i32
        %add3A_298 = arith.addi %add3A_168, %add3A_297 : i32
        %add3A_299 = arith.constant 2 : i32
        %add3A_300 = arith.addi %add3A_298, %add3A_299 : i32
        %dma_start3A_301 = arith.constant 0 : i32
        %dma_start3A_302 = tpu.memref_slice %arg6[%add3A_300, %dma_start3A_301] : memref<40x128xi32, #tpu.memory_space<vmem>> -> memref<1x128xi32, #tpu.memory_space<vmem>>
        %dma_start3A_303 = tpu.memref_squeeze %dma_start3A_302 : memref<1x128xi32, #tpu.memory_space<vmem>> -> memref<128xi32, #tpu.memory_space<vmem>>
        %dma_start3A_304 = arith.constant 0 : i32
        %dma_start3A_305 = arith.constant 0 : i32
        %dma_start3A_306 = tpu.memref_slice %arg13[%dma_start3A_304, %dma_start3A_305] : memref<10240x64xf32, #tpu.memory_space<vmem_shared>> -> memref<10240x64xf32, #tpu.memory_space<vmem_shared>>
        tpu.enqueue_indirect_dma source(%dma_start3A_306 : memref<10240x64xf32, #tpu.memory_space<vmem_shared>>) target(%arg10 : memref<128x64xf32, #tpu.memory_space<vmem>>) offsets(%dma_start3A_303 : memref<128xi32, #tpu.memory_space<vmem>>) semaphore(%arg17 : memref<!tpu.dma_semaphore, #tpu.memory_space<semaphore_mem>>)
      } else {
      }
      %add3A_280 = arith.constant 3 : i32
      %add3A_281 = arith.addi %add3A_168, %add3A_280 : i32
      %dma_wait3A_282 = arith.constant 0 : i32
      %dma_wait3A_283 = tpu.memref_slice %arg7[%add3A_281, %dma_wait3A_282] : memref<40x128xi32, #tpu.memory_space<vmem>> -> memref<1x128xi32, #tpu.memory_space<vmem>>
      %dma_wait3A_284 = tpu.memref_squeeze %dma_wait3A_283 : memref<1x128xi32, #tpu.memory_space<vmem>> -> memref<128xi32, #tpu.memory_space<vmem>>
      %dma_wait3A_285 = arith.constant 0 : i32
      %dma_wait3A_286 = arith.constant 0 : i32
      %dma_wait3A_287 = tpu.memref_slice %arg14[%dma_wait3A_285, %dma_wait3A_286] : memref<10240x64xf32, #tpu.memory_space<vmem_shared>> -> memref<10240x64xf32, #tpu.memory_space<vmem_shared>>
      tpu.wait_indirect_dma semaphore(%arg22 : memref<!tpu.dma_semaphore, #tpu.memory_space<semaphore_mem>>) src(%arg11 : memref<128x64xf32, #tpu.memory_space<vmem>>) dst(%dma_wait3A_287 : memref<10240x64xf32, #tpu.memory_space<vmem_shared>>)
      %add3A_288 = arith.constant 4 : i32
      %add3A_289 = arith.addi %add3A_168, %add3A_288 : i32
      %add3A_290 = arith.constant 3 : i32
      %add3A_291 = arith.addi %add3A_289, %add3A_290 : i32
      %lt3A_292 = arith.constant 40 : i32
      %lt3A_293 = arith.cmpi slt, %add3A_291, %lt3A_292 : i32
      %convert_element_type3A_294 = arith.extui %lt3A_293 : i1 to i32
      %cond3A_295 = arith.constant 0 : i32
      %cond3A_296 = arith.cmpi ne, %convert_element_type3A_294, %cond3A_295 : i32
      scf.if %cond3A_296 {
        %add3A_297 = arith.constant 4 : i32
        %add3A_298 = arith.addi %add3A_168, %add3A_297 : i32
        %add3A_299 = arith.constant 3 : i32
        %add3A_300 = arith.addi %add3A_298, %add3A_299 : i32
        %dma_start3A_301 = arith.constant 0 : i32
        %dma_start3A_302 = tpu.memref_slice %arg6[%add3A_300, %dma_start3A_301] : memref<40x128xi32, #tpu.memory_space<vmem>> -> memref<1x128xi32, #tpu.memory_space<vmem>>
        %dma_start3A_303 = tpu.memref_squeeze %dma_start3A_302 : memref<1x128xi32, #tpu.memory_space<vmem>> -> memref<128xi32, #tpu.memory_space<vmem>>
        %dma_start3A_304 = arith.constant 0 : i32
        %dma_start3A_305 = arith.constant 0 : i32
        %dma_start3A_306 = tpu.memref_slice %arg13[%dma_start3A_304, %dma_start3A_305] : memref<10240x64xf32, #tpu.memory_space<vmem_shared>> -> memref<10240x64xf32, #tpu.memory_space<vmem_shared>>
        tpu.enqueue_indirect_dma source(%dma_start3A_306 : memref<10240x64xf32, #tpu.memory_space<vmem_shared>>) target(%arg11 : memref<128x64xf32, #tpu.memory_space<vmem>>) offsets(%dma_start3A_303 : memref<128xi32, #tpu.memory_space<vmem>>) semaphore(%arg18 : memref<!tpu.dma_semaphore, #tpu.memory_space<semaphore_mem>>)
      } else {
      }
    }
    %scan3A_47 = arith.constant 10 : i32
    %mul3A_48 = arith.constant 160 : i32
    %mul3A_49 = arith.muli %arg1, %mul3A_48 : i32
    %add3A_50 = arith.constant 40 : i32
    %add3A_51 = arith.addi %mul3A_49, %add3A_50 : i32
    "tpu.region"() ({
      %run_scoped3A = tpu.sem_alloc : memref<!tpu.dma_semaphore, #tpu.memory_space<semaphore_mem>>
      %dma_start3A_164 = arith.constant 0 : i32
      %dma_start3A_165 = tpu.memref_slice %arg3[%add3A_51, %dma_start3A_164] : memref<2560x128xi32, #tpu.memory_space<hbm>> -> memref<40x128xi32, #tpu.memory_space<hbm>>
      %dma_start3A_166 = arith.constant 0 : i32
      %dma_start3A_167 = tpu.memref_slice %arg3[%add3A_51, %dma_start3A_166] : memref<2560x128xi32, #tpu.memory_space<hbm>> -> memref<40x128xi32, #tpu.memory_space<hbm>>
      tpu.enqueue_dma source(%dma_start3A_167 : memref<40x128xi32, #tpu.memory_space<hbm>>) target(%arg6 : memref<40x128xi32, #tpu.memory_space<vmem>>) target_semaphore(%run_scoped3A : memref<!tpu.dma_semaphore, #tpu.memory_space<semaphore_mem>>)
      %dma_wait3A = arith.constant 0 : i32
      %dma_wait3A_168 = tpu.memref_slice %arg3[%add3A_51, %dma_wait3A] : memref<2560x128xi32, #tpu.memory_space<hbm>> -> memref<40x128xi32, #tpu.memory_space<hbm>>
      %dma_wait3A_169 = arith.constant 0 : i32
      %dma_wait3A_170 = tpu.memref_slice %arg3[%add3A_51, %dma_wait3A_169] : memref<2560x128xi32, #tpu.memory_space<hbm>> -> memref<40x128xi32, #tpu.memory_space<hbm>>
      tpu.wait_dma2 semaphore(%run_scoped3A : memref<!tpu.dma_semaphore, #tpu.memory_space<semaphore_mem>>) src(%dma_wait3A_170 : memref<40x128xi32, #tpu.memory_space<hbm>>) dst(%arg6 : memref<40x128xi32, #tpu.memory_space<vmem>>)
      tpu.yield
    }) : () -> ()
    "tpu.region"() ({
      %run_scoped3A = tpu.sem_alloc : memref<!tpu.dma_semaphore, #tpu.memory_space<semaphore_mem>>
      %dma_start3A_164 = arith.constant 0 : i32
      %dma_start3A_165 = tpu.memref_slice %arg4[%add3A_51, %dma_start3A_164] : memref<2560x128xi32, #tpu.memory_space<hbm>> -> memref<40x128xi32, #tpu.memory_space<hbm>>
      %dma_start3A_166 = arith.constant 0 : i32
      %dma_start3A_167 = tpu.memref_slice %arg4[%add3A_51, %dma_start3A_166] : memref<2560x128xi32, #tpu.memory_space<hbm>> -> memref<40x128xi32, #tpu.memory_space<hbm>>
      tpu.enqueue_dma source(%dma_start3A_167 : memref<40x128xi32, #tpu.memory_space<hbm>>) target(%arg7 : memref<40x128xi32, #tpu.memory_space<vmem>>) target_semaphore(%run_scoped3A : memref<!tpu.dma_semaphore, #tpu.memory_space<semaphore_mem>>)
      %dma_wait3A = arith.constant 0 : i32
      %dma_wait3A_168 = tpu.memref_slice %arg4[%add3A_51, %dma_wait3A] : memref<2560x128xi32, #tpu.memory_space<hbm>> -> memref<40x128xi32, #tpu.memory_space<hbm>>
      %dma_wait3A_169 = arith.constant 0 : i32
      %dma_wait3A_170 = tpu.memref_slice %arg4[%add3A_51, %dma_wait3A_169] : memref<2560x128xi32, #tpu.memory_space<hbm>> -> memref<40x128xi32, #tpu.memory_space<hbm>>
      tpu.wait_dma2 semaphore(%run_scoped3A : memref<!tpu.dma_semaphore, #tpu.memory_space<semaphore_mem>>) src(%dma_wait3A_170 : memref<40x128xi32, #tpu.memory_space<hbm>>) dst(%arg7 : memref<40x128xi32, #tpu.memory_space<vmem>>)
      tpu.yield
    }) : () -> ()
    %dma_start3A_52 = arith.constant 0 : i32
    %dma_start3A_53 = arith.constant 0 : i32
    %dma_start3A_54 = tpu.memref_slice %arg6[%dma_start3A_52, %dma_start3A_53] : memref<40x128xi32, #tpu.memory_space<vmem>> -> memref<1x128xi32, #tpu.memory_space<vmem>>
    %dma_start3A_55 = tpu.memref_squeeze %dma_start3A_54 : memref<1x128xi32, #tpu.memory_space<vmem>> -> memref<128xi32, #tpu.memory_space<vmem>>
    %dma_start3A_56 = arith.constant 0 : i32
    %dma_start3A_57 = arith.constant 0 : i32
    %dma_start3A_58 = tpu.memref_slice %arg13[%dma_start3A_56, %dma_start3A_57] : memref<10240x64xf32, #tpu.memory_space<vmem_shared>> -> memref<10240x64xf32, #tpu.memory_space<vmem_shared>>
    tpu.enqueue_indirect_dma source(%dma_start3A_58 : memref<10240x64xf32, #tpu.memory_space<vmem_shared>>) target(%arg8 : memref<128x64xf32, #tpu.memory_space<vmem>>) offsets(%dma_start3A_55 : memref<128xi32, #tpu.memory_space<vmem>>) semaphore(%arg15 : memref<!tpu.dma_semaphore, #tpu.memory_space<semaphore_mem>>)
    %dma_start3A_59 = arith.constant 1 : i32
    %dma_start3A_60 = arith.constant 0 : i32
    %dma_start3A_61 = tpu.memref_slice %arg6[%dma_start3A_59, %dma_start3A_60] : memref<40x128xi32, #tpu.memory_space<vmem>> -> memref<1x128xi32, #tpu.memory_space<vmem>>
    %dma_start3A_62 = tpu.memref_squeeze %dma_start3A_61 : memref<1x128xi32, #tpu.memory_space<vmem>> -> memref<128xi32, #tpu.memory_space<vmem>>
    %dma_start3A_63 = arith.constant 0 : i32
    %dma_start3A_64 = arith.constant 0 : i32
    %dma_start3A_65 = tpu.memref_slice %arg13[%dma_start3A_63, %dma_start3A_64] : memref<10240x64xf32, #tpu.memory_space<vmem_shared>> -> memref<10240x64xf32, #tpu.memory_space<vmem_shared>>
    tpu.enqueue_indirect_dma source(%dma_start3A_65 : memref<10240x64xf32, #tpu.memory_space<vmem_shared>>) target(%arg9 : memref<128x64xf32, #tpu.memory_space<vmem>>) offsets(%dma_start3A_62 : memref<128xi32, #tpu.memory_space<vmem>>) semaphore(%arg16 : memref<!tpu.dma_semaphore, #tpu.memory_space<semaphore_mem>>)
    %dma_start3A_66 = arith.constant 2 : i32
    %dma_start3A_67 = arith.constant 0 : i32
    %dma_start3A_68 = tpu.memref_slice %arg6[%dma_start3A_66, %dma_start3A_67] : memref<40x128xi32, #tpu.memory_space<vmem>> -> memref<1x128xi32, #tpu.memory_space<vmem>>
    %dma_start3A_69 = tpu.memref_squeeze %dma_start3A_68 : memref<1x128xi32, #tpu.memory_space<vmem>> -> memref<128xi32, #tpu.memory_space<vmem>>
    %dma_start3A_70 = arith.constant 0 : i32
    %dma_start3A_71 = arith.constant 0 : i32
    %dma_start3A_72 = tpu.memref_slice %arg13[%dma_start3A_70, %dma_start3A_71] : memref<10240x64xf32, #tpu.memory_space<vmem_shared>> -> memref<10240x64xf32, #tpu.memory_space<vmem_shared>>
    tpu.enqueue_indirect_dma source(%dma_start3A_72 : memref<10240x64xf32, #tpu.memory_space<vmem_shared>>) target(%arg10 : memref<128x64xf32, #tpu.memory_space<vmem>>) offsets(%dma_start3A_69 : memref<128xi32, #tpu.memory_space<vmem>>) semaphore(%arg17 : memref<!tpu.dma_semaphore, #tpu.memory_space<semaphore_mem>>)
    %dma_start3A_73 = arith.constant 3 : i32
    %dma_start3A_74 = arith.constant 0 : i32
    %dma_start3A_75 = tpu.memref_slice %arg6[%dma_start3A_73, %dma_start3A_74] : memref<40x128xi32, #tpu.memory_space<vmem>> -> memref<1x128xi32, #tpu.memory_space<vmem>>
    %dma_start3A_76 = tpu.memref_squeeze %dma_start3A_75 : memref<1x128xi32, #tpu.memory_space<vmem>> -> memref<128xi32, #tpu.memory_space<vmem>>
    %dma_start3A_77 = arith.constant 0 : i32
    %dma_start3A_78 = arith.constant 0 : i32
    %dma_start3A_79 = tpu.memref_slice %arg13[%dma_start3A_77, %dma_start3A_78] : memref<10240x64xf32, #tpu.memory_space<vmem_shared>> -> memref<10240x64xf32, #tpu.memory_space<vmem_shared>>
    tpu.enqueue_indirect_dma source(%dma_start3A_79 : memref<10240x64xf32, #tpu.memory_space<vmem_shared>>) target(%arg11 : memref<128x64xf32, #tpu.memory_space<vmem>>) offsets(%dma_start3A_76 : memref<128xi32, #tpu.memory_space<vmem>>) semaphore(%arg18 : memref<!tpu.dma_semaphore, #tpu.memory_space<semaphore_mem>>)
    %scan3A_80 = arith.constant 0 : i32
    %scan3A_81 = arith.constant 10 : i32
    %scan3A_82 = arith.addi %scan3A_80, %scan3A_81 : i32
    %scan3A_83 = arith.constant 1 : i32
    scf.for %scan3A_164 = %scan3A_80 to %scan3A_82 step %scan3A_83  : i32 {
      %mul3A_165 = arith.constant 4 : i32
      %mul3A_166 = arith.muli %scan3A_164, %mul3A_165 : i32
      %add3A_167 = arith.constant 0 : i32
      %add3A_168 = arith.addi %add3A_167, %mul3A_166 : i32
      %add3A_169 = arith.constant 0 : i32
      %add3A_170 = arith.addi %add3A_168, %add3A_169 : i32
      %dma_wait3A = arith.constant 0 : i32
      %dma_wait3A_171 = tpu.memref_slice %arg6[%add3A_170, %dma_wait3A] : memref<40x128xi32, #tpu.memory_space<vmem>> -> memref<1x128xi32, #tpu.memory_space<vmem>>
      %dma_wait3A_172 = tpu.memref_squeeze %dma_wait3A_171 : memref<1x128xi32, #tpu.memory_space<vmem>> -> memref<128xi32, #tpu.memory_space<vmem>>
      %dma_wait3A_173 = arith.constant 0 : i32
      %dma_wait3A_174 = arith.constant 0 : i32
      %dma_wait3A_175 = tpu.memref_slice %arg13[%dma_wait3A_173, %dma_wait3A_174] : memref<10240x64xf32, #tpu.memory_space<vmem_shared>> -> memref<10240x64xf32, #tpu.memory_space<vmem_shared>>
      tpu.wait_indirect_dma semaphore(%arg15 : memref<!tpu.dma_semaphore, #tpu.memory_space<semaphore_mem>>) src(%dma_wait3A_175 : memref<10240x64xf32, #tpu.memory_space<vmem_shared>>) dst(%arg8 : memref<128x64xf32, #tpu.memory_space<vmem>>)
      %add3A_176 = arith.constant 0 : i32
      %add3A_177 = arith.addi %add3A_168, %add3A_176 : i32
      %dma_start3A_178 = arith.constant 0 : i32
      %dma_start3A_179 = tpu.memref_slice %arg7[%add3A_177, %dma_start3A_178] : memref<40x128xi32, #tpu.memory_space<vmem>> -> memref<1x128xi32, #tpu.memory_space<vmem>>
      %dma_start3A_180 = tpu.memref_squeeze %dma_start3A_179 : memref<1x128xi32, #tpu.memory_space<vmem>> -> memref<128xi32, #tpu.memory_space<vmem>>
      %dma_start3A_181 = arith.constant 0 : i32
      %dma_start3A_182 = arith.constant 0 : i32
      %dma_start3A_183 = tpu.memref_slice %arg14[%dma_start3A_181, %dma_start3A_182] : memref<10240x64xf32, #tpu.memory_space<vmem_shared>> -> memref<10240x64xf32, #tpu.memory_space<vmem_shared>>
      tpu.enqueue_indirect_dma source(%arg8 : memref<128x64xf32, #tpu.memory_space<vmem>>) target(%dma_start3A_183 : memref<10240x64xf32, #tpu.memory_space<vmem_shared>>) offsets(%dma_start3A_180 : memref<128xi32, #tpu.memory_space<vmem>>) semaphore(%arg19 : memref<!tpu.dma_semaphore, #tpu.memory_space<semaphore_mem>>) {add = true}
      %add3A_184 = arith.constant 1 : i32
      %add3A_185 = arith.addi %add3A_168, %add3A_184 : i32
      %dma_wait3A_186 = arith.constant 0 : i32
      %dma_wait3A_187 = tpu.memref_slice %arg6[%add3A_185, %dma_wait3A_186] : memref<40x128xi32, #tpu.memory_space<vmem>> -> memref<1x128xi32, #tpu.memory_space<vmem>>
      %dma_wait3A_188 = tpu.memref_squeeze %dma_wait3A_187 : memref<1x128xi32, #tpu.memory_space<vmem>> -> memref<128xi32, #tpu.memory_space<vmem>>
      %dma_wait3A_189 = arith.constant 0 : i32
      %dma_wait3A_190 = arith.constant 0 : i32
      %dma_wait3A_191 = tpu.memref_slice %arg13[%dma_wait3A_189, %dma_wait3A_190] : memref<10240x64xf32, #tpu.memory_space<vmem_shared>> -> memref<10240x64xf32, #tpu.memory_space<vmem_shared>>
      tpu.wait_indirect_dma semaphore(%arg16 : memref<!tpu.dma_semaphore, #tpu.memory_space<semaphore_mem>>) src(%dma_wait3A_191 : memref<10240x64xf32, #tpu.memory_space<vmem_shared>>) dst(%arg9 : memref<128x64xf32, #tpu.memory_space<vmem>>)
      %add3A_192 = arith.constant 1 : i32
      %add3A_193 = arith.addi %add3A_168, %add3A_192 : i32
      %dma_start3A_194 = arith.constant 0 : i32
      %dma_start3A_195 = tpu.memref_slice %arg7[%add3A_193, %dma_start3A_194] : memref<40x128xi32, #tpu.memory_space<vmem>> -> memref<1x128xi32, #tpu.memory_space<vmem>>
      %dma_start3A_196 = tpu.memref_squeeze %dma_start3A_195 : memref<1x128xi32, #tpu.memory_space<vmem>> -> memref<128xi32, #tpu.memory_space<vmem>>
      %dma_start3A_197 = arith.constant 0 : i32
      %dma_start3A_198 = arith.constant 0 : i32
      %dma_start3A_199 = tpu.memref_slice %arg14[%dma_start3A_197, %dma_start3A_198] : memref<10240x64xf32, #tpu.memory_space<vmem_shared>> -> memref<10240x64xf32, #tpu.memory_space<vmem_shared>>
      tpu.enqueue_indirect_dma source(%arg9 : memref<128x64xf32, #tpu.memory_space<vmem>>) target(%dma_start3A_199 : memref<10240x64xf32, #tpu.memory_space<vmem_shared>>) offsets(%dma_start3A_196 : memref<128xi32, #tpu.memory_space<vmem>>) semaphore(%arg20 : memref<!tpu.dma_semaphore, #tpu.memory_space<semaphore_mem>>) {add = true}
      %add3A_200 = arith.constant 2 : i32
      %add3A_201 = arith.addi %add3A_168, %add3A_200 : i32
      %dma_wait3A_202 = arith.constant 0 : i32
      %dma_wait3A_203 = tpu.memref_slice %arg6[%add3A_201, %dma_wait3A_202] : memref<40x128xi32, #tpu.memory_space<vmem>> -> memref<1x128xi32, #tpu.memory_space<vmem>>
      %dma_wait3A_204 = tpu.memref_squeeze %dma_wait3A_203 : memref<1x128xi32, #tpu.memory_space<vmem>> -> memref<128xi32, #tpu.memory_space<vmem>>
      %dma_wait3A_205 = arith.constant 0 : i32
      %dma_wait3A_206 = arith.constant 0 : i32
      %dma_wait3A_207 = tpu.memref_slice %arg13[%dma_wait3A_205, %dma_wait3A_206] : memref<10240x64xf32, #tpu.memory_space<vmem_shared>> -> memref<10240x64xf32, #tpu.memory_space<vmem_shared>>
      tpu.wait_indirect_dma semaphore(%arg17 : memref<!tpu.dma_semaphore, #tpu.memory_space<semaphore_mem>>) src(%dma_wait3A_207 : memref<10240x64xf32, #tpu.memory_space<vmem_shared>>) dst(%arg10 : memref<128x64xf32, #tpu.memory_space<vmem>>)
      %add3A_208 = arith.constant 2 : i32
      %add3A_209 = arith.addi %add3A_168, %add3A_208 : i32
      %dma_start3A_210 = arith.constant 0 : i32
      %dma_start3A_211 = tpu.memref_slice %arg7[%add3A_209, %dma_start3A_210] : memref<40x128xi32, #tpu.memory_space<vmem>> -> memref<1x128xi32, #tpu.memory_space<vmem>>
      %dma_start3A_212 = tpu.memref_squeeze %dma_start3A_211 : memref<1x128xi32, #tpu.memory_space<vmem>> -> memref<128xi32, #tpu.memory_space<vmem>>
      %dma_start3A_213 = arith.constant 0 : i32
      %dma_start3A_214 = arith.constant 0 : i32
      %dma_start3A_215 = tpu.memref_slice %arg14[%dma_start3A_213, %dma_start3A_214] : memref<10240x64xf32, #tpu.memory_space<vmem_shared>> -> memref<10240x64xf32, #tpu.memory_space<vmem_shared>>
      tpu.enqueue_indirect_dma source(%arg10 : memref<128x64xf32, #tpu.memory_space<vmem>>) target(%dma_start3A_215 : memref<10240x64xf32, #tpu.memory_space<vmem_shared>>) offsets(%dma_start3A_212 : memref<128xi32, #tpu.memory_space<vmem>>) semaphore(%arg21 : memref<!tpu.dma_semaphore, #tpu.memory_space<semaphore_mem>>) {add = true}
      %add3A_216 = arith.constant 3 : i32
      %add3A_217 = arith.addi %add3A_168, %add3A_216 : i32
      %dma_wait3A_218 = arith.constant 0 : i32
      %dma_wait3A_219 = tpu.memref_slice %arg6[%add3A_217, %dma_wait3A_218] : memref<40x128xi32, #tpu.memory_space<vmem>> -> memref<1x128xi32, #tpu.memory_space<vmem>>
      %dma_wait3A_220 = tpu.memref_squeeze %dma_wait3A_219 : memref<1x128xi32, #tpu.memory_space<vmem>> -> memref<128xi32, #tpu.memory_space<vmem>>
      %dma_wait3A_221 = arith.constant 0 : i32
      %dma_wait3A_222 = arith.constant 0 : i32
      %dma_wait3A_223 = tpu.memref_slice %arg13[%dma_wait3A_221, %dma_wait3A_222] : memref<10240x64xf32, #tpu.memory_space<vmem_shared>> -> memref<10240x64xf32, #tpu.memory_space<vmem_shared>>
      tpu.wait_indirect_dma semaphore(%arg18 : memref<!tpu.dma_semaphore, #tpu.memory_space<semaphore_mem>>) src(%dma_wait3A_223 : memref<10240x64xf32, #tpu.memory_space<vmem_shared>>) dst(%arg11 : memref<128x64xf32, #tpu.memory_space<vmem>>)
      %add3A_224 = arith.constant 3 : i32
      %add3A_225 = arith.addi %add3A_168, %add3A_224 : i32
      %dma_start3A_226 = arith.constant 0 : i32
      %dma_start3A_227 = tpu.memref_slice %arg7[%add3A_225, %dma_start3A_226] : memref<40x128xi32, #tpu.memory_space<vmem>> -> memref<1x128xi32, #tpu.memory_space<vmem>>
      %dma_start3A_228 = tpu.memref_squeeze %dma_start3A_227 : memref<1x128xi32, #tpu.memory_space<vmem>> -> memref<128xi32, #tpu.memory_space<vmem>>
      %dma_start3A_229 = arith.constant 0 : i32
      %dma_start3A_230 = arith.constant 0 : i32
      %dma_start3A_231 = tpu.memref_slice %arg14[%dma_start3A_229, %dma_start3A_230] : memref<10240x64xf32, #tpu.memory_space<vmem_shared>> -> memref<10240x64xf32, #tpu.memory_space<vmem_shared>>
      tpu.enqueue_indirect_dma source(%arg11 : memref<128x64xf32, #tpu.memory_space<vmem>>) target(%dma_start3A_231 : memref<10240x64xf32, #tpu.memory_space<vmem_shared>>) offsets(%dma_start3A_228 : memref<128xi32, #tpu.memory_space<vmem>>) semaphore(%arg22 : memref<!tpu.dma_semaphore, #tpu.memory_space<semaphore_mem>>) {add = true}
      %add3A_232 = arith.constant 0 : i32
      %add3A_233 = arith.addi %add3A_168, %add3A_232 : i32
      %dma_wait3A_234 = arith.constant 0 : i32
      %dma_wait3A_235 = tpu.memref_slice %arg7[%add3A_233, %dma_wait3A_234] : memref<40x128xi32, #tpu.memory_space<vmem>> -> memref<1x128xi32, #tpu.memory_space<vmem>>
      %dma_wait3A_236 = tpu.memref_squeeze %dma_wait3A_235 : memref<1x128xi32, #tpu.memory_space<vmem>> -> memref<128xi32, #tpu.memory_space<vmem>>
      %dma_wait3A_237 = arith.constant 0 : i32
      %dma_wait3A_238 = arith.constant 0 : i32
      %dma_wait3A_239 = tpu.memref_slice %arg14[%dma_wait3A_237, %dma_wait3A_238] : memref<10240x64xf32, #tpu.memory_space<vmem_shared>> -> memref<10240x64xf32, #tpu.memory_space<vmem_shared>>
      tpu.wait_indirect_dma semaphore(%arg19 : memref<!tpu.dma_semaphore, #tpu.memory_space<semaphore_mem>>) src(%arg8 : memref<128x64xf32, #tpu.memory_space<vmem>>) dst(%dma_wait3A_239 : memref<10240x64xf32, #tpu.memory_space<vmem_shared>>)
      %add3A_240 = arith.constant 4 : i32
      %add3A_241 = arith.addi %add3A_168, %add3A_240 : i32
      %add3A_242 = arith.constant 0 : i32
      %add3A_243 = arith.addi %add3A_241, %add3A_242 : i32
      %lt3A = arith.constant 40 : i32
      %lt3A_244 = arith.cmpi slt, %add3A_243, %lt3A : i32
      %convert_element_type3A = arith.extui %lt3A_244 : i1 to i32
      %cond3A = arith.constant 0 : i32
      %cond3A_245 = arith.cmpi ne, %convert_element_type3A, %cond3A : i32
      scf.if %cond3A_245 {
        %add3A_297 = arith.constant 4 : i32
        %add3A_298 = arith.addi %add3A_168, %add3A_297 : i32
        %add3A_299 = arith.constant 0 : i32
        %add3A_300 = arith.addi %add3A_298, %add3A_299 : i32
        %dma_start3A_301 = arith.constant 0 : i32
        %dma_start3A_302 = tpu.memref_slice %arg6[%add3A_300, %dma_start3A_301] : memref<40x128xi32, #tpu.memory_space<vmem>> -> memref<1x128xi32, #tpu.memory_space<vmem>>
        %dma_start3A_303 = tpu.memref_squeeze %dma_start3A_302 : memref<1x128xi32, #tpu.memory_space<vmem>> -> memref<128xi32, #tpu.memory_space<vmem>>
        %dma_start3A_304 = arith.constant 0 : i32
        %dma_start3A_305 = arith.constant 0 : i32
        %dma_start3A_306 = tpu.memref_slice %arg13[%dma_start3A_304, %dma_start3A_305] : memref<10240x64xf32, #tpu.memory_space<vmem_shared>> -> memref<10240x64xf32, #tpu.memory_space<vmem_shared>>
        tpu.enqueue_indirect_dma source(%dma_start3A_306 : memref<10240x64xf32, #tpu.memory_space<vmem_shared>>) target(%arg8 : memref<128x64xf32, #tpu.memory_space<vmem>>) offsets(%dma_start3A_303 : memref<128xi32, #tpu.memory_space<vmem>>) semaphore(%arg15 : memref<!tpu.dma_semaphore, #tpu.memory_space<semaphore_mem>>)
      } else {
      }
      %add3A_246 = arith.constant 1 : i32
      %add3A_247 = arith.addi %add3A_168, %add3A_246 : i32
      %dma_wait3A_248 = arith.constant 0 : i32
      %dma_wait3A_249 = tpu.memref_slice %arg7[%add3A_247, %dma_wait3A_248] : memref<40x128xi32, #tpu.memory_space<vmem>> -> memref<1x128xi32, #tpu.memory_space<vmem>>
      %dma_wait3A_250 = tpu.memref_squeeze %dma_wait3A_249 : memref<1x128xi32, #tpu.memory_space<vmem>> -> memref<128xi32, #tpu.memory_space<vmem>>
      %dma_wait3A_251 = arith.constant 0 : i32
      %dma_wait3A_252 = arith.constant 0 : i32
      %dma_wait3A_253 = tpu.memref_slice %arg14[%dma_wait3A_251, %dma_wait3A_252] : memref<10240x64xf32, #tpu.memory_space<vmem_shared>> -> memref<10240x64xf32, #tpu.memory_space<vmem_shared>>
      tpu.wait_indirect_dma semaphore(%arg20 : memref<!tpu.dma_semaphore, #tpu.memory_space<semaphore_mem>>) src(%arg9 : memref<128x64xf32, #tpu.memory_space<vmem>>) dst(%dma_wait3A_253 : memref<10240x64xf32, #tpu.memory_space<vmem_shared>>)
      %add3A_254 = arith.constant 4 : i32
      %add3A_255 = arith.addi %add3A_168, %add3A_254 : i32
      %add3A_256 = arith.constant 1 : i32
      %add3A_257 = arith.addi %add3A_255, %add3A_256 : i32
      %lt3A_258 = arith.constant 40 : i32
      %lt3A_259 = arith.cmpi slt, %add3A_257, %lt3A_258 : i32
      %convert_element_type3A_260 = arith.extui %lt3A_259 : i1 to i32
      %cond3A_261 = arith.constant 0 : i32
      %cond3A_262 = arith.cmpi ne, %convert_element_type3A_260, %cond3A_261 : i32
      scf.if %cond3A_262 {
        %add3A_297 = arith.constant 4 : i32
        %add3A_298 = arith.addi %add3A_168, %add3A_297 : i32
        %add3A_299 = arith.constant 1 : i32
        %add3A_300 = arith.addi %add3A_298, %add3A_299 : i32
        %dma_start3A_301 = arith.constant 0 : i32
        %dma_start3A_302 = tpu.memref_slice %arg6[%add3A_300, %dma_start3A_301] : memref<40x128xi32, #tpu.memory_space<vmem>> -> memref<1x128xi32, #tpu.memory_space<vmem>>
        %dma_start3A_303 = tpu.memref_squeeze %dma_start3A_302 : memref<1x128xi32, #tpu.memory_space<vmem>> -> memref<128xi32, #tpu.memory_space<vmem>>
        %dma_start3A_304 = arith.constant 0 : i32
        %dma_start3A_305 = arith.constant 0 : i32
        %dma_start3A_306 = tpu.memref_slice %arg13[%dma_start3A_304, %dma_start3A_305] : memref<10240x64xf32, #tpu.memory_space<vmem_shared>> -> memref<10240x64xf32, #tpu.memory_space<vmem_shared>>
        tpu.enqueue_indirect_dma source(%dma_start3A_306 : memref<10240x64xf32, #tpu.memory_space<vmem_shared>>) target(%arg9 : memref<128x64xf32, #tpu.memory_space<vmem>>) offsets(%dma_start3A_303 : memref<128xi32, #tpu.memory_space<vmem>>) semaphore(%arg16 : memref<!tpu.dma_semaphore, #tpu.memory_space<semaphore_mem>>)
      } else {
      }
      %add3A_263 = arith.constant 2 : i32
      %add3A_264 = arith.addi %add3A_168, %add3A_263 : i32
      %dma_wait3A_265 = arith.constant 0 : i32
      %dma_wait3A_266 = tpu.memref_slice %arg7[%add3A_264, %dma_wait3A_265] : memref<40x128xi32, #tpu.memory_space<vmem>> -> memref<1x128xi32, #tpu.memory_space<vmem>>
      %dma_wait3A_267 = tpu.memref_squeeze %dma_wait3A_266 : memref<1x128xi32, #tpu.memory_space<vmem>> -> memref<128xi32, #tpu.memory_space<vmem>>
      %dma_wait3A_268 = arith.constant 0 : i32
      %dma_wait3A_269 = arith.constant 0 : i32
      %dma_wait3A_270 = tpu.memref_slice %arg14[%dma_wait3A_268, %dma_wait3A_269] : memref<10240x64xf32, #tpu.memory_space<vmem_shared>> -> memref<10240x64xf32, #tpu.memory_space<vmem_shared>>
      tpu.wait_indirect_dma semaphore(%arg21 : memref<!tpu.dma_semaphore, #tpu.memory_space<semaphore_mem>>) src(%arg10 : memref<128x64xf32, #tpu.memory_space<vmem>>) dst(%dma_wait3A_270 : memref<10240x64xf32, #tpu.memory_space<vmem_shared>>)
      %add3A_271 = arith.constant 4 : i32
      %add3A_272 = arith.addi %add3A_168, %add3A_271 : i32
      %add3A_273 = arith.constant 2 : i32
      %add3A_274 = arith.addi %add3A_272, %add3A_273 : i32
      %lt3A_275 = arith.constant 40 : i32
      %lt3A_276 = arith.cmpi slt, %add3A_274, %lt3A_275 : i32
      %convert_element_type3A_277 = arith.extui %lt3A_276 : i1 to i32
      %cond3A_278 = arith.constant 0 : i32
      %cond3A_279 = arith.cmpi ne, %convert_element_type3A_277, %cond3A_278 : i32
      scf.if %cond3A_279 {
        %add3A_297 = arith.constant 4 : i32
        %add3A_298 = arith.addi %add3A_168, %add3A_297 : i32
        %add3A_299 = arith.constant 2 : i32
        %add3A_300 = arith.addi %add3A_298, %add3A_299 : i32
        %dma_start3A_301 = arith.constant 0 : i32
        %dma_start3A_302 = tpu.memref_slice %arg6[%add3A_300, %dma_start3A_301] : memref<40x128xi32, #tpu.memory_space<vmem>> -> memref<1x128xi32, #tpu.memory_space<vmem>>
        %dma_start3A_303 = tpu.memref_squeeze %dma_start3A_302 : memref<1x128xi32, #tpu.memory_space<vmem>> -> memref<128xi32, #tpu.memory_space<vmem>>
        %dma_start3A_304 = arith.constant 0 : i32
        %dma_start3A_305 = arith.constant 0 : i32
        %dma_start3A_306 = tpu.memref_slice %arg13[%dma_start3A_304, %dma_start3A_305] : memref<10240x64xf32, #tpu.memory_space<vmem_shared>> -> memref<10240x64xf32, #tpu.memory_space<vmem_shared>>
        tpu.enqueue_indirect_dma source(%dma_start3A_306 : memref<10240x64xf32, #tpu.memory_space<vmem_shared>>) target(%arg10 : memref<128x64xf32, #tpu.memory_space<vmem>>) offsets(%dma_start3A_303 : memref<128xi32, #tpu.memory_space<vmem>>) semaphore(%arg17 : memref<!tpu.dma_semaphore, #tpu.memory_space<semaphore_mem>>)
      } else {
      }
      %add3A_280 = arith.constant 3 : i32
      %add3A_281 = arith.addi %add3A_168, %add3A_280 : i32
      %dma_wait3A_282 = arith.constant 0 : i32
      %dma_wait3A_283 = tpu.memref_slice %arg7[%add3A_281, %dma_wait3A_282] : memref<40x128xi32, #tpu.memory_space<vmem>> -> memref<1x128xi32, #tpu.memory_space<vmem>>
      %dma_wait3A_284 = tpu.memref_squeeze %dma_wait3A_283 : memref<1x128xi32, #tpu.memory_space<vmem>> -> memref<128xi32, #tpu.memory_space<vmem>>
      %dma_wait3A_285 = arith.constant 0 : i32
      %dma_wait3A_286 = arith.constant 0 : i32
      %dma_wait3A_287 = tpu.memref_slice %arg14[%dma_wait3A_285, %dma_wait3A_286] : memref<10240x64xf32, #tpu.memory_space<vmem_shared>> -> memref<10240x64xf32, #tpu.memory_space<vmem_shared>>
      tpu.wait_indirect_dma semaphore(%arg22 : memref<!tpu.dma_semaphore, #tpu.memory_space<semaphore_mem>>) src(%arg11 : memref<128x64xf32, #tpu.memory_space<vmem>>) dst(%dma_wait3A_287 : memref<10240x64xf32, #tpu.memory_space<vmem_shared>>)
      %add3A_288 = arith.constant 4 : i32
      %add3A_289 = arith.addi %add3A_168, %add3A_288 : i32
      %add3A_290 = arith.constant 3 : i32
      %add3A_291 = arith.addi %add3A_289, %add3A_290 : i32
      %lt3A_292 = arith.constant 40 : i32
      %lt3A_293 = arith.cmpi slt, %add3A_291, %lt3A_292 : i32
      %convert_element_type3A_294 = arith.extui %lt3A_293 : i1 to i32
      %cond3A_295 = arith.constant 0 : i32
      %cond3A_296 = arith.cmpi ne, %convert_element_type3A_294, %cond3A_295 : i32
      scf.if %cond3A_296 {
        %add3A_297 = arith.constant 4 : i32
        %add3A_298 = arith.addi %add3A_168, %add3A_297 : i32
        %add3A_299 = arith.constant 3 : i32
        %add3A_300 = arith.addi %add3A_298, %add3A_299 : i32
        %dma_start3A_301 = arith.constant 0 : i32
        %dma_start3A_302 = tpu.memref_slice %arg6[%add3A_300, %dma_start3A_301] : memref<40x128xi32, #tpu.memory_space<vmem>> -> memref<1x128xi32, #tpu.memory_space<vmem>>
        %dma_start3A_303 = tpu.memref_squeeze %dma_start3A_302 : memref<1x128xi32, #tpu.memory_space<vmem>> -> memref<128xi32, #tpu.memory_space<vmem>>
        %dma_start3A_304 = arith.constant 0 : i32
        %dma_start3A_305 = arith.constant 0 : i32
        %dma_start3A_306 = tpu.memref_slice %arg13[%dma_start3A_304, %dma_start3A_305] : memref<10240x64xf32, #tpu.memory_space<vmem_shared>> -> memref<10240x64xf32, #tpu.memory_space<vmem_shared>>
        tpu.enqueue_indirect_dma source(%dma_start3A_306 : memref<10240x64xf32, #tpu.memory_space<vmem_shared>>) target(%arg11 : memref<128x64xf32, #tpu.memory_space<vmem>>) offsets(%dma_start3A_303 : memref<128xi32, #tpu.memory_space<vmem>>) semaphore(%arg18 : memref<!tpu.dma_semaphore, #tpu.memory_space<semaphore_mem>>)
      } else {
      }
    }
    %scan3A_84 = arith.constant 10 : i32
    %mul3A_85 = arith.constant 160 : i32
    %mul3A_86 = arith.muli %arg1, %mul3A_85 : i32
    %add3A_87 = arith.constant 80 : i32
    %add3A_88 = arith.addi %mul3A_86, %add3A_87 : i32
    "tpu.region"() ({
      %run_scoped3A = tpu.sem_alloc : memref<!tpu.dma_semaphore, #tpu.memory_space<semaphore_mem>>
      %dma_start3A_164 = arith.constant 0 : i32
      %dma_start3A_165 = tpu.memref_slice %arg3[%add3A_88, %dma_start3A_164] : memref<2560x128xi32, #tpu.memory_space<hbm>> -> memref<40x128xi32, #tpu.memory_space<hbm>>
      %dma_start3A_166 = arith.constant 0 : i32
      %dma_start3A_167 = tpu.memref_slice %arg3[%add3A_88, %dma_start3A_166] : memref<2560x128xi32, #tpu.memory_space<hbm>> -> memref<40x128xi32, #tpu.memory_space<hbm>>
      tpu.enqueue_dma source(%dma_start3A_167 : memref<40x128xi32, #tpu.memory_space<hbm>>) target(%arg6 : memref<40x128xi32, #tpu.memory_space<vmem>>) target_semaphore(%run_scoped3A : memref<!tpu.dma_semaphore, #tpu.memory_space<semaphore_mem>>)
      %dma_wait3A = arith.constant 0 : i32
      %dma_wait3A_168 = tpu.memref_slice %arg3[%add3A_88, %dma_wait3A] : memref<2560x128xi32, #tpu.memory_space<hbm>> -> memref<40x128xi32, #tpu.memory_space<hbm>>
      %dma_wait3A_169 = arith.constant 0 : i32
      %dma_wait3A_170 = tpu.memref_slice %arg3[%add3A_88, %dma_wait3A_169] : memref<2560x128xi32, #tpu.memory_space<hbm>> -> memref<40x128xi32, #tpu.memory_space<hbm>>
      tpu.wait_dma2 semaphore(%run_scoped3A : memref<!tpu.dma_semaphore, #tpu.memory_space<semaphore_mem>>) src(%dma_wait3A_170 : memref<40x128xi32, #tpu.memory_space<hbm>>) dst(%arg6 : memref<40x128xi32, #tpu.memory_space<vmem>>)
      tpu.yield
    }) : () -> ()
    "tpu.region"() ({
      %run_scoped3A = tpu.sem_alloc : memref<!tpu.dma_semaphore, #tpu.memory_space<semaphore_mem>>
      %dma_start3A_164 = arith.constant 0 : i32
      %dma_start3A_165 = tpu.memref_slice %arg4[%add3A_88, %dma_start3A_164] : memref<2560x128xi32, #tpu.memory_space<hbm>> -> memref<40x128xi32, #tpu.memory_space<hbm>>
      %dma_start3A_166 = arith.constant 0 : i32
      %dma_start3A_167 = tpu.memref_slice %arg4[%add3A_88, %dma_start3A_166] : memref<2560x128xi32, #tpu.memory_space<hbm>> -> memref<40x128xi32, #tpu.memory_space<hbm>>
      tpu.enqueue_dma source(%dma_start3A_167 : memref<40x128xi32, #tpu.memory_space<hbm>>) target(%arg7 : memref<40x128xi32, #tpu.memory_space<vmem>>) target_semaphore(%run_scoped3A : memref<!tpu.dma_semaphore, #tpu.memory_space<semaphore_mem>>)
      %dma_wait3A = arith.constant 0 : i32
      %dma_wait3A_168 = tpu.memref_slice %arg4[%add3A_88, %dma_wait3A] : memref<2560x128xi32, #tpu.memory_space<hbm>> -> memref<40x128xi32, #tpu.memory_space<hbm>>
      %dma_wait3A_169 = arith.constant 0 : i32
      %dma_wait3A_170 = tpu.memref_slice %arg4[%add3A_88, %dma_wait3A_169] : memref<2560x128xi32, #tpu.memory_space<hbm>> -> memref<40x128xi32, #tpu.memory_space<hbm>>
      tpu.wait_dma2 semaphore(%run_scoped3A : memref<!tpu.dma_semaphore, #tpu.memory_space<semaphore_mem>>) src(%dma_wait3A_170 : memref<40x128xi32, #tpu.memory_space<hbm>>) dst(%arg7 : memref<40x128xi32, #tpu.memory_space<vmem>>)
      tpu.yield
    }) : () -> ()
    %dma_start3A_89 = arith.constant 0 : i32
    %dma_start3A_90 = arith.constant 0 : i32
    %dma_start3A_91 = tpu.memref_slice %arg6[%dma_start3A_89, %dma_start3A_90] : memref<40x128xi32, #tpu.memory_space<vmem>> -> memref<1x128xi32, #tpu.memory_space<vmem>>
    %dma_start3A_92 = tpu.memref_squeeze %dma_start3A_91 : memref<1x128xi32, #tpu.memory_space<vmem>> -> memref<128xi32, #tpu.memory_space<vmem>>
    %dma_start3A_93 = arith.constant 0 : i32
    %dma_start3A_94 = arith.constant 0 : i32
    %dma_start3A_95 = tpu.memref_slice %arg13[%dma_start3A_93, %dma_start3A_94] : memref<10240x64xf32, #tpu.memory_space<vmem_shared>> -> memref<10240x64xf32, #tpu.memory_space<vmem_shared>>
    tpu.enqueue_indirect_dma source(%dma_start3A_95 : memref<10240x64xf32, #tpu.memory_space<vmem_shared>>) target(%arg8 : memref<128x64xf32, #tpu.memory_space<vmem>>) offsets(%dma_start3A_92 : memref<128xi32, #tpu.memory_space<vmem>>) semaphore(%arg15 : memref<!tpu.dma_semaphore, #tpu.memory_space<semaphore_mem>>)
    %dma_start3A_96 = arith.constant 1 : i32
    %dma_start3A_97 = arith.constant 0 : i32
    %dma_start3A_98 = tpu.memref_slice %arg6[%dma_start3A_96, %dma_start3A_97] : memref<40x128xi32, #tpu.memory_space<vmem>> -> memref<1x128xi32, #tpu.memory_space<vmem>>
    %dma_start3A_99 = tpu.memref_squeeze %dma_start3A_98 : memref<1x128xi32, #tpu.memory_space<vmem>> -> memref<128xi32, #tpu.memory_space<vmem>>
    %dma_start3A_100 = arith.constant 0 : i32
    %dma_start3A_101 = arith.constant 0 : i32
    %dma_start3A_102 = tpu.memref_slice %arg13[%dma_start3A_100, %dma_start3A_101] : memref<10240x64xf32, #tpu.memory_space<vmem_shared>> -> memref<10240x64xf32, #tpu.memory_space<vmem_shared>>
    tpu.enqueue_indirect_dma source(%dma_start3A_102 : memref<10240x64xf32, #tpu.memory_space<vmem_shared>>) target(%arg9 : memref<128x64xf32, #tpu.memory_space<vmem>>) offsets(%dma_start3A_99 : memref<128xi32, #tpu.memory_space<vmem>>) semaphore(%arg16 : memref<!tpu.dma_semaphore, #tpu.memory_space<semaphore_mem>>)
    %dma_start3A_103 = arith.constant 2 : i32
    %dma_start3A_104 = arith.constant 0 : i32
    %dma_start3A_105 = tpu.memref_slice %arg6[%dma_start3A_103, %dma_start3A_104] : memref<40x128xi32, #tpu.memory_space<vmem>> -> memref<1x128xi32, #tpu.memory_space<vmem>>
    %dma_start3A_106 = tpu.memref_squeeze %dma_start3A_105 : memref<1x128xi32, #tpu.memory_space<vmem>> -> memref<128xi32, #tpu.memory_space<vmem>>
    %dma_start3A_107 = arith.constant 0 : i32
    %dma_start3A_108 = arith.constant 0 : i32
    %dma_start3A_109 = tpu.memref_slice %arg13[%dma_start3A_107, %dma_start3A_108] : memref<10240x64xf32, #tpu.memory_space<vmem_shared>> -> memref<10240x64xf32, #tpu.memory_space<vmem_shared>>
    tpu.enqueue_indirect_dma source(%dma_start3A_109 : memref<10240x64xf32, #tpu.memory_space<vmem_shared>>) target(%arg10 : memref<128x64xf32, #tpu.memory_space<vmem>>) offsets(%dma_start3A_106 : memref<128xi32, #tpu.memory_space<vmem>>) semaphore(%arg17 : memref<!tpu.dma_semaphore, #tpu.memory_space<semaphore_mem>>)
    %dma_start3A_110 = arith.constant 3 : i32
    %dma_start3A_111 = arith.constant 0 : i32
    %dma_start3A_112 = tpu.memref_slice %arg6[%dma_start3A_110, %dma_start3A_111] : memref<40x128xi32, #tpu.memory_space<vmem>> -> memref<1x128xi32, #tpu.memory_space<vmem>>
    %dma_start3A_113 = tpu.memref_squeeze %dma_start3A_112 : memref<1x128xi32, #tpu.memory_space<vmem>> -> memref<128xi32, #tpu.memory_space<vmem>>
    %dma_start3A_114 = arith.constant 0 : i32
    %dma_start3A_115 = arith.constant 0 : i32
    %dma_start3A_116 = tpu.memref_slice %arg13[%dma_start3A_114, %dma_start3A_115] : memref<10240x64xf32, #tpu.memory_space<vmem_shared>> -> memref<10240x64xf32, #tpu.memory_space<vmem_shared>>
    tpu.enqueue_indirect_dma source(%dma_start3A_116 : memref<10240x64xf32, #tpu.memory_space<vmem_shared>>) target(%arg11 : memref<128x64xf32, #tpu.memory_space<vmem>>) offsets(%dma_start3A_113 : memref<128xi32, #tpu.memory_space<vmem>>) semaphore(%arg18 : memref<!tpu.dma_semaphore, #tpu.memory_space<semaphore_mem>>)
    %scan3A_117 = arith.constant 0 : i32
    %scan3A_118 = arith.constant 10 : i32
    %scan3A_119 = arith.addi %scan3A_117, %scan3A_118 : i32
    %scan3A_120 = arith.constant 1 : i32
    scf.for %scan3A_164 = %scan3A_117 to %scan3A_119 step %scan3A_120  : i32 {
      %mul3A_165 = arith.constant 4 : i32
      %mul3A_166 = arith.muli %scan3A_164, %mul3A_165 : i32
      %add3A_167 = arith.constant 0 : i32
      %add3A_168 = arith.addi %add3A_167, %mul3A_166 : i32
      %add3A_169 = arith.constant 0 : i32
      %add3A_170 = arith.addi %add3A_168, %add3A_169 : i32
      %dma_wait3A = arith.constant 0 : i32
      %dma_wait3A_171 = tpu.memref_slice %arg6[%add3A_170, %dma_wait3A] : memref<40x128xi32, #tpu.memory_space<vmem>> -> memref<1x128xi32, #tpu.memory_space<vmem>>
      %dma_wait3A_172 = tpu.memref_squeeze %dma_wait3A_171 : memref<1x128xi32, #tpu.memory_space<vmem>> -> memref<128xi32, #tpu.memory_space<vmem>>
      %dma_wait3A_173 = arith.constant 0 : i32
      %dma_wait3A_174 = arith.constant 0 : i32
      %dma_wait3A_175 = tpu.memref_slice %arg13[%dma_wait3A_173, %dma_wait3A_174] : memref<10240x64xf32, #tpu.memory_space<vmem_shared>> -> memref<10240x64xf32, #tpu.memory_space<vmem_shared>>
      tpu.wait_indirect_dma semaphore(%arg15 : memref<!tpu.dma_semaphore, #tpu.memory_space<semaphore_mem>>) src(%dma_wait3A_175 : memref<10240x64xf32, #tpu.memory_space<vmem_shared>>) dst(%arg8 : memref<128x64xf32, #tpu.memory_space<vmem>>)
      %add3A_176 = arith.constant 0 : i32
      %add3A_177 = arith.addi %add3A_168, %add3A_176 : i32
      %dma_start3A_178 = arith.constant 0 : i32
      %dma_start3A_179 = tpu.memref_slice %arg7[%add3A_177, %dma_start3A_178] : memref<40x128xi32, #tpu.memory_space<vmem>> -> memref<1x128xi32, #tpu.memory_space<vmem>>
      %dma_start3A_180 = tpu.memref_squeeze %dma_start3A_179 : memref<1x128xi32, #tpu.memory_space<vmem>> -> memref<128xi32, #tpu.memory_space<vmem>>
      %dma_start3A_181 = arith.constant 0 : i32
      %dma_start3A_182 = arith.constant 0 : i32
      %dma_start3A_183 = tpu.memref_slice %arg14[%dma_start3A_181, %dma_start3A_182] : memref<10240x64xf32, #tpu.memory_space<vmem_shared>> -> memref<10240x64xf32, #tpu.memory_space<vmem_shared>>
      tpu.enqueue_indirect_dma source(%arg8 : memref<128x64xf32, #tpu.memory_space<vmem>>) target(%dma_start3A_183 : memref<10240x64xf32, #tpu.memory_space<vmem_shared>>) offsets(%dma_start3A_180 : memref<128xi32, #tpu.memory_space<vmem>>) semaphore(%arg19 : memref<!tpu.dma_semaphore, #tpu.memory_space<semaphore_mem>>) {add = true}
      %add3A_184 = arith.constant 1 : i32
      %add3A_185 = arith.addi %add3A_168, %add3A_184 : i32
      %dma_wait3A_186 = arith.constant 0 : i32
      %dma_wait3A_187 = tpu.memref_slice %arg6[%add3A_185, %dma_wait3A_186] : memref<40x128xi32, #tpu.memory_space<vmem>> -> memref<1x128xi32, #tpu.memory_space<vmem>>
      %dma_wait3A_188 = tpu.memref_squeeze %dma_wait3A_187 : memref<1x128xi32, #tpu.memory_space<vmem>> -> memref<128xi32, #tpu.memory_space<vmem>>
      %dma_wait3A_189 = arith.constant 0 : i32
      %dma_wait3A_190 = arith.constant 0 : i32
      %dma_wait3A_191 = tpu.memref_slice %arg13[%dma_wait3A_189, %dma_wait3A_190] : memref<10240x64xf32, #tpu.memory_space<vmem_shared>> -> memref<10240x64xf32, #tpu.memory_space<vmem_shared>>
      tpu.wait_indirect_dma semaphore(%arg16 : memref<!tpu.dma_semaphore, #tpu.memory_space<semaphore_mem>>) src(%dma_wait3A_191 : memref<10240x64xf32, #tpu.memory_space<vmem_shared>>) dst(%arg9 : memref<128x64xf32, #tpu.memory_space<vmem>>)
      %add3A_192 = arith.constant 1 : i32
      %add3A_193 = arith.addi %add3A_168, %add3A_192 : i32
      %dma_start3A_194 = arith.constant 0 : i32
      %dma_start3A_195 = tpu.memref_slice %arg7[%add3A_193, %dma_start3A_194] : memref<40x128xi32, #tpu.memory_space<vmem>> -> memref<1x128xi32, #tpu.memory_space<vmem>>
      %dma_start3A_196 = tpu.memref_squeeze %dma_start3A_195 : memref<1x128xi32, #tpu.memory_space<vmem>> -> memref<128xi32, #tpu.memory_space<vmem>>
      %dma_start3A_197 = arith.constant 0 : i32
      %dma_start3A_198 = arith.constant 0 : i32
      %dma_start3A_199 = tpu.memref_slice %arg14[%dma_start3A_197, %dma_start3A_198] : memref<10240x64xf32, #tpu.memory_space<vmem_shared>> -> memref<10240x64xf32, #tpu.memory_space<vmem_shared>>
      tpu.enqueue_indirect_dma source(%arg9 : memref<128x64xf32, #tpu.memory_space<vmem>>) target(%dma_start3A_199 : memref<10240x64xf32, #tpu.memory_space<vmem_shared>>) offsets(%dma_start3A_196 : memref<128xi32, #tpu.memory_space<vmem>>) semaphore(%arg20 : memref<!tpu.dma_semaphore, #tpu.memory_space<semaphore_mem>>) {add = true}
      %add3A_200 = arith.constant 2 : i32
      %add3A_201 = arith.addi %add3A_168, %add3A_200 : i32
      %dma_wait3A_202 = arith.constant 0 : i32
      %dma_wait3A_203 = tpu.memref_slice %arg6[%add3A_201, %dma_wait3A_202] : memref<40x128xi32, #tpu.memory_space<vmem>> -> memref<1x128xi32, #tpu.memory_space<vmem>>
      %dma_wait3A_204 = tpu.memref_squeeze %dma_wait3A_203 : memref<1x128xi32, #tpu.memory_space<vmem>> -> memref<128xi32, #tpu.memory_space<vmem>>
      %dma_wait3A_205 = arith.constant 0 : i32
      %dma_wait3A_206 = arith.constant 0 : i32
      %dma_wait3A_207 = tpu.memref_slice %arg13[%dma_wait3A_205, %dma_wait3A_206] : memref<10240x64xf32, #tpu.memory_space<vmem_shared>> -> memref<10240x64xf32, #tpu.memory_space<vmem_shared>>
      tpu.wait_indirect_dma semaphore(%arg17 : memref<!tpu.dma_semaphore, #tpu.memory_space<semaphore_mem>>) src(%dma_wait3A_207 : memref<10240x64xf32, #tpu.memory_space<vmem_shared>>) dst(%arg10 : memref<128x64xf32, #tpu.memory_space<vmem>>)
      %add3A_208 = arith.constant 2 : i32
      %add3A_209 = arith.addi %add3A_168, %add3A_208 : i32
      %dma_start3A_210 = arith.constant 0 : i32
      %dma_start3A_211 = tpu.memref_slice %arg7[%add3A_209, %dma_start3A_210] : memref<40x128xi32, #tpu.memory_space<vmem>> -> memref<1x128xi32, #tpu.memory_space<vmem>>
      %dma_start3A_212 = tpu.memref_squeeze %dma_start3A_211 : memref<1x128xi32, #tpu.memory_space<vmem>> -> memref<128xi32, #tpu.memory_space<vmem>>
      %dma_start3A_213 = arith.constant 0 : i32
      %dma_start3A_214 = arith.constant 0 : i32
      %dma_start3A_215 = tpu.memref_slice %arg14[%dma_start3A_213, %dma_start3A_214] : memref<10240x64xf32, #tpu.memory_space<vmem_shared>> -> memref<10240x64xf32, #tpu.memory_space<vmem_shared>>
      tpu.enqueue_indirect_dma source(%arg10 : memref<128x64xf32, #tpu.memory_space<vmem>>) target(%dma_start3A_215 : memref<10240x64xf32, #tpu.memory_space<vmem_shared>>) offsets(%dma_start3A_212 : memref<128xi32, #tpu.memory_space<vmem>>) semaphore(%arg21 : memref<!tpu.dma_semaphore, #tpu.memory_space<semaphore_mem>>) {add = true}
      %add3A_216 = arith.constant 3 : i32
      %add3A_217 = arith.addi %add3A_168, %add3A_216 : i32
      %dma_wait3A_218 = arith.constant 0 : i32
      %dma_wait3A_219 = tpu.memref_slice %arg6[%add3A_217, %dma_wait3A_218] : memref<40x128xi32, #tpu.memory_space<vmem>> -> memref<1x128xi32, #tpu.memory_space<vmem>>
      %dma_wait3A_220 = tpu.memref_squeeze %dma_wait3A_219 : memref<1x128xi32, #tpu.memory_space<vmem>> -> memref<128xi32, #tpu.memory_space<vmem>>
      %dma_wait3A_221 = arith.constant 0 : i32
      %dma_wait3A_222 = arith.constant 0 : i32
      %dma_wait3A_223 = tpu.memref_slice %arg13[%dma_wait3A_221, %dma_wait3A_222] : memref<10240x64xf32, #tpu.memory_space<vmem_shared>> -> memref<10240x64xf32, #tpu.memory_space<vmem_shared>>
      tpu.wait_indirect_dma semaphore(%arg18 : memref<!tpu.dma_semaphore, #tpu.memory_space<semaphore_mem>>) src(%dma_wait3A_223 : memref<10240x64xf32, #tpu.memory_space<vmem_shared>>) dst(%arg11 : memref<128x64xf32, #tpu.memory_space<vmem>>)
      %add3A_224 = arith.constant 3 : i32
      %add3A_225 = arith.addi %add3A_168, %add3A_224 : i32
      %dma_start3A_226 = arith.constant 0 : i32
      %dma_start3A_227 = tpu.memref_slice %arg7[%add3A_225, %dma_start3A_226] : memref<40x128xi32, #tpu.memory_space<vmem>> -> memref<1x128xi32, #tpu.memory_space<vmem>>
      %dma_start3A_228 = tpu.memref_squeeze %dma_start3A_227 : memref<1x128xi32, #tpu.memory_space<vmem>> -> memref<128xi32, #tpu.memory_space<vmem>>
      %dma_start3A_229 = arith.constant 0 : i32
      %dma_start3A_230 = arith.constant 0 : i32
      %dma_start3A_231 = tpu.memref_slice %arg14[%dma_start3A_229, %dma_start3A_230] : memref<10240x64xf32, #tpu.memory_space<vmem_shared>> -> memref<10240x64xf32, #tpu.memory_space<vmem_shared>>
      tpu.enqueue_indirect_dma source(%arg11 : memref<128x64xf32, #tpu.memory_space<vmem>>) target(%dma_start3A_231 : memref<10240x64xf32, #tpu.memory_space<vmem_shared>>) offsets(%dma_start3A_228 : memref<128xi32, #tpu.memory_space<vmem>>) semaphore(%arg22 : memref<!tpu.dma_semaphore, #tpu.memory_space<semaphore_mem>>) {add = true}
      %add3A_232 = arith.constant 0 : i32
      %add3A_233 = arith.addi %add3A_168, %add3A_232 : i32
      %dma_wait3A_234 = arith.constant 0 : i32
      %dma_wait3A_235 = tpu.memref_slice %arg7[%add3A_233, %dma_wait3A_234] : memref<40x128xi32, #tpu.memory_space<vmem>> -> memref<1x128xi32, #tpu.memory_space<vmem>>
      %dma_wait3A_236 = tpu.memref_squeeze %dma_wait3A_235 : memref<1x128xi32, #tpu.memory_space<vmem>> -> memref<128xi32, #tpu.memory_space<vmem>>
      %dma_wait3A_237 = arith.constant 0 : i32
      %dma_wait3A_238 = arith.constant 0 : i32
      %dma_wait3A_239 = tpu.memref_slice %arg14[%dma_wait3A_237, %dma_wait3A_238] : memref<10240x64xf32, #tpu.memory_space<vmem_shared>> -> memref<10240x64xf32, #tpu.memory_space<vmem_shared>>
      tpu.wait_indirect_dma semaphore(%arg19 : memref<!tpu.dma_semaphore, #tpu.memory_space<semaphore_mem>>) src(%arg8 : memref<128x64xf32, #tpu.memory_space<vmem>>) dst(%dma_wait3A_239 : memref<10240x64xf32, #tpu.memory_space<vmem_shared>>)
      %add3A_240 = arith.constant 4 : i32
      %add3A_241 = arith.addi %add3A_168, %add3A_240 : i32
      %add3A_242 = arith.constant 0 : i32
      %add3A_243 = arith.addi %add3A_241, %add3A_242 : i32
      %lt3A = arith.constant 40 : i32
      %lt3A_244 = arith.cmpi slt, %add3A_243, %lt3A : i32
      %convert_element_type3A = arith.extui %lt3A_244 : i1 to i32
      %cond3A = arith.constant 0 : i32
      %cond3A_245 = arith.cmpi ne, %convert_element_type3A, %cond3A : i32
      scf.if %cond3A_245 {
        %add3A_297 = arith.constant 4 : i32
        %add3A_298 = arith.addi %add3A_168, %add3A_297 : i32
        %add3A_299 = arith.constant 0 : i32
        %add3A_300 = arith.addi %add3A_298, %add3A_299 : i32
        %dma_start3A_301 = arith.constant 0 : i32
        %dma_start3A_302 = tpu.memref_slice %arg6[%add3A_300, %dma_start3A_301] : memref<40x128xi32, #tpu.memory_space<vmem>> -> memref<1x128xi32, #tpu.memory_space<vmem>>
        %dma_start3A_303 = tpu.memref_squeeze %dma_start3A_302 : memref<1x128xi32, #tpu.memory_space<vmem>> -> memref<128xi32, #tpu.memory_space<vmem>>
        %dma_start3A_304 = arith.constant 0 : i32
        %dma_start3A_305 = arith.constant 0 : i32
        %dma_start3A_306 = tpu.memref_slice %arg13[%dma_start3A_304, %dma_start3A_305] : memref<10240x64xf32, #tpu.memory_space<vmem_shared>> -> memref<10240x64xf32, #tpu.memory_space<vmem_shared>>
        tpu.enqueue_indirect_dma source(%dma_start3A_306 : memref<10240x64xf32, #tpu.memory_space<vmem_shared>>) target(%arg8 : memref<128x64xf32, #tpu.memory_space<vmem>>) offsets(%dma_start3A_303 : memref<128xi32, #tpu.memory_space<vmem>>) semaphore(%arg15 : memref<!tpu.dma_semaphore, #tpu.memory_space<semaphore_mem>>)
      } else {
      }
      %add3A_246 = arith.constant 1 : i32
      %add3A_247 = arith.addi %add3A_168, %add3A_246 : i32
      %dma_wait3A_248 = arith.constant 0 : i32
      %dma_wait3A_249 = tpu.memref_slice %arg7[%add3A_247, %dma_wait3A_248] : memref<40x128xi32, #tpu.memory_space<vmem>> -> memref<1x128xi32, #tpu.memory_space<vmem>>
      %dma_wait3A_250 = tpu.memref_squeeze %dma_wait3A_249 : memref<1x128xi32, #tpu.memory_space<vmem>> -> memref<128xi32, #tpu.memory_space<vmem>>
      %dma_wait3A_251 = arith.constant 0 : i32
      %dma_wait3A_252 = arith.constant 0 : i32
      %dma_wait3A_253 = tpu.memref_slice %arg14[%dma_wait3A_251, %dma_wait3A_252] : memref<10240x64xf32, #tpu.memory_space<vmem_shared>> -> memref<10240x64xf32, #tpu.memory_space<vmem_shared>>
      tpu.wait_indirect_dma semaphore(%arg20 : memref<!tpu.dma_semaphore, #tpu.memory_space<semaphore_mem>>) src(%arg9 : memref<128x64xf32, #tpu.memory_space<vmem>>) dst(%dma_wait3A_253 : memref<10240x64xf32, #tpu.memory_space<vmem_shared>>)
      %add3A_254 = arith.constant 4 : i32
      %add3A_255 = arith.addi %add3A_168, %add3A_254 : i32
      %add3A_256 = arith.constant 1 : i32
      %add3A_257 = arith.addi %add3A_255, %add3A_256 : i32
      %lt3A_258 = arith.constant 40 : i32
      %lt3A_259 = arith.cmpi slt, %add3A_257, %lt3A_258 : i32
      %convert_element_type3A_260 = arith.extui %lt3A_259 : i1 to i32
      %cond3A_261 = arith.constant 0 : i32
      %cond3A_262 = arith.cmpi ne, %convert_element_type3A_260, %cond3A_261 : i32
      scf.if %cond3A_262 {
        %add3A_297 = arith.constant 4 : i32
        %add3A_298 = arith.addi %add3A_168, %add3A_297 : i32
        %add3A_299 = arith.constant 1 : i32
        %add3A_300 = arith.addi %add3A_298, %add3A_299 : i32
        %dma_start3A_301 = arith.constant 0 : i32
        %dma_start3A_302 = tpu.memref_slice %arg6[%add3A_300, %dma_start3A_301] : memref<40x128xi32, #tpu.memory_space<vmem>> -> memref<1x128xi32, #tpu.memory_space<vmem>>
        %dma_start3A_303 = tpu.memref_squeeze %dma_start3A_302 : memref<1x128xi32, #tpu.memory_space<vmem>> -> memref<128xi32, #tpu.memory_space<vmem>>
        %dma_start3A_304 = arith.constant 0 : i32
        %dma_start3A_305 = arith.constant 0 : i32
        %dma_start3A_306 = tpu.memref_slice %arg13[%dma_start3A_304, %dma_start3A_305] : memref<10240x64xf32, #tpu.memory_space<vmem_shared>> -> memref<10240x64xf32, #tpu.memory_space<vmem_shared>>
        tpu.enqueue_indirect_dma source(%dma_start3A_306 : memref<10240x64xf32, #tpu.memory_space<vmem_shared>>) target(%arg9 : memref<128x64xf32, #tpu.memory_space<vmem>>) offsets(%dma_start3A_303 : memref<128xi32, #tpu.memory_space<vmem>>) semaphore(%arg16 : memref<!tpu.dma_semaphore, #tpu.memory_space<semaphore_mem>>)
      } else {
      }
      %add3A_263 = arith.constant 2 : i32
      %add3A_264 = arith.addi %add3A_168, %add3A_263 : i32
      %dma_wait3A_265 = arith.constant 0 : i32
      %dma_wait3A_266 = tpu.memref_slice %arg7[%add3A_264, %dma_wait3A_265] : memref<40x128xi32, #tpu.memory_space<vmem>> -> memref<1x128xi32, #tpu.memory_space<vmem>>
      %dma_wait3A_267 = tpu.memref_squeeze %dma_wait3A_266 : memref<1x128xi32, #tpu.memory_space<vmem>> -> memref<128xi32, #tpu.memory_space<vmem>>
      %dma_wait3A_268 = arith.constant 0 : i32
      %dma_wait3A_269 = arith.constant 0 : i32
      %dma_wait3A_270 = tpu.memref_slice %arg14[%dma_wait3A_268, %dma_wait3A_269] : memref<10240x64xf32, #tpu.memory_space<vmem_shared>> -> memref<10240x64xf32, #tpu.memory_space<vmem_shared>>
      tpu.wait_indirect_dma semaphore(%arg21 : memref<!tpu.dma_semaphore, #tpu.memory_space<semaphore_mem>>) src(%arg10 : memref<128x64xf32, #tpu.memory_space<vmem>>) dst(%dma_wait3A_270 : memref<10240x64xf32, #tpu.memory_space<vmem_shared>>)
      %add3A_271 = arith.constant 4 : i32
      %add3A_272 = arith.addi %add3A_168, %add3A_271 : i32
      %add3A_273 = arith.constant 2 : i32
      %add3A_274 = arith.addi %add3A_272, %add3A_273 : i32
      %lt3A_275 = arith.constant 40 : i32
      %lt3A_276 = arith.cmpi slt, %add3A_274, %lt3A_275 : i32
      %convert_element_type3A_277 = arith.extui %lt3A_276 : i1 to i32
      %cond3A_278 = arith.constant 0 : i32
      %cond3A_279 = arith.cmpi ne, %convert_element_type3A_277, %cond3A_278 : i32
      scf.if %cond3A_279 {
        %add3A_297 = arith.constant 4 : i32
        %add3A_298 = arith.addi %add3A_168, %add3A_297 : i32
        %add3A_299 = arith.constant 2 : i32
        %add3A_300 = arith.addi %add3A_298, %add3A_299 : i32
        %dma_start3A_301 = arith.constant 0 : i32
        %dma_start3A_302 = tpu.memref_slice %arg6[%add3A_300, %dma_start3A_301] : memref<40x128xi32, #tpu.memory_space<vmem>> -> memref<1x128xi32, #tpu.memory_space<vmem>>
        %dma_start3A_303 = tpu.memref_squeeze %dma_start3A_302 : memref<1x128xi32, #tpu.memory_space<vmem>> -> memref<128xi32, #tpu.memory_space<vmem>>
        %dma_start3A_304 = arith.constant 0 : i32
        %dma_start3A_305 = arith.constant 0 : i32
        %dma_start3A_306 = tpu.memref_slice %arg13[%dma_start3A_304, %dma_start3A_305] : memref<10240x64xf32, #tpu.memory_space<vmem_shared>> -> memref<10240x64xf32, #tpu.memory_space<vmem_shared>>
        tpu.enqueue_indirect_dma source(%dma_start3A_306 : memref<10240x64xf32, #tpu.memory_space<vmem_shared>>) target(%arg10 : memref<128x64xf32, #tpu.memory_space<vmem>>) offsets(%dma_start3A_303 : memref<128xi32, #tpu.memory_space<vmem>>) semaphore(%arg17 : memref<!tpu.dma_semaphore, #tpu.memory_space<semaphore_mem>>)
      } else {
      }
      %add3A_280 = arith.constant 3 : i32
      %add3A_281 = arith.addi %add3A_168, %add3A_280 : i32
      %dma_wait3A_282 = arith.constant 0 : i32
      %dma_wait3A_283 = tpu.memref_slice %arg7[%add3A_281, %dma_wait3A_282] : memref<40x128xi32, #tpu.memory_space<vmem>> -> memref<1x128xi32, #tpu.memory_space<vmem>>
      %dma_wait3A_284 = tpu.memref_squeeze %dma_wait3A_283 : memref<1x128xi32, #tpu.memory_space<vmem>> -> memref<128xi32, #tpu.memory_space<vmem>>
      %dma_wait3A_285 = arith.constant 0 : i32
      %dma_wait3A_286 = arith.constant 0 : i32
      %dma_wait3A_287 = tpu.memref_slice %arg14[%dma_wait3A_285, %dma_wait3A_286] : memref<10240x64xf32, #tpu.memory_space<vmem_shared>> -> memref<10240x64xf32, #tpu.memory_space<vmem_shared>>
      tpu.wait_indirect_dma semaphore(%arg22 : memref<!tpu.dma_semaphore, #tpu.memory_space<semaphore_mem>>) src(%arg11 : memref<128x64xf32, #tpu.memory_space<vmem>>) dst(%dma_wait3A_287 : memref<10240x64xf32, #tpu.memory_space<vmem_shared>>)
      %add3A_288 = arith.constant 4 : i32
      %add3A_289 = arith.addi %add3A_168, %add3A_288 : i32
      %add3A_290 = arith.constant 3 : i32
      %add3A_291 = arith.addi %add3A_289, %add3A_290 : i32
      %lt3A_292 = arith.constant 40 : i32
      %lt3A_293 = arith.cmpi slt, %add3A_291, %lt3A_292 : i32
      %convert_element_type3A_294 = arith.extui %lt3A_293 : i1 to i32
      %cond3A_295 = arith.constant 0 : i32
      %cond3A_296 = arith.cmpi ne, %convert_element_type3A_294, %cond3A_295 : i32
      scf.if %cond3A_296 {
        %add3A_297 = arith.constant 4 : i32
        %add3A_298 = arith.addi %add3A_168, %add3A_297 : i32
        %add3A_299 = arith.constant 3 : i32
        %add3A_300 = arith.addi %add3A_298, %add3A_299 : i32
        %dma_start3A_301 = arith.constant 0 : i32
        %dma_start3A_302 = tpu.memref_slice %arg6[%add3A_300, %dma_start3A_301] : memref<40x128xi32, #tpu.memory_space<vmem>> -> memref<1x128xi32, #tpu.memory_space<vmem>>
        %dma_start3A_303 = tpu.memref_squeeze %dma_start3A_302 : memref<1x128xi32, #tpu.memory_space<vmem>> -> memref<128xi32, #tpu.memory_space<vmem>>
        %dma_start3A_304 = arith.constant 0 : i32
        %dma_start3A_305 = arith.constant 0 : i32
        %dma_start3A_306 = tpu.memref_slice %arg13[%dma_start3A_304, %dma_start3A_305] : memref<10240x64xf32, #tpu.memory_space<vmem_shared>> -> memref<10240x64xf32, #tpu.memory_space<vmem_shared>>
        tpu.enqueue_indirect_dma source(%dma_start3A_306 : memref<10240x64xf32, #tpu.memory_space<vmem_shared>>) target(%arg11 : memref<128x64xf32, #tpu.memory_space<vmem>>) offsets(%dma_start3A_303 : memref<128xi32, #tpu.memory_space<vmem>>) semaphore(%arg18 : memref<!tpu.dma_semaphore, #tpu.memory_space<semaphore_mem>>)
      } else {
      }
    }
    %scan3A_121 = arith.constant 10 : i32
    %mul3A_122 = arith.constant 160 : i32
    %mul3A_123 = arith.muli %arg1, %mul3A_122 : i32
    %add3A_124 = arith.constant 120 : i32
    %add3A_125 = arith.addi %mul3A_123, %add3A_124 : i32
    "tpu.region"() ({
      %run_scoped3A = tpu.sem_alloc : memref<!tpu.dma_semaphore, #tpu.memory_space<semaphore_mem>>
      %dma_start3A_164 = arith.constant 0 : i32
      %dma_start3A_165 = tpu.memref_slice %arg3[%add3A_125, %dma_start3A_164] : memref<2560x128xi32, #tpu.memory_space<hbm>> -> memref<40x128xi32, #tpu.memory_space<hbm>>
      %dma_start3A_166 = arith.constant 0 : i32
      %dma_start3A_167 = tpu.memref_slice %arg3[%add3A_125, %dma_start3A_166] : memref<2560x128xi32, #tpu.memory_space<hbm>> -> memref<40x128xi32, #tpu.memory_space<hbm>>
      tpu.enqueue_dma source(%dma_start3A_167 : memref<40x128xi32, #tpu.memory_space<hbm>>) target(%arg6 : memref<40x128xi32, #tpu.memory_space<vmem>>) target_semaphore(%run_scoped3A : memref<!tpu.dma_semaphore, #tpu.memory_space<semaphore_mem>>)
      %dma_wait3A = arith.constant 0 : i32
      %dma_wait3A_168 = tpu.memref_slice %arg3[%add3A_125, %dma_wait3A] : memref<2560x128xi32, #tpu.memory_space<hbm>> -> memref<40x128xi32, #tpu.memory_space<hbm>>
      %dma_wait3A_169 = arith.constant 0 : i32
      %dma_wait3A_170 = tpu.memref_slice %arg3[%add3A_125, %dma_wait3A_169] : memref<2560x128xi32, #tpu.memory_space<hbm>> -> memref<40x128xi32, #tpu.memory_space<hbm>>
      tpu.wait_dma2 semaphore(%run_scoped3A : memref<!tpu.dma_semaphore, #tpu.memory_space<semaphore_mem>>) src(%dma_wait3A_170 : memref<40x128xi32, #tpu.memory_space<hbm>>) dst(%arg6 : memref<40x128xi32, #tpu.memory_space<vmem>>)
      tpu.yield
    }) : () -> ()
    "tpu.region"() ({
      %run_scoped3A = tpu.sem_alloc : memref<!tpu.dma_semaphore, #tpu.memory_space<semaphore_mem>>
      %dma_start3A_164 = arith.constant 0 : i32
      %dma_start3A_165 = tpu.memref_slice %arg4[%add3A_125, %dma_start3A_164] : memref<2560x128xi32, #tpu.memory_space<hbm>> -> memref<40x128xi32, #tpu.memory_space<hbm>>
      %dma_start3A_166 = arith.constant 0 : i32
      %dma_start3A_167 = tpu.memref_slice %arg4[%add3A_125, %dma_start3A_166] : memref<2560x128xi32, #tpu.memory_space<hbm>> -> memref<40x128xi32, #tpu.memory_space<hbm>>
      tpu.enqueue_dma source(%dma_start3A_167 : memref<40x128xi32, #tpu.memory_space<hbm>>) target(%arg7 : memref<40x128xi32, #tpu.memory_space<vmem>>) target_semaphore(%run_scoped3A : memref<!tpu.dma_semaphore, #tpu.memory_space<semaphore_mem>>)
      %dma_wait3A = arith.constant 0 : i32
      %dma_wait3A_168 = tpu.memref_slice %arg4[%add3A_125, %dma_wait3A] : memref<2560x128xi32, #tpu.memory_space<hbm>> -> memref<40x128xi32, #tpu.memory_space<hbm>>
      %dma_wait3A_169 = arith.constant 0 : i32
      %dma_wait3A_170 = tpu.memref_slice %arg4[%add3A_125, %dma_wait3A_169] : memref<2560x128xi32, #tpu.memory_space<hbm>> -> memref<40x128xi32, #tpu.memory_space<hbm>>
      tpu.wait_dma2 semaphore(%run_scoped3A : memref<!tpu.dma_semaphore, #tpu.memory_space<semaphore_mem>>) src(%dma_wait3A_170 : memref<40x128xi32, #tpu.memory_space<hbm>>) dst(%arg7 : memref<40x128xi32, #tpu.memory_space<vmem>>)
      tpu.yield
    }) : () -> ()
    %dma_start3A_126 = arith.constant 0 : i32
    %dma_start3A_127 = arith.constant 0 : i32
    %dma_start3A_128 = tpu.memref_slice %arg6[%dma_start3A_126, %dma_start3A_127] : memref<40x128xi32, #tpu.memory_space<vmem>> -> memref<1x128xi32, #tpu.memory_space<vmem>>
    %dma_start3A_129 = tpu.memref_squeeze %dma_start3A_128 : memref<1x128xi32, #tpu.memory_space<vmem>> -> memref<128xi32, #tpu.memory_space<vmem>>
    %dma_start3A_130 = arith.constant 0 : i32
    %dma_start3A_131 = arith.constant 0 : i32
    %dma_start3A_132 = tpu.memref_slice %arg13[%dma_start3A_130, %dma_start3A_131] : memref<10240x64xf32, #tpu.memory_space<vmem_shared>> -> memref<10240x64xf32, #tpu.memory_space<vmem_shared>>
    tpu.enqueue_indirect_dma source(%dma_start3A_132 : memref<10240x64xf32, #tpu.memory_space<vmem_shared>>) target(%arg8 : memref<128x64xf32, #tpu.memory_space<vmem>>) offsets(%dma_start3A_129 : memref<128xi32, #tpu.memory_space<vmem>>) semaphore(%arg15 : memref<!tpu.dma_semaphore, #tpu.memory_space<semaphore_mem>>)
    %dma_start3A_133 = arith.constant 1 : i32
    %dma_start3A_134 = arith.constant 0 : i32
    %dma_start3A_135 = tpu.memref_slice %arg6[%dma_start3A_133, %dma_start3A_134] : memref<40x128xi32, #tpu.memory_space<vmem>> -> memref<1x128xi32, #tpu.memory_space<vmem>>
    %dma_start3A_136 = tpu.memref_squeeze %dma_start3A_135 : memref<1x128xi32, #tpu.memory_space<vmem>> -> memref<128xi32, #tpu.memory_space<vmem>>
    %dma_start3A_137 = arith.constant 0 : i32
    %dma_start3A_138 = arith.constant 0 : i32
    %dma_start3A_139 = tpu.memref_slice %arg13[%dma_start3A_137, %dma_start3A_138] : memref<10240x64xf32, #tpu.memory_space<vmem_shared>> -> memref<10240x64xf32, #tpu.memory_space<vmem_shared>>
    tpu.enqueue_indirect_dma source(%dma_start3A_139 : memref<10240x64xf32, #tpu.memory_space<vmem_shared>>) target(%arg9 : memref<128x64xf32, #tpu.memory_space<vmem>>) offsets(%dma_start3A_136 : memref<128xi32, #tpu.memory_space<vmem>>) semaphore(%arg16 : memref<!tpu.dma_semaphore, #tpu.memory_space<semaphore_mem>>)
    %dma_start3A_140 = arith.constant 2 : i32
    %dma_start3A_141 = arith.constant 0 : i32
    %dma_start3A_142 = tpu.memref_slice %arg6[%dma_start3A_140, %dma_start3A_141] : memref<40x128xi32, #tpu.memory_space<vmem>> -> memref<1x128xi32, #tpu.memory_space<vmem>>
    %dma_start3A_143 = tpu.memref_squeeze %dma_start3A_142 : memref<1x128xi32, #tpu.memory_space<vmem>> -> memref<128xi32, #tpu.memory_space<vmem>>
    %dma_start3A_144 = arith.constant 0 : i32
    %dma_start3A_145 = arith.constant 0 : i32
    %dma_start3A_146 = tpu.memref_slice %arg13[%dma_start3A_144, %dma_start3A_145] : memref<10240x64xf32, #tpu.memory_space<vmem_shared>> -> memref<10240x64xf32, #tpu.memory_space<vmem_shared>>
    tpu.enqueue_indirect_dma source(%dma_start3A_146 : memref<10240x64xf32, #tpu.memory_space<vmem_shared>>) target(%arg10 : memref<128x64xf32, #tpu.memory_space<vmem>>) offsets(%dma_start3A_143 : memref<128xi32, #tpu.memory_space<vmem>>) semaphore(%arg17 : memref<!tpu.dma_semaphore, #tpu.memory_space<semaphore_mem>>)
    %dma_start3A_147 = arith.constant 3 : i32
    %dma_start3A_148 = arith.constant 0 : i32
    %dma_start3A_149 = tpu.memref_slice %arg6[%dma_start3A_147, %dma_start3A_148] : memref<40x128xi32, #tpu.memory_space<vmem>> -> memref<1x128xi32, #tpu.memory_space<vmem>>
    %dma_start3A_150 = tpu.memref_squeeze %dma_start3A_149 : memref<1x128xi32, #tpu.memory_space<vmem>> -> memref<128xi32, #tpu.memory_space<vmem>>
    %dma_start3A_151 = arith.constant 0 : i32
    %dma_start3A_152 = arith.constant 0 : i32
    %dma_start3A_153 = tpu.memref_slice %arg13[%dma_start3A_151, %dma_start3A_152] : memref<10240x64xf32, #tpu.memory_space<vmem_shared>> -> memref<10240x64xf32, #tpu.memory_space<vmem_shared>>
    tpu.enqueue_indirect_dma source(%dma_start3A_153 : memref<10240x64xf32, #tpu.memory_space<vmem_shared>>) target(%arg11 : memref<128x64xf32, #tpu.memory_space<vmem>>) offsets(%dma_start3A_150 : memref<128xi32, #tpu.memory_space<vmem>>) semaphore(%arg18 : memref<!tpu.dma_semaphore, #tpu.memory_space<semaphore_mem>>)
    %scan3A_154 = arith.constant 0 : i32
    %scan3A_155 = arith.constant 10 : i32
    %scan3A_156 = arith.addi %scan3A_154, %scan3A_155 : i32
    %scan3A_157 = arith.constant 1 : i32
    scf.for %scan3A_164 = %scan3A_154 to %scan3A_156 step %scan3A_157  : i32 {
      %mul3A_165 = arith.constant 4 : i32
      %mul3A_166 = arith.muli %scan3A_164, %mul3A_165 : i32
      %add3A_167 = arith.constant 0 : i32
      %add3A_168 = arith.addi %add3A_167, %mul3A_166 : i32
      %add3A_169 = arith.constant 0 : i32
      %add3A_170 = arith.addi %add3A_168, %add3A_169 : i32
      %dma_wait3A = arith.constant 0 : i32
      %dma_wait3A_171 = tpu.memref_slice %arg6[%add3A_170, %dma_wait3A] : memref<40x128xi32, #tpu.memory_space<vmem>> -> memref<1x128xi32, #tpu.memory_space<vmem>>
      %dma_wait3A_172 = tpu.memref_squeeze %dma_wait3A_171 : memref<1x128xi32, #tpu.memory_space<vmem>> -> memref<128xi32, #tpu.memory_space<vmem>>
      %dma_wait3A_173 = arith.constant 0 : i32
      %dma_wait3A_174 = arith.constant 0 : i32
      %dma_wait3A_175 = tpu.memref_slice %arg13[%dma_wait3A_173, %dma_wait3A_174] : memref<10240x64xf32, #tpu.memory_space<vmem_shared>> -> memref<10240x64xf32, #tpu.memory_space<vmem_shared>>
      tpu.wait_indirect_dma semaphore(%arg15 : memref<!tpu.dma_semaphore, #tpu.memory_space<semaphore_mem>>) src(%dma_wait3A_175 : memref<10240x64xf32, #tpu.memory_space<vmem_shared>>) dst(%arg8 : memref<128x64xf32, #tpu.memory_space<vmem>>)
      %add3A_176 = arith.constant 0 : i32
      %add3A_177 = arith.addi %add3A_168, %add3A_176 : i32
      %dma_start3A_178 = arith.constant 0 : i32
      %dma_start3A_179 = tpu.memref_slice %arg7[%add3A_177, %dma_start3A_178] : memref<40x128xi32, #tpu.memory_space<vmem>> -> memref<1x128xi32, #tpu.memory_space<vmem>>
      %dma_start3A_180 = tpu.memref_squeeze %dma_start3A_179 : memref<1x128xi32, #tpu.memory_space<vmem>> -> memref<128xi32, #tpu.memory_space<vmem>>
      %dma_start3A_181 = arith.constant 0 : i32
      %dma_start3A_182 = arith.constant 0 : i32
      %dma_start3A_183 = tpu.memref_slice %arg14[%dma_start3A_181, %dma_start3A_182] : memref<10240x64xf32, #tpu.memory_space<vmem_shared>> -> memref<10240x64xf32, #tpu.memory_space<vmem_shared>>
      tpu.enqueue_indirect_dma source(%arg8 : memref<128x64xf32, #tpu.memory_space<vmem>>) target(%dma_start3A_183 : memref<10240x64xf32, #tpu.memory_space<vmem_shared>>) offsets(%dma_start3A_180 : memref<128xi32, #tpu.memory_space<vmem>>) semaphore(%arg19 : memref<!tpu.dma_semaphore, #tpu.memory_space<semaphore_mem>>) {add = true}
      %add3A_184 = arith.constant 1 : i32
      %add3A_185 = arith.addi %add3A_168, %add3A_184 : i32
      %dma_wait3A_186 = arith.constant 0 : i32
      %dma_wait3A_187 = tpu.memref_slice %arg6[%add3A_185, %dma_wait3A_186] : memref<40x128xi32, #tpu.memory_space<vmem>> -> memref<1x128xi32, #tpu.memory_space<vmem>>
      %dma_wait3A_188 = tpu.memref_squeeze %dma_wait3A_187 : memref<1x128xi32, #tpu.memory_space<vmem>> -> memref<128xi32, #tpu.memory_space<vmem>>
      %dma_wait3A_189 = arith.constant 0 : i32
      %dma_wait3A_190 = arith.constant 0 : i32
      %dma_wait3A_191 = tpu.memref_slice %arg13[%dma_wait3A_189, %dma_wait3A_190] : memref<10240x64xf32, #tpu.memory_space<vmem_shared>> -> memref<10240x64xf32, #tpu.memory_space<vmem_shared>>
      tpu.wait_indirect_dma semaphore(%arg16 : memref<!tpu.dma_semaphore, #tpu.memory_space<semaphore_mem>>) src(%dma_wait3A_191 : memref<10240x64xf32, #tpu.memory_space<vmem_shared>>) dst(%arg9 : memref<128x64xf32, #tpu.memory_space<vmem>>)
      %add3A_192 = arith.constant 1 : i32
      %add3A_193 = arith.addi %add3A_168, %add3A_192 : i32
      %dma_start3A_194 = arith.constant 0 : i32
      %dma_start3A_195 = tpu.memref_slice %arg7[%add3A_193, %dma_start3A_194] : memref<40x128xi32, #tpu.memory_space<vmem>> -> memref<1x128xi32, #tpu.memory_space<vmem>>
      %dma_start3A_196 = tpu.memref_squeeze %dma_start3A_195 : memref<1x128xi32, #tpu.memory_space<vmem>> -> memref<128xi32, #tpu.memory_space<vmem>>
      %dma_start3A_197 = arith.constant 0 : i32
      %dma_start3A_198 = arith.constant 0 : i32
      %dma_start3A_199 = tpu.memref_slice %arg14[%dma_start3A_197, %dma_start3A_198] : memref<10240x64xf32, #tpu.memory_space<vmem_shared>> -> memref<10240x64xf32, #tpu.memory_space<vmem_shared>>
      tpu.enqueue_indirect_dma source(%arg9 : memref<128x64xf32, #tpu.memory_space<vmem>>) target(%dma_start3A_199 : memref<10240x64xf32, #tpu.memory_space<vmem_shared>>) offsets(%dma_start3A_196 : memref<128xi32, #tpu.memory_space<vmem>>) semaphore(%arg20 : memref<!tpu.dma_semaphore, #tpu.memory_space<semaphore_mem>>) {add = true}
      %add3A_200 = arith.constant 2 : i32
      %add3A_201 = arith.addi %add3A_168, %add3A_200 : i32
      %dma_wait3A_202 = arith.constant 0 : i32
      %dma_wait3A_203 = tpu.memref_slice %arg6[%add3A_201, %dma_wait3A_202] : memref<40x128xi32, #tpu.memory_space<vmem>> -> memref<1x128xi32, #tpu.memory_space<vmem>>
      %dma_wait3A_204 = tpu.memref_squeeze %dma_wait3A_203 : memref<1x128xi32, #tpu.memory_space<vmem>> -> memref<128xi32, #tpu.memory_space<vmem>>
      %dma_wait3A_205 = arith.constant 0 : i32
      %dma_wait3A_206 = arith.constant 0 : i32
      %dma_wait3A_207 = tpu.memref_slice %arg13[%dma_wait3A_205, %dma_wait3A_206] : memref<10240x64xf32, #tpu.memory_space<vmem_shared>> -> memref<10240x64xf32, #tpu.memory_space<vmem_shared>>
      tpu.wait_indirect_dma semaphore(%arg17 : memref<!tpu.dma_semaphore, #tpu.memory_space<semaphore_mem>>) src(%dma_wait3A_207 : memref<10240x64xf32, #tpu.memory_space<vmem_shared>>) dst(%arg10 : memref<128x64xf32, #tpu.memory_space<vmem>>)
      %add3A_208 = arith.constant 2 : i32
      %add3A_209 = arith.addi %add3A_168, %add3A_208 : i32
      %dma_start3A_210 = arith.constant 0 : i32
      %dma_start3A_211 = tpu.memref_slice %arg7[%add3A_209, %dma_start3A_210] : memref<40x128xi32, #tpu.memory_space<vmem>> -> memref<1x128xi32, #tpu.memory_space<vmem>>
      %dma_start3A_212 = tpu.memref_squeeze %dma_start3A_211 : memref<1x128xi32, #tpu.memory_space<vmem>> -> memref<128xi32, #tpu.memory_space<vmem>>
      %dma_start3A_213 = arith.constant 0 : i32
      %dma_start3A_214 = arith.constant 0 : i32
      %dma_start3A_215 = tpu.memref_slice %arg14[%dma_start3A_213, %dma_start3A_214] : memref<10240x64xf32, #tpu.memory_space<vmem_shared>> -> memref<10240x64xf32, #tpu.memory_space<vmem_shared>>
      tpu.enqueue_indirect_dma source(%arg10 : memref<128x64xf32, #tpu.memory_space<vmem>>) target(%dma_start3A_215 : memref<10240x64xf32, #tpu.memory_space<vmem_shared>>) offsets(%dma_start3A_212 : memref<128xi32, #tpu.memory_space<vmem>>) semaphore(%arg21 : memref<!tpu.dma_semaphore, #tpu.memory_space<semaphore_mem>>) {add = true}
      %add3A_216 = arith.constant 3 : i32
      %add3A_217 = arith.addi %add3A_168, %add3A_216 : i32
      %dma_wait3A_218 = arith.constant 0 : i32
      %dma_wait3A_219 = tpu.memref_slice %arg6[%add3A_217, %dma_wait3A_218] : memref<40x128xi32, #tpu.memory_space<vmem>> -> memref<1x128xi32, #tpu.memory_space<vmem>>
      %dma_wait3A_220 = tpu.memref_squeeze %dma_wait3A_219 : memref<1x128xi32, #tpu.memory_space<vmem>> -> memref<128xi32, #tpu.memory_space<vmem>>
      %dma_wait3A_221 = arith.constant 0 : i32
      %dma_wait3A_222 = arith.constant 0 : i32
      %dma_wait3A_223 = tpu.memref_slice %arg13[%dma_wait3A_221, %dma_wait3A_222] : memref<10240x64xf32, #tpu.memory_space<vmem_shared>> -> memref<10240x64xf32, #tpu.memory_space<vmem_shared>>
      tpu.wait_indirect_dma semaphore(%arg18 : memref<!tpu.dma_semaphore, #tpu.memory_space<semaphore_mem>>) src(%dma_wait3A_223 : memref<10240x64xf32, #tpu.memory_space<vmem_shared>>) dst(%arg11 : memref<128x64xf32, #tpu.memory_space<vmem>>)
      %add3A_224 = arith.constant 3 : i32
      %add3A_225 = arith.addi %add3A_168, %add3A_224 : i32
      %dma_start3A_226 = arith.constant 0 : i32
      %dma_start3A_227 = tpu.memref_slice %arg7[%add3A_225, %dma_start3A_226] : memref<40x128xi32, #tpu.memory_space<vmem>> -> memref<1x128xi32, #tpu.memory_space<vmem>>
      %dma_start3A_228 = tpu.memref_squeeze %dma_start3A_227 : memref<1x128xi32, #tpu.memory_space<vmem>> -> memref<128xi32, #tpu.memory_space<vmem>>
      %dma_start3A_229 = arith.constant 0 : i32
      %dma_start3A_230 = arith.constant 0 : i32
      %dma_start3A_231 = tpu.memref_slice %arg14[%dma_start3A_229, %dma_start3A_230] : memref<10240x64xf32, #tpu.memory_space<vmem_shared>> -> memref<10240x64xf32, #tpu.memory_space<vmem_shared>>
      tpu.enqueue_indirect_dma source(%arg11 : memref<128x64xf32, #tpu.memory_space<vmem>>) target(%dma_start3A_231 : memref<10240x64xf32, #tpu.memory_space<vmem_shared>>) offsets(%dma_start3A_228 : memref<128xi32, #tpu.memory_space<vmem>>) semaphore(%arg22 : memref<!tpu.dma_semaphore, #tpu.memory_space<semaphore_mem>>) {add = true}
      %add3A_232 = arith.constant 0 : i32
      %add3A_233 = arith.addi %add3A_168, %add3A_232 : i32
      %dma_wait3A_234 = arith.constant 0 : i32
      %dma_wait3A_235 = tpu.memref_slice %arg7[%add3A_233, %dma_wait3A_234] : memref<40x128xi32, #tpu.memory_space<vmem>> -> memref<1x128xi32, #tpu.memory_space<vmem>>
      %dma_wait3A_236 = tpu.memref_squeeze %dma_wait3A_235 : memref<1x128xi32, #tpu.memory_space<vmem>> -> memref<128xi32, #tpu.memory_space<vmem>>
      %dma_wait3A_237 = arith.constant 0 : i32
      %dma_wait3A_238 = arith.constant 0 : i32
      %dma_wait3A_239 = tpu.memref_slice %arg14[%dma_wait3A_237, %dma_wait3A_238] : memref<10240x64xf32, #tpu.memory_space<vmem_shared>> -> memref<10240x64xf32, #tpu.memory_space<vmem_shared>>
      tpu.wait_indirect_dma semaphore(%arg19 : memref<!tpu.dma_semaphore, #tpu.memory_space<semaphore_mem>>) src(%arg8 : memref<128x64xf32, #tpu.memory_space<vmem>>) dst(%dma_wait3A_239 : memref<10240x64xf32, #tpu.memory_space<vmem_shared>>)
      %add3A_240 = arith.constant 4 : i32
      %add3A_241 = arith.addi %add3A_168, %add3A_240 : i32
      %add3A_242 = arith.constant 0 : i32
      %add3A_243 = arith.addi %add3A_241, %add3A_242 : i32
      %lt3A = arith.constant 40 : i32
      %lt3A_244 = arith.cmpi slt, %add3A_243, %lt3A : i32
      %convert_element_type3A = arith.extui %lt3A_244 : i1 to i32
      %cond3A = arith.constant 0 : i32
      %cond3A_245 = arith.cmpi ne, %convert_element_type3A, %cond3A : i32
      scf.if %cond3A_245 {
        %add3A_297 = arith.constant 4 : i32
        %add3A_298 = arith.addi %add3A_168, %add3A_297 : i32
        %add3A_299 = arith.constant 0 : i32
        %add3A_300 = arith.addi %add3A_298, %add3A_299 : i32
        %dma_start3A_301 = arith.constant 0 : i32
        %dma_start3A_302 = tpu.memref_slice %arg6[%add3A_300, %dma_start3A_301] : memref<40x128xi32, #tpu.memory_space<vmem>> -> memref<1x128xi32, #tpu.memory_space<vmem>>
        %dma_start3A_303 = tpu.memref_squeeze %dma_start3A_302 : memref<1x128xi32, #tpu.memory_space<vmem>> -> memref<128xi32, #tpu.memory_space<vmem>>
        %dma_start3A_304 = arith.constant 0 : i32
        %dma_start3A_305 = arith.constant 0 : i32
        %dma_start3A_306 = tpu.memref_slice %arg13[%dma_start3A_304, %dma_start3A_305] : memref<10240x64xf32, #tpu.memory_space<vmem_shared>> -> memref<10240x64xf32, #tpu.memory_space<vmem_shared>>
        tpu.enqueue_indirect_dma source(%dma_start3A_306 : memref<10240x64xf32, #tpu.memory_space<vmem_shared>>) target(%arg8 : memref<128x64xf32, #tpu.memory_space<vmem>>) offsets(%dma_start3A_303 : memref<128xi32, #tpu.memory_space<vmem>>) semaphore(%arg15 : memref<!tpu.dma_semaphore, #tpu.memory_space<semaphore_mem>>)
      } else {
      }
      %add3A_246 = arith.constant 1 : i32
      %add3A_247 = arith.addi %add3A_168, %add3A_246 : i32
      %dma_wait3A_248 = arith.constant 0 : i32
      %dma_wait3A_249 = tpu.memref_slice %arg7[%add3A_247, %dma_wait3A_248] : memref<40x128xi32, #tpu.memory_space<vmem>> -> memref<1x128xi32, #tpu.memory_space<vmem>>
      %dma_wait3A_250 = tpu.memref_squeeze %dma_wait3A_249 : memref<1x128xi32, #tpu.memory_space<vmem>> -> memref<128xi32, #tpu.memory_space<vmem>>
      %dma_wait3A_251 = arith.constant 0 : i32
      %dma_wait3A_252 = arith.constant 0 : i32
      %dma_wait3A_253 = tpu.memref_slice %arg14[%dma_wait3A_251, %dma_wait3A_252] : memref<10240x64xf32, #tpu.memory_space<vmem_shared>> -> memref<10240x64xf32, #tpu.memory_space<vmem_shared>>
      tpu.wait_indirect_dma semaphore(%arg20 : memref<!tpu.dma_semaphore, #tpu.memory_space<semaphore_mem>>) src(%arg9 : memref<128x64xf32, #tpu.memory_space<vmem>>) dst(%dma_wait3A_253 : memref<10240x64xf32, #tpu.memory_space<vmem_shared>>)
      %add3A_254 = arith.constant 4 : i32
      %add3A_255 = arith.addi %add3A_168, %add3A_254 : i32
      %add3A_256 = arith.constant 1 : i32
      %add3A_257 = arith.addi %add3A_255, %add3A_256 : i32
      %lt3A_258 = arith.constant 40 : i32
      %lt3A_259 = arith.cmpi slt, %add3A_257, %lt3A_258 : i32
      %convert_element_type3A_260 = arith.extui %lt3A_259 : i1 to i32
      %cond3A_261 = arith.constant 0 : i32
      %cond3A_262 = arith.cmpi ne, %convert_element_type3A_260, %cond3A_261 : i32
      scf.if %cond3A_262 {
        %add3A_297 = arith.constant 4 : i32
        %add3A_298 = arith.addi %add3A_168, %add3A_297 : i32
        %add3A_299 = arith.constant 1 : i32
        %add3A_300 = arith.addi %add3A_298, %add3A_299 : i32
        %dma_start3A_301 = arith.constant 0 : i32
        %dma_start3A_302 = tpu.memref_slice %arg6[%add3A_300, %dma_start3A_301] : memref<40x128xi32, #tpu.memory_space<vmem>> -> memref<1x128xi32, #tpu.memory_space<vmem>>
        %dma_start3A_303 = tpu.memref_squeeze %dma_start3A_302 : memref<1x128xi32, #tpu.memory_space<vmem>> -> memref<128xi32, #tpu.memory_space<vmem>>
        %dma_start3A_304 = arith.constant 0 : i32
        %dma_start3A_305 = arith.constant 0 : i32
        %dma_start3A_306 = tpu.memref_slice %arg13[%dma_start3A_304, %dma_start3A_305] : memref<10240x64xf32, #tpu.memory_space<vmem_shared>> -> memref<10240x64xf32, #tpu.memory_space<vmem_shared>>
        tpu.enqueue_indirect_dma source(%dma_start3A_306 : memref<10240x64xf32, #tpu.memory_space<vmem_shared>>) target(%arg9 : memref<128x64xf32, #tpu.memory_space<vmem>>) offsets(%dma_start3A_303 : memref<128xi32, #tpu.memory_space<vmem>>) semaphore(%arg16 : memref<!tpu.dma_semaphore, #tpu.memory_space<semaphore_mem>>)
      } else {
      }
      %add3A_263 = arith.constant 2 : i32
      %add3A_264 = arith.addi %add3A_168, %add3A_263 : i32
      %dma_wait3A_265 = arith.constant 0 : i32
      %dma_wait3A_266 = tpu.memref_slice %arg7[%add3A_264, %dma_wait3A_265] : memref<40x128xi32, #tpu.memory_space<vmem>> -> memref<1x128xi32, #tpu.memory_space<vmem>>
      %dma_wait3A_267 = tpu.memref_squeeze %dma_wait3A_266 : memref<1x128xi32, #tpu.memory_space<vmem>> -> memref<128xi32, #tpu.memory_space<vmem>>
      %dma_wait3A_268 = arith.constant 0 : i32
      %dma_wait3A_269 = arith.constant 0 : i32
      %dma_wait3A_270 = tpu.memref_slice %arg14[%dma_wait3A_268, %dma_wait3A_269] : memref<10240x64xf32, #tpu.memory_space<vmem_shared>> -> memref<10240x64xf32, #tpu.memory_space<vmem_shared>>
      tpu.wait_indirect_dma semaphore(%arg21 : memref<!tpu.dma_semaphore, #tpu.memory_space<semaphore_mem>>) src(%arg10 : memref<128x64xf32, #tpu.memory_space<vmem>>) dst(%dma_wait3A_270 : memref<10240x64xf32, #tpu.memory_space<vmem_shared>>)
      %add3A_271 = arith.constant 4 : i32
      %add3A_272 = arith.addi %add3A_168, %add3A_271 : i32
      %add3A_273 = arith.constant 2 : i32
      %add3A_274 = arith.addi %add3A_272, %add3A_273 : i32
      %lt3A_275 = arith.constant 40 : i32
      %lt3A_276 = arith.cmpi slt, %add3A_274, %lt3A_275 : i32
      %convert_element_type3A_277 = arith.extui %lt3A_276 : i1 to i32
      %cond3A_278 = arith.constant 0 : i32
      %cond3A_279 = arith.cmpi ne, %convert_element_type3A_277, %cond3A_278 : i32
      scf.if %cond3A_279 {
        %add3A_297 = arith.constant 4 : i32
        %add3A_298 = arith.addi %add3A_168, %add3A_297 : i32
        %add3A_299 = arith.constant 2 : i32
        %add3A_300 = arith.addi %add3A_298, %add3A_299 : i32
        %dma_start3A_301 = arith.constant 0 : i32
        %dma_start3A_302 = tpu.memref_slice %arg6[%add3A_300, %dma_start3A_301] : memref<40x128xi32, #tpu.memory_space<vmem>> -> memref<1x128xi32, #tpu.memory_space<vmem>>
        %dma_start3A_303 = tpu.memref_squeeze %dma_start3A_302 : memref<1x128xi32, #tpu.memory_space<vmem>> -> memref<128xi32, #tpu.memory_space<vmem>>
        %dma_start3A_304 = arith.constant 0 : i32
        %dma_start3A_305 = arith.constant 0 : i32
        %dma_start3A_306 = tpu.memref_slice %arg13[%dma_start3A_304, %dma_start3A_305] : memref<10240x64xf32, #tpu.memory_space<vmem_shared>> -> memref<10240x64xf32, #tpu.memory_space<vmem_shared>>
        tpu.enqueue_indirect_dma source(%dma_start3A_306 : memref<10240x64xf32, #tpu.memory_space<vmem_shared>>) target(%arg10 : memref<128x64xf32, #tpu.memory_space<vmem>>) offsets(%dma_start3A_303 : memref<128xi32, #tpu.memory_space<vmem>>) semaphore(%arg17 : memref<!tpu.dma_semaphore, #tpu.memory_space<semaphore_mem>>)
      } else {
      }
      %add3A_280 = arith.constant 3 : i32
      %add3A_281 = arith.addi %add3A_168, %add3A_280 : i32
      %dma_wait3A_282 = arith.constant 0 : i32
      %dma_wait3A_283 = tpu.memref_slice %arg7[%add3A_281, %dma_wait3A_282] : memref<40x128xi32, #tpu.memory_space<vmem>> -> memref<1x128xi32, #tpu.memory_space<vmem>>
      %dma_wait3A_284 = tpu.memref_squeeze %dma_wait3A_283 : memref<1x128xi32, #tpu.memory_space<vmem>> -> memref<128xi32, #tpu.memory_space<vmem>>
      %dma_wait3A_285 = arith.constant 0 : i32
      %dma_wait3A_286 = arith.constant 0 : i32
      %dma_wait3A_287 = tpu.memref_slice %arg14[%dma_wait3A_285, %dma_wait3A_286] : memref<10240x64xf32, #tpu.memory_space<vmem_shared>> -> memref<10240x64xf32, #tpu.memory_space<vmem_shared>>
      tpu.wait_indirect_dma semaphore(%arg22 : memref<!tpu.dma_semaphore, #tpu.memory_space<semaphore_mem>>) src(%arg11 : memref<128x64xf32, #tpu.memory_space<vmem>>) dst(%dma_wait3A_287 : memref<10240x64xf32, #tpu.memory_space<vmem_shared>>)
      %add3A_288 = arith.constant 4 : i32
      %add3A_289 = arith.addi %add3A_168, %add3A_288 : i32
      %add3A_290 = arith.constant 3 : i32
      %add3A_291 = arith.addi %add3A_289, %add3A_290 : i32
      %lt3A_292 = arith.constant 40 : i32
      %lt3A_293 = arith.cmpi slt, %add3A_291, %lt3A_292 : i32
      %convert_element_type3A_294 = arith.extui %lt3A_293 : i1 to i32
      %cond3A_295 = arith.constant 0 : i32
      %cond3A_296 = arith.cmpi ne, %convert_element_type3A_294, %cond3A_295 : i32
      scf.if %cond3A_296 {
        %add3A_297 = arith.constant 4 : i32
        %add3A_298 = arith.addi %add3A_168, %add3A_297 : i32
        %add3A_299 = arith.constant 3 : i32
        %add3A_300 = arith.addi %add3A_298, %add3A_299 : i32
        %dma_start3A_301 = arith.constant 0 : i32
        %dma_start3A_302 = tpu.memref_slice %arg6[%add3A_300, %dma_start3A_301] : memref<40x128xi32, #tpu.memory_space<vmem>> -> memref<1x128xi32, #tpu.memory_space<vmem>>
        %dma_start3A_303 = tpu.memref_squeeze %dma_start3A_302 : memref<1x128xi32, #tpu.memory_space<vmem>> -> memref<128xi32, #tpu.memory_space<vmem>>
        %dma_start3A_304 = arith.constant 0 : i32
        %dma_start3A_305 = arith.constant 0 : i32
        %dma_start3A_306 = tpu.memref_slice %arg13[%dma_start3A_304, %dma_start3A_305] : memref<10240x64xf32, #tpu.memory_space<vmem_shared>> -> memref<10240x64xf32, #tpu.memory_space<vmem_shared>>
        tpu.enqueue_indirect_dma source(%dma_start3A_306 : memref<10240x64xf32, #tpu.memory_space<vmem_shared>>) target(%arg11 : memref<128x64xf32, #tpu.memory_space<vmem>>) offsets(%dma_start3A_303 : memref<128xi32, #tpu.memory_space<vmem>>) semaphore(%arg18 : memref<!tpu.dma_semaphore, #tpu.memory_space<semaphore_mem>>)
      } else {
      }
    }
    %scan3A_158 = arith.constant 10 : i32
    %barrier3A_159 = arith.constant 0 : index
    tpu.barrier barrier_id(%barrier3A_159)
    %mul3A_160 = arith.constant 640 : i32
    %mul3A_161 = arith.muli %arg1, %mul3A_160 : i32
    %mul3A_162 = arith.constant 640 : i32
    %mul3A_163 = arith.muli %arg1, %mul3A_162 : i32
    "tpu.region"() ({
      %run_scoped3A = tpu.sem_alloc : memref<!tpu.dma_semaphore, #tpu.memory_space<semaphore_mem>>
      %dma_start3A_164 = arith.constant 0 : i32
      %dma_start3A_165 = tpu.memref_slice %arg5[%arg0, %mul3A_163, %dma_start3A_164] : memref<2x10240x64xf32, #tpu.memory_space<hbm>> -> memref<1x640x64xf32, #tpu.memory_space<hbm>>
      %dma_start3A_166 = tpu.memref_squeeze %dma_start3A_165 : memref<1x640x64xf32, #tpu.memory_space<hbm>> -> memref<640x64xf32, #tpu.memory_space<hbm>>
      %dma_start3A_167 = arith.constant 0 : i32
      %dma_start3A_168 = tpu.memref_slice %arg14[%mul3A_161, %dma_start3A_167] : memref<10240x64xf32, #tpu.memory_space<vmem_shared>> -> memref<640x64xf32, #tpu.memory_space<vmem_shared>>
      tpu.enqueue_dma source(%dma_start3A_168 : memref<640x64xf32, #tpu.memory_space<vmem_shared>>) target(%dma_start3A_166 : memref<640x64xf32, #tpu.memory_space<hbm>>) target_semaphore(%run_scoped3A : memref<!tpu.dma_semaphore, #tpu.memory_space<semaphore_mem>>)
      %dma_wait3A = arith.constant 0 : i32
      %dma_wait3A_169 = tpu.memref_slice %arg5[%arg0, %mul3A_163, %dma_wait3A] : memref<2x10240x64xf32, #tpu.memory_space<hbm>> -> memref<1x640x64xf32, #tpu.memory_space<hbm>>
      %dma_wait3A_170 = tpu.memref_squeeze %dma_wait3A_169 : memref<1x640x64xf32, #tpu.memory_space<hbm>> -> memref<640x64xf32, #tpu.memory_space<hbm>>
      %dma_wait3A_171 = arith.constant 0 : i32
      %dma_wait3A_172 = tpu.memref_slice %arg14[%mul3A_161, %dma_wait3A_171] : memref<10240x64xf32, #tpu.memory_space<vmem_shared>> -> memref<640x64xf32, #tpu.memory_space<vmem_shared>>
      tpu.wait_dma2 semaphore(%run_scoped3A : memref<!tpu.dma_semaphore, #tpu.memory_space<semaphore_mem>>) src(%dma_wait3A_172 : memref<640x64xf32, #tpu.memory_space<vmem_shared>>) dst(%dma_wait3A_170 : memref<640x64xf32, #tpu.memory_space<hbm>>)
      tpu.yield
    }) : () -> ()
    return
  }
}

#map = affine_map<(d0, d1) -> (0, 0)>
module attributes {stable_mosaic.version = 14 : i64} {
  func.func @_deg_kernel(%arg0: i32, %arg1: i32, %arg2: memref<2560x128xi32, #tpu.memory_space<hbm>>, %arg3: memref<32x10240xf32, #tpu.memory_space<hbm>>, %arg4: memref<80x128xi32, #tpu.memory_space<vmem>>, %arg5: memref<10240xf32, #tpu.memory_space<vmem>>) attributes {dimension_semantics = [#tpu.dimension_semantics<core_parallel>, #tpu.dimension_semantics<subcore_parallel>], iteration_bounds = array<i64: 2, 16>, scalar_prefetch = 0 : i64, scratch_operands = 2 : i64, tpu.core_type = #tpu.core_type<sc_vector_subcore>, window_params = [{transform_indices = #map}, {transform_indices = #map}]} {
    %mul3A = arith.constant 16 : i32
    %mul3A_0 = arith.muli %arg0, %mul3A : i32
    %add3A = arith.addi %mul3A_0, %arg1 : i32
    %mul3A_1 = arith.constant 80 : i32
    %mul3A_2 = arith.muli %add3A, %mul3A_1 : i32
    "tpu.region"() ({
      %run_scoped3A = tpu.sem_alloc : memref<!tpu.dma_semaphore, #tpu.memory_space<semaphore_mem>>
      %dma_start3A = arith.constant 0 : i32
      %dma_start3A_15 = tpu.memref_slice %arg2[%mul3A_2, %dma_start3A] : memref<2560x128xi32, #tpu.memory_space<hbm>> -> memref<80x128xi32, #tpu.memory_space<hbm>>
      %dma_start3A_16 = arith.constant 0 : i32
      %dma_start3A_17 = tpu.memref_slice %arg2[%mul3A_2, %dma_start3A_16] : memref<2560x128xi32, #tpu.memory_space<hbm>> -> memref<80x128xi32, #tpu.memory_space<hbm>>
      tpu.enqueue_dma source(%dma_start3A_17 : memref<80x128xi32, #tpu.memory_space<hbm>>) target(%arg4 : memref<80x128xi32, #tpu.memory_space<vmem>>) target_semaphore(%run_scoped3A : memref<!tpu.dma_semaphore, #tpu.memory_space<semaphore_mem>>)
      %dma_wait3A = arith.constant 0 : i32
      %dma_wait3A_18 = tpu.memref_slice %arg2[%mul3A_2, %dma_wait3A] : memref<2560x128xi32, #tpu.memory_space<hbm>> -> memref<80x128xi32, #tpu.memory_space<hbm>>
      %dma_wait3A_19 = arith.constant 0 : i32
      %dma_wait3A_20 = tpu.memref_slice %arg2[%mul3A_2, %dma_wait3A_19] : memref<2560x128xi32, #tpu.memory_space<hbm>> -> memref<80x128xi32, #tpu.memory_space<hbm>>
      tpu.wait_dma2 semaphore(%run_scoped3A : memref<!tpu.dma_semaphore, #tpu.memory_space<semaphore_mem>>) src(%dma_wait3A_20 : memref<80x128xi32, #tpu.memory_space<hbm>>) dst(%arg4 : memref<80x128xi32, #tpu.memory_space<vmem>>)
      tpu.yield
    }) : () -> ()
    %broadcast_in_dim3A = arith.constant 0.000000e+00 : f32
    %broadcast_in_dim3A_3 = vector.broadcast %broadcast_in_dim3A : f32 to vector<16xf32>
    %scan3A = arith.constant 0 : i32
    %scan3A_4 = arith.constant 640 : i32
    %scan3A_5 = arith.addi %scan3A, %scan3A_4 : i32
    %scan3A_6 = arith.constant 1 : i32
    scf.for %scan3A_15 = %scan3A to %scan3A_5 step %scan3A_6  : i32 {
      %mul3A_16 = arith.constant 1 : i32
      %mul3A_17 = arith.muli %scan3A_15, %mul3A_16 : i32
      %add3A_18 = arith.constant 0 : i32
      %add3A_19 = arith.addi %add3A_18, %mul3A_17 : i32
      %mul3A_20 = arith.constant 16 : i32
      %mul3A_21 = arith.muli %add3A_19, %mul3A_20 : i32
      %swap3A = arith.index_cast %mul3A_21 : i32 to index
      %swap3A_22 = tpu.vector_load %arg5[%swap3A] {strides = array<i32>} : memref<10240xf32, #tpu.memory_space<vmem>>, vector<16xf32>,
      tpu.vector_store %arg5[%swap3A], %broadcast_in_dim3A_3 {strides = array<i32>} : memref<10240xf32, #tpu.memory_space<vmem>>, vector<16xf32>,
    }
    %scan3A_7 = arith.constant 640 : i32
    %broadcast_in_dim3A_8 = arith.constant 1.000000e+00 : f32
    %broadcast_in_dim3A_9 = vector.broadcast %broadcast_in_dim3A_8 : f32 to vector<16xf32>
    %scan3A_10 = arith.constant 0 : i32
    %scan3A_11 = arith.constant 80 : i32
    %scan3A_12 = arith.addi %scan3A_10, %scan3A_11 : i32
    %scan3A_13 = arith.constant 1 : i32
    scf.for %scan3A_15 = %scan3A_10 to %scan3A_12 step %scan3A_13  : i32 {
      %mul3A_16 = arith.constant 1 : i32
      %mul3A_17 = arith.muli %scan3A_15, %mul3A_16 : i32
      %add3A_18 = arith.constant 0 : i32
      %add3A_19 = arith.addi %add3A_18, %mul3A_17 : i32
      %get3A = arith.index_cast %add3A_19 : i32 to index
      %get3A_20 = arith.constant 0 : index
      %get3A_21 = tpu.vector_load %arg4[%get3A, %get3A_20] {strides = array<i32>} : memref<80x128xi32, #tpu.memory_space<vmem>>, vector<16xi32>,
      tpu.vector_store_idx %arg5[%get3A_21], %broadcast_in_dim3A_9 {add = true} : memref<10240xf32, #tpu.memory_space<vmem>>[vector<16xi32>], vector<16xf32>,
      %get3A_22 = arith.index_cast %add3A_19 : i32 to index
      %get3A_23 = arith.constant 16 : index
      %get3A_24 = tpu.vector_load %arg4[%get3A_22, %get3A_23] {strides = array<i32>} : memref<80x128xi32, #tpu.memory_space<vmem>>, vector<16xi32>,
      tpu.vector_store_idx %arg5[%get3A_24], %broadcast_in_dim3A_9 {add = true} : memref<10240xf32, #tpu.memory_space<vmem>>[vector<16xi32>], vector<16xf32>,
      %get3A_25 = arith.index_cast %add3A_19 : i32 to index
      %get3A_26 = arith.constant 32 : index
      %get3A_27 = tpu.vector_load %arg4[%get3A_25, %get3A_26] {strides = array<i32>} : memref<80x128xi32, #tpu.memory_space<vmem>>, vector<16xi32>,
      tpu.vector_store_idx %arg5[%get3A_27], %broadcast_in_dim3A_9 {add = true} : memref<10240xf32, #tpu.memory_space<vmem>>[vector<16xi32>], vector<16xf32>,
      %get3A_28 = arith.index_cast %add3A_19 : i32 to index
      %get3A_29 = arith.constant 48 : index
      %get3A_30 = tpu.vector_load %arg4[%get3A_28, %get3A_29] {strides = array<i32>} : memref<80x128xi32, #tpu.memory_space<vmem>>, vector<16xi32>,
      tpu.vector_store_idx %arg5[%get3A_30], %broadcast_in_dim3A_9 {add = true} : memref<10240xf32, #tpu.memory_space<vmem>>[vector<16xi32>], vector<16xf32>,
      %get3A_31 = arith.index_cast %add3A_19 : i32 to index
      %get3A_32 = arith.constant 64 : index
      %get3A_33 = tpu.vector_load %arg4[%get3A_31, %get3A_32] {strides = array<i32>} : memref<80x128xi32, #tpu.memory_space<vmem>>, vector<16xi32>,
      tpu.vector_store_idx %arg5[%get3A_33], %broadcast_in_dim3A_9 {add = true} : memref<10240xf32, #tpu.memory_space<vmem>>[vector<16xi32>], vector<16xf32>,
      %get3A_34 = arith.index_cast %add3A_19 : i32 to index
      %get3A_35 = arith.constant 80 : index
      %get3A_36 = tpu.vector_load %arg4[%get3A_34, %get3A_35] {strides = array<i32>} : memref<80x128xi32, #tpu.memory_space<vmem>>, vector<16xi32>,
      tpu.vector_store_idx %arg5[%get3A_36], %broadcast_in_dim3A_9 {add = true} : memref<10240xf32, #tpu.memory_space<vmem>>[vector<16xi32>], vector<16xf32>,
      %get3A_37 = arith.index_cast %add3A_19 : i32 to index
      %get3A_38 = arith.constant 96 : index
      %get3A_39 = tpu.vector_load %arg4[%get3A_37, %get3A_38] {strides = array<i32>} : memref<80x128xi32, #tpu.memory_space<vmem>>, vector<16xi32>,
      tpu.vector_store_idx %arg5[%get3A_39], %broadcast_in_dim3A_9 {add = true} : memref<10240xf32, #tpu.memory_space<vmem>>[vector<16xi32>], vector<16xf32>,
      %get3A_40 = arith.index_cast %add3A_19 : i32 to index
      %get3A_41 = arith.constant 112 : index
      %get3A_42 = tpu.vector_load %arg4[%get3A_40, %get3A_41] {strides = array<i32>} : memref<80x128xi32, #tpu.memory_space<vmem>>, vector<16xi32>,
      tpu.vector_store_idx %arg5[%get3A_42], %broadcast_in_dim3A_9 {add = true} : memref<10240xf32, #tpu.memory_space<vmem>>[vector<16xi32>], vector<16xf32>,
    }
    %scan3A_14 = arith.constant 80 : i32
    "tpu.region"() ({
      %run_scoped3A = tpu.sem_alloc : memref<!tpu.dma_semaphore, #tpu.memory_space<semaphore_mem>>
      %dma_start3A = arith.constant 0 : i32
      %dma_start3A_15 = tpu.memref_slice %arg3[%add3A, %dma_start3A] : memref<32x10240xf32, #tpu.memory_space<hbm>> -> memref<1x10240xf32, #tpu.memory_space<hbm>>
      %dma_start3A_16 = tpu.memref_squeeze %dma_start3A_15 : memref<1x10240xf32, #tpu.memory_space<hbm>> -> memref<10240xf32, #tpu.memory_space<hbm>>
      %dma_start3A_17 = arith.constant 0 : i32
      %dma_start3A_18 = tpu.memref_slice %arg3[%add3A, %dma_start3A_17] : memref<32x10240xf32, #tpu.memory_space<hbm>> -> memref<1x10240xf32, #tpu.memory_space<hbm>>
      %dma_start3A_19 = tpu.memref_squeeze %dma_start3A_18 : memref<1x10240xf32, #tpu.memory_space<hbm>> -> memref<10240xf32, #tpu.memory_space<hbm>>
      tpu.enqueue_dma source(%arg5 : memref<10240xf32, #tpu.memory_space<vmem>>) target(%dma_start3A_19 : memref<10240xf32, #tpu.memory_space<hbm>>) target_semaphore(%run_scoped3A : memref<!tpu.dma_semaphore, #tpu.memory_space<semaphore_mem>>)
      %dma_wait3A = arith.constant 0 : i32
      %dma_wait3A_20 = tpu.memref_slice %arg3[%add3A, %dma_wait3A] : memref<32x10240xf32, #tpu.memory_space<hbm>> -> memref<1x10240xf32, #tpu.memory_space<hbm>>
      %dma_wait3A_21 = tpu.memref_squeeze %dma_wait3A_20 : memref<1x10240xf32, #tpu.memory_space<hbm>> -> memref<10240xf32, #tpu.memory_space<hbm>>
      %dma_wait3A_22 = arith.constant 0 : i32
      %dma_wait3A_23 = tpu.memref_slice %arg3[%add3A, %dma_wait3A_22] : memref<32x10240xf32, #tpu.memory_space<hbm>> -> memref<1x10240xf32, #tpu.memory_space<hbm>>
      %dma_wait3A_24 = tpu.memref_squeeze %dma_wait3A_23 : memref<1x10240xf32, #tpu.memory_space<hbm>> -> memref<10240xf32, #tpu.memory_space<hbm>>
      tpu.wait_dma2 semaphore(%run_scoped3A : memref<!tpu.dma_semaphore, #tpu.memory_space<semaphore_mem>>) src(%arg5 : memref<10240xf32, #tpu.memory_space<vmem>>) dst(%dma_wait3A_24 : memref<10240xf32, #tpu.memory_space<hbm>>)
      tpu.yield
    }) : () -> ()
    return
  }
}

module attributes {stable_mosaic.version = 14 : i64} {
  func.func @_pre_body(%arg0: i32, %arg1: memref<1024x128xf32, #tpu.memory_space<vmem>>, %arg2: memref<32x1024xf32, #tpu.memory_space<vmem>>, %arg3: memref<128x128xf32, #tpu.memory_space<vmem>>, %arg4: memref<512x128xf32, #tpu.memory_space<vmem>>, %arg5: memref<512x128xf32, #tpu.memory_space<vmem>>, %arg6: memref<1x512xf32, #tpu.memory_space<vmem>>, %arg7: memref<1x512xf32, #tpu.memory_space<vmem>>, %arg8: memref<128x128xf32, #tpu.memory_space<vmem>>, %arg9: memref<128x128xf32, #tpu.memory_space<vmem>>, %arg10: memref<2x1024x64xf32, #tpu.memory_space<vmem>>) attributes {dimension_semantics = [#tpu.dimension_semantics<arbitrary>], iteration_bounds = array<i64: 10>, scalar_prefetch = 0 : i64, scratch_operands = 0 : i64, tpu.core_type = #tpu.core_type<tc>, window_params = [{transform_indices = @transform_0, window_bounds = array<i64: 1024, 128>}, {transform_indices = @transform_1, window_bounds = array<i64: 32, 1024>}, {pipeline_mode = #tpu.pipeline_mode<synchronous>, transform_indices = @transform_2, window_bounds = array<i64: 128, 128>}, {pipeline_mode = #tpu.pipeline_mode<synchronous>, transform_indices = @transform_3, window_bounds = array<i64: 512, 128>}, {pipeline_mode = #tpu.pipeline_mode<synchronous>, transform_indices = @transform_4, window_bounds = array<i64: 512, 128>}, {pipeline_mode = #tpu.pipeline_mode<synchronous>, transform_indices = @transform_5, window_bounds = array<i64: 1, 512>}, {pipeline_mode = #tpu.pipeline_mode<synchronous>, transform_indices = @transform_6, window_bounds = array<i64: 1, 512>}, {pipeline_mode = #tpu.pipeline_mode<synchronous>, transform_indices = @transform_7, window_bounds = array<i64: 128, 128>}, {pipeline_mode = #tpu.pipeline_mode<synchronous>, transform_indices = @transform_8, window_bounds = array<i64: 128, 128>}, {transform_indices = @transform_9, window_bounds = array<i64: 2, 1024, 64>}]} {
    %get3A = arith.constant 0 : index
    %get3A_0 = arith.constant 0 : index
    %get3A_1 = vector.load %arg3[%get3A, %get3A_0] : memref<128x128xf32, #tpu.memory_space<vmem>>, vector<128x128xf32>
    %get3A_2 = arith.constant 0 : index
    %get3A_3 = arith.constant 0 : index
    %get3A_4 = vector.load %arg4[%get3A_2, %get3A_3] : memref<512x128xf32, #tpu.memory_space<vmem>>, vector<512x128xf32>
    %get3A_5 = arith.constant 0 : index
    %get3A_6 = arith.constant 0 : index
    %get3A_7 = vector.load %arg5[%get3A_5, %get3A_6] : memref<512x128xf32, #tpu.memory_space<vmem>>, vector<512x128xf32>
    %get3A_8 = arith.constant 0 : index
    %get3A_9 = arith.constant 0 : index
    %get3A_10 = vector.load %arg6[%get3A_8, %get3A_9] : memref<1x512xf32, #tpu.memory_space<vmem>>, vector<1x512xf32>
    %get3A_11 = arith.constant 0 : index
    %get3A_12 = arith.constant 0 : index
    %get3A_13 = vector.load %arg7[%get3A_11, %get3A_12] : memref<1x512xf32, #tpu.memory_space<vmem>>, vector<1x512xf32>
    %get3A_14 = arith.constant 0 : index
    %get3A_15 = arith.constant 0 : index
    %get3A_16 = vector.load %arg8[%get3A_14, %get3A_15] : memref<128x128xf32, #tpu.memory_space<vmem>>, vector<128x128xf32>
    %get3A_17 = arith.constant 0 : index
    %get3A_18 = arith.constant 0 : index
    %get3A_19 = vector.load %arg9[%get3A_17, %get3A_18] : memref<128x128xf32, #tpu.memory_space<vmem>>, vector<128x128xf32>
    %dot_general3A = arith.constant dense<0.000000e+00> : vector<128x512xf32>
    %dot_general3A_20 = tpu.matmul %get3A_1, %get3A_4, %dot_general3A {dimension_numbers = #tpu.dot_dimension_numbers<[1], [1], [0], [0], [0, 0, 1, 0], [], []>, transpose_lhs_hint = false} : vector<128x128xf32>, vector<512x128xf32>, vector<128x512xf32> -> vector<128x512xf32>
    %dot_general3A_21 = arith.constant dense<0.000000e+00> : vector<128x512xf32>
    %dot_general3A_22 = tpu.matmul %get3A_16, %get3A_7, %dot_general3A_21 {dimension_numbers = #tpu.dot_dimension_numbers<[1], [1], [0], [0], [0, 0, 1, 0], [], []>, transpose_lhs_hint = false} : vector<128x128xf32>, vector<512x128xf32>, vector<128x512xf32> -> vector<128x512xf32>
    %add3A = arith.addf %dot_general3A_20, %dot_general3A_22 : vector<128x512xf32>
    %squeeze3A = vector.shape_cast %get3A_10 : vector<1x512xf32> to vector<512xf32>
    %broadcast_in_dim3A = vector.shape_cast %squeeze3A : vector<512xf32> to vector<1x512xf32>
    %add3A_23 = vector.broadcast %broadcast_in_dim3A : vector<1x512xf32> to vector<128x512xf32>
    %add3A_24 = arith.addf %add3A, %add3A_23 : vector<128x512xf32>
    %squeeze3A_25 = vector.shape_cast %get3A_13 : vector<1x512xf32> to vector<512xf32>
    %broadcast_in_dim3A_26 = vector.shape_cast %squeeze3A_25 : vector<512xf32> to vector<1x512xf32>
    %add3A_27 = vector.broadcast %broadcast_in_dim3A_26 : vector<1x512xf32> to vector<128x512xf32>
    %add3A_28 = arith.addf %add3A_24, %add3A_27 : vector<128x512xf32>
    %slice3A = vector.extract_strided_slice %add3A_28 {offsets = [0, 0], sizes = [128, 128], strides = [1, 1]} : vector<128x512xf32> to vector<128x128xf32>
    %logistic3A = arith.negf %slice3A : vector<128x128xf32>
    %logistic3A_29 = math.exp %logistic3A : vector<128x128xf32>
    %logistic3A_30 = arith.constant 1.000000e+00 : f32
    %logistic3A_31 = vector.broadcast %logistic3A_30 : f32 to vector<128x128xf32>
    %logistic3A_32 = arith.addf %logistic3A_31, %logistic3A_29 : vector<128x128xf32>
    %logistic3A_33 = arith.divf %logistic3A_31, %logistic3A_32 : vector<128x128xf32>
    %slice3A_34 = vector.extract_strided_slice %add3A_28 {offsets = [0, 128], sizes = [128, 128], strides = [1, 1]} : vector<128x512xf32> to vector<128x128xf32>
    %logistic3A_35 = arith.negf %slice3A_34 : vector<128x128xf32>
    %logistic3A_36 = math.exp %logistic3A_35 : vector<128x128xf32>
    %logistic3A_37 = arith.constant 1.000000e+00 : f32
    %logistic3A_38 = vector.broadcast %logistic3A_37 : f32 to vector<128x128xf32>
    %logistic3A_39 = arith.addf %logistic3A_38, %logistic3A_36 : vector<128x128xf32>
    %logistic3A_40 = arith.divf %logistic3A_38, %logistic3A_39 : vector<128x128xf32>
    %slice3A_41 = vector.extract_strided_slice %add3A_28 {offsets = [0, 256], sizes = [128, 128], strides = [1, 1]} : vector<128x512xf32> to vector<128x128xf32>
    %tanh3A = math.tanh %slice3A_41 : vector<128x128xf32>
    %slice3A_42 = vector.extract_strided_slice %add3A_28 {offsets = [0, 384], sizes = [128, 128], strides = [1, 1]} : vector<128x512xf32> to vector<128x128xf32>
    %logistic3A_43 = arith.negf %slice3A_42 : vector<128x128xf32>
    %logistic3A_44 = math.exp %logistic3A_43 : vector<128x128xf32>
    %logistic3A_45 = arith.constant 1.000000e+00 : f32
    %logistic3A_46 = vector.broadcast %logistic3A_45 : f32 to vector<128x128xf32>
    %logistic3A_47 = arith.addf %logistic3A_46, %logistic3A_44 : vector<128x128xf32>
    %logistic3A_48 = arith.divf %logistic3A_46, %logistic3A_47 : vector<128x128xf32>
    %mul3A = arith.mulf %logistic3A_40, %get3A_19 : vector<128x128xf32>
    %mul3A_49 = arith.mulf %logistic3A_33, %tanh3A : vector<128x128xf32>
    %add3A_50 = arith.addf %mul3A, %mul3A_49 : vector<128x128xf32>
    %tanh3A_51 = math.tanh %add3A_50 : vector<128x128xf32>
    %mul3A_52 = arith.mulf %logistic3A_48, %tanh3A_51 : vector<128x128xf32>
    %get3A_53 = arith.constant 0 : index
    %get3A_54 = arith.constant 0 : index
    %get3A_55 = vector.load %arg2[%get3A_53, %get3A_54] : memref<32x1024xf32, #tpu.memory_space<vmem>>, vector<32x1024xf32>
    %reduce_sum3A = arith.constant dense<0.000000e+00> : vector<1024xf32>
    %reduce_sum3A_56 = vector.multi_reduction <add>, %get3A_55, %reduce_sum3A [0] : vector<32x1024xf32> to vector<1024xf32>
    %add3A_57 = arith.constant 1.000000e+00 : f32
    %add3A_58 = vector.broadcast %add3A_57 : f32 to vector<1024xf32>
    %add3A_59 = arith.addf %reduce_sum3A_56, %add3A_58 : vector<1024xf32>
    %rsqrt3A = math.rsqrt %add3A_59 : vector<1024xf32>
    %get3A_60 = arith.constant 0 : index
    %get3A_61 = arith.constant 0 : index
    %get3A_62 = vector.load %arg1[%get3A_60, %get3A_61] : memref<1024x128xf32, #tpu.memory_space<vmem>>, vector<1024x128xf32>
    %dot_general3A_63 = arith.constant dense<0.000000e+00> : vector<1024x128xf32>
    %dot_general3A_64 = tpu.matmul %get3A_62, %mul3A_52, %dot_general3A_63 {dimension_numbers = #tpu.dot_dimension_numbers<[1], [0], [0], [1], [0, 0, 1, 1], [], []>, transpose_lhs_hint = false} : vector<1024x128xf32>, vector<128x128xf32>, vector<1024x128xf32> -> vector<1024x128xf32>
    %broadcast_in_dim3A_65 = vector.shape_cast %rsqrt3A : vector<1024xf32> to vector<1024x1xf32>
    %mul3A_66 = vector.broadcast %broadcast_in_dim3A_65 : vector<1024x1xf32> to vector<1024x128xf32>
    %mul3A_67 = arith.mulf %dot_general3A_64, %mul3A_66 : vector<1024x128xf32>
    %slice3A_68 = vector.extract_strided_slice %mul3A_67 {offsets = [0, 0], sizes = [1024, 64], strides = [1, 1]} : vector<1024x128xf32> to vector<1024x64xf32>
    %swap3A = arith.constant 0 : index
    %swap3A_69 = arith.constant 0 : index
    %swap3A_70 = arith.constant 0 : index
    %swap3A_71 = vector.load %arg10[%swap3A, %swap3A_69, %swap3A_70] : memref<2x1024x64xf32, #tpu.memory_space<vmem>>, vector<1x1024x64xf32>
    %swap3A_72 = vector.shape_cast %swap3A_71 : vector<1x1024x64xf32> to vector<1024x64xf32>
    %swap3A_73 = vector.shape_cast %slice3A_68 : vector<1024x64xf32> to vector<1x1024x64xf32>
    tpu.vector_store %arg10[%swap3A, %swap3A_69, %swap3A_70], %swap3A_73 {strides = array<i32>} : memref<2x1024x64xf32, #tpu.memory_space<vmem>>, vector<1x1024x64xf32>,
    %slice3A_74 = vector.extract_strided_slice %mul3A_67 {offsets = [0, 64], sizes = [1024, 64], strides = [1, 1]} : vector<1024x128xf32> to vector<1024x64xf32>
    %swap3A_75 = arith.constant 1 : index
    %swap3A_76 = arith.constant 0 : index
    %swap3A_77 = arith.constant 0 : index
    %swap3A_78 = vector.load %arg10[%swap3A_75, %swap3A_76, %swap3A_77] : memref<2x1024x64xf32, #tpu.memory_space<vmem>>, vector<1x1024x64xf32>
    %swap3A_79 = vector.shape_cast %swap3A_78 : vector<1x1024x64xf32> to vector<1024x64xf32>
    %swap3A_80 = vector.shape_cast %slice3A_74 : vector<1024x64xf32> to vector<1x1024x64xf32>
    tpu.vector_store %arg10[%swap3A_75, %swap3A_76, %swap3A_77], %swap3A_80 {strides = array<i32>} : memref<2x1024x64xf32, #tpu.memory_space<vmem>>, vector<1x1024x64xf32>,
    return
  }
  func.func @transform_0(%arg0: i32) -> (i32, i32) {
    %c0_i32 = arith.constant 0 : i32
    %c0_i32_0 = arith.constant 0 : i32
    return %arg0, %c0_i32 : i32, i32
  }
  func.func @transform_1(%arg0: i32) -> (i32, i32) {
    %c0_i32 = arith.constant 0 : i32
    %c0_i32_0 = arith.constant 0 : i32
    return %c0_i32, %arg0 : i32, i32
  }
  func.func @transform_2(%arg0: i32) -> (i32, i32) {
    %c0_i32 = arith.constant 0 : i32
    %c0_i32_0 = arith.constant 0 : i32
    %c0_i32_1 = arith.constant 0 : i32
    return %c0_i32, %c0_i32_0 : i32, i32
  }
  func.func @transform_3(%arg0: i32) -> (i32, i32) {
    %c0_i32 = arith.constant 0 : i32
    %c0_i32_0 = arith.constant 0 : i32
    %c0_i32_1 = arith.constant 0 : i32
    return %c0_i32, %c0_i32_0 : i32, i32
  }
  func.func @transform_4(%arg0: i32) -> (i32, i32) {
    %c0_i32 = arith.constant 0 : i32
    %c0_i32_0 = arith.constant 0 : i32
    %c0_i32_1 = arith.constant 0 : i32
    return %c0_i32, %c0_i32_0 : i32, i32
  }
  func.func @transform_5(%arg0: i32) -> (i32, i32) {
    %c0_i32 = arith.constant 0 : i32
    %c0_i32_0 = arith.constant 0 : i32
    %c0_i32_1 = arith.constant 0 : i32
    return %c0_i32, %c0_i32_0 : i32, i32
  }
  func.func @transform_6(%arg0: i32) -> (i32, i32) {
    %c0_i32 = arith.constant 0 : i32
    %c0_i32_0 = arith.constant 0 : i32
    %c0_i32_1 = arith.constant 0 : i32
    return %c0_i32, %c0_i32_0 : i32, i32
  }
  func.func @transform_7(%arg0: i32) -> (i32, i32) {
    %c0_i32 = arith.constant 0 : i32
    %c0_i32_0 = arith.constant 0 : i32
    %c0_i32_1 = arith.constant 0 : i32
    return %c0_i32, %c0_i32_0 : i32, i32
  }
  func.func @transform_8(%arg0: i32) -> (i32, i32) {
    %c0_i32 = arith.constant 0 : i32
    %c0_i32_0 = arith.constant 0 : i32
    %c0_i32_1 = arith.constant 0 : i32
    return %c0_i32, %c0_i32_0 : i32, i32
  }
  func.func @transform_9(%arg0: i32) -> (i32, i32, i32) {
    %c0_i32 = arith.constant 0 : i32
    %c0_i32_0 = arith.constant 0 : i32
    %c0_i32_1 = arith.constant 0 : i32
    return %c0_i32, %arg0, %c0_i32_0 : i32, i32, i32
  }
}

module attributes {stable_mosaic.version = 14 : i64} {
  func.func @_post_body(%arg0: i32, %arg1: memref<2x1024x64xf32, #tpu.memory_space<vmem>>, %arg2: memref<2x1024x64xf32, #tpu.memory_space<vmem>>, %arg3: memref<32x1024xf32, #tpu.memory_space<vmem>>, %arg4: memref<128x128xf32, #tpu.memory_space<vmem>>, %arg5: memref<1x128xf32, #tpu.memory_space<vmem>>, %arg6: memref<1024x128xf32, #tpu.memory_space<vmem>>) attributes {dimension_semantics = [#tpu.dimension_semantics<arbitrary>], iteration_bounds = array<i64: 10>, scalar_prefetch = 0 : i64, scratch_operands = 0 : i64, tpu.core_type = #tpu.core_type<tc>, window_params = [{transform_indices = @transform_0, window_bounds = array<i64: 2, 1024, 64>}, {transform_indices = @transform_1, window_bounds = array<i64: 2, 1024, 64>}, {transform_indices = @transform_2, window_bounds = array<i64: 32, 1024>}, {pipeline_mode = #tpu.pipeline_mode<synchronous>, transform_indices = @transform_3, window_bounds = array<i64: 128, 128>}, {pipeline_mode = #tpu.pipeline_mode<synchronous>, transform_indices = @transform_4, window_bounds = array<i64: 1, 128>}, {transform_indices = @transform_5, window_bounds = array<i64: 1024, 128>}]} {
    %get3A = arith.constant 0 : index
    %get3A_0 = arith.constant 0 : index
    %get3A_1 = vector.load %arg3[%get3A, %get3A_0] : memref<32x1024xf32, #tpu.memory_space<vmem>>, vector<32x1024xf32>
    %reduce_sum3A = arith.constant dense<0.000000e+00> : vector<1024xf32>
    %reduce_sum3A_2 = vector.multi_reduction <add>, %get3A_1, %reduce_sum3A [0] : vector<32x1024xf32> to vector<1024xf32>
    %add3A = arith.constant 1.000000e+00 : f32
    %add3A_3 = vector.broadcast %add3A : f32 to vector<1024xf32>
    %add3A_4 = arith.addf %reduce_sum3A_2, %add3A_3 : vector<1024xf32>
    %rsqrt3A = math.rsqrt %add3A_4 : vector<1024xf32>
    %get3A_5 = arith.constant 0 : index
    %get3A_6 = arith.constant 0 : index
    %get3A_7 = arith.constant 0 : index
    %get3A_8 = vector.load %arg1[%get3A_5, %get3A_6, %get3A_7] : memref<2x1024x64xf32, #tpu.memory_space<vmem>>, vector<1x1024x64xf32>
    %get3A_9 = vector.shape_cast %get3A_8 : vector<1x1024x64xf32> to vector<1024x64xf32>
    %get3A_10 = arith.constant 0 : index
    %get3A_11 = arith.constant 0 : index
    %get3A_12 = arith.constant 0 : index
    %get3A_13 = vector.load %arg2[%get3A_10, %get3A_11, %get3A_12] : memref<2x1024x64xf32, #tpu.memory_space<vmem>>, vector<1x1024x64xf32>
    %get3A_14 = vector.shape_cast %get3A_13 : vector<1x1024x64xf32> to vector<1024x64xf32>
    %add3A_15 = arith.addf %get3A_9, %get3A_14 : vector<1024x64xf32>
    %get3A_16 = arith.constant 1 : index
    %get3A_17 = arith.constant 0 : index
    %get3A_18 = arith.constant 0 : index
    %get3A_19 = vector.load %arg1[%get3A_16, %get3A_17, %get3A_18] : memref<2x1024x64xf32, #tpu.memory_space<vmem>>, vector<1x1024x64xf32>
    %get3A_20 = vector.shape_cast %get3A_19 : vector<1x1024x64xf32> to vector<1024x64xf32>
    %get3A_21 = arith.constant 1 : index
    %get3A_22 = arith.constant 0 : index
    %get3A_23 = arith.constant 0 : index
    %get3A_24 = vector.load %arg2[%get3A_21, %get3A_22, %get3A_23] : memref<2x1024x64xf32, #tpu.memory_space<vmem>>, vector<1x1024x64xf32>
    %get3A_25 = vector.shape_cast %get3A_24 : vector<1x1024x64xf32> to vector<1024x64xf32>
    %add3A_26 = arith.addf %get3A_20, %get3A_25 : vector<1024x64xf32>
    %concatenate3A = tpu.concatenate %add3A_15, %add3A_26 in 1 : vector<1024x64xf32>, vector<1024x64xf32> -> vector<1024x128xf32>
    %broadcast_in_dim3A = vector.shape_cast %rsqrt3A : vector<1024xf32> to vector<1024x1xf32>
    %mul3A = vector.broadcast %broadcast_in_dim3A : vector<1024x1xf32> to vector<1024x128xf32>
    %mul3A_27 = arith.mulf %mul3A, %concatenate3A : vector<1024x128xf32>
    %max3A = arith.constant 0.000000e+00 : f32
    %max3A_28 = vector.broadcast %max3A : f32 to vector<1024x128xf32>
    %max3A_29 = arith.maximumf %mul3A_27, %max3A_28 : vector<1024x128xf32>
    %get3A_30 = arith.constant 0 : index
    %get3A_31 = arith.constant 0 : index
    %get3A_32 = vector.load %arg4[%get3A_30, %get3A_31] : memref<128x128xf32, #tpu.memory_space<vmem>>, vector<128x128xf32>
    %dot_general3A = arith.constant dense<0.000000e+00> : vector<1024x128xf32>
    %dot_general3A_33 = tpu.matmul %max3A_29, %get3A_32, %dot_general3A {dimension_numbers = #tpu.dot_dimension_numbers<[1], [1], [0], [0], [0, 0, 1, 0], [], []>, transpose_lhs_hint = false} : vector<1024x128xf32>, vector<128x128xf32>, vector<1024x128xf32> -> vector<1024x128xf32>
    %get3A_34 = arith.constant 0 : index
    %get3A_35 = arith.constant 0 : index
    %get3A_36 = vector.load %arg5[%get3A_34, %get3A_35] : memref<1x128xf32, #tpu.memory_space<vmem>>, vector<1x128xf32>
    %get3A_37 = vector.shape_cast %get3A_36 : vector<1x128xf32> to vector<128xf32>
    %broadcast_in_dim3A_38 = vector.shape_cast %get3A_37 : vector<128xf32> to vector<1x128xf32>
    %add3A_39 = vector.broadcast %broadcast_in_dim3A_38 : vector<1x128xf32> to vector<1024x128xf32>
    %add3A_40 = arith.addf %dot_general3A_33, %add3A_39 : vector<1024x128xf32>
    %swap3A = arith.constant 0 : index
    %swap3A_41 = arith.constant 0 : index
    %swap3A_42 = vector.load %arg6[%swap3A, %swap3A_41] : memref<1024x128xf32, #tpu.memory_space<vmem>>, vector<1024x128xf32>
    tpu.vector_store %arg6[%swap3A, %swap3A_41], %add3A_40 {strides = array<i32>} : memref<1024x128xf32, #tpu.memory_space<vmem>>, vector<1024x128xf32>,
    return
  }
  func.func @transform_0(%arg0: i32) -> (i32, i32, i32) {
    %c0_i32 = arith.constant 0 : i32
    %c0_i32_0 = arith.constant 0 : i32
    %c0_i32_1 = arith.constant 0 : i32
    return %c0_i32, %arg0, %c0_i32_0 : i32, i32, i32
  }
  func.func @transform_1(%arg0: i32) -> (i32, i32, i32) {
    %c0_i32 = arith.constant 0 : i32
    %c0_i32_0 = arith.constant 0 : i32
    %c0_i32_1 = arith.constant 0 : i32
    return %c0_i32, %arg0, %c0_i32_0 : i32, i32, i32
  }
  func.func @transform_2(%arg0: i32) -> (i32, i32) {
    %c0_i32 = arith.constant 0 : i32
    %c0_i32_0 = arith.constant 0 : i32
    return %c0_i32, %arg0 : i32, i32
  }
  func.func @transform_3(%arg0: i32) -> (i32, i32) {
    %c0_i32 = arith.constant 0 : i32
    %c0_i32_0 = arith.constant 0 : i32
    %c0_i32_1 = arith.constant 0 : i32
    return %c0_i32, %c0_i32_0 : i32, i32
  }
  func.func @transform_4(%arg0: i32) -> (i32, i32) {
    %c0_i32 = arith.constant 0 : i32
    %c0_i32_0 = arith.constant 0 : i32
    %c0_i32_1 = arith.constant 0 : i32
    return %c0_i32, %c0_i32_0 : i32, i32
  }
  func.func @transform_5(%arg0: i32) -> (i32, i32) {
    %c0_i32 = arith.constant 0 : i32
    %c0_i32_0 = arith.constant 0 : i32
    return %arg0, %c0_i32 : i32, i32
  }
}

</mosaic_0001>

<sc_bundles>
// kernel: kernel.6.cloned.1.call-start
scs
__scs_entry_jumppad:
0x0: {  	(pc) =	sbr.rel $0x88, $3  }
0x1: {  	(tag) =	ssettag $0x0;
	lr =	simm.s32 $0x1  }
0x2: {  	[smem:$0x3F96] =	sst lr;
	_ =	strace $0xD0000000  }
0x3: {  	_ = 	snop  }
0x4: {  	_ = 	snop  }
0x5: {  	_ = 	snop  }
0x6: {  	_ = 	snop  }
0x7: {  	_ = 	snop  }
__scs_overlays_trampoline_lowered:
0x8: {  	[smem:$0x3FA5] =	sst s0  }
0x9: {  	[smem:$0x3FA6] =	sst s1  }
0xa: {  	[smem:$0x3FA7] =	sst s2  }
0xb: {  	[smem:$0x3FA8] =	sst s3  }
0xc: {  	[smem:$0x3FA9] =	sst s4  }
0xd: {  	[smem:$0x3FAA] =	sst s5  }
0xe: {  	[smem:$0x3FAB] =	sst s6  }
0xf: {  	[smem:$0x3FAC] =	sst s7  }
0x10: {  	[smem:$0x3FAD] =	sst s8  }
0x11: {  	[smem:$0x3FAE] =	sst s9;
	s0 =	simm.s32 @!p0 $0x0  }
0x12: {  	s1 =	sld [smem:$0x3F94];
	s0 =	simm.s32 @p0 $0x1  }
0x13: {  	[smem:$0x3FAF] =	sst s0;
	s0 =	simm.s32 @!p1 $0x0  }
0x14: {  	s2 =	sld [smem:$0x3F93];
	s0 =	simm.s32 @p1 $0x1  }
0x15: {  	[smem:$0x3FB0] =	sst s0;
	s0 =	simm.s32 @!p2 $0x0  }
0x16: {  	s3 =	sld [smem:$0x3FDB];
	s0 =	simm.s32 @p2 $0x1  }
0x17: {  	s4 =	simm.s32 $0x1BF5;
	[smem:$0x3FB2] =	sst s0  }
0x18: {  	s0 =	sld [smem:$0x3F95];
	_ =	swait.ge [sflag:s4], $0x0  }
0x19: {  	s7 =	sld [smem:$0x3F96]  }
0x1a: {  	s8 =	sadd.s32 $0xFFFFE003, lr  }
0x1b: {  	s9 =	sadd.s32 $0xFFFFFEF7, lr;
	s5 =	simm.s32 $0xFFFFFFFF;
	p2 =	slt.u32 s8, $0xFFFFF086  }
0x1c: {  	p1 =	slt.u32 s9, $0xF7A;
	s5 =	simm.s32 @!p2 $0x0  }
0x1d: {  	s5 =	simm.s32 @p1 $0x1;
	p0 =	seq.s32 s7, s2  }
0x1e: {  	s7 =	smul.u32 @!p0 $0xF7A, s2;
	p2 =	seq.s32 @!p0 s5, $0x0  }
0x1f: {  	s9 =	smul.u32 $0xF7A, s1;
	s8 =	simm.s32 @!p0 $0x1BF5;
	p2 =	por !p2, p0  }
0x20: {  	[sflag:s8] =	ssyncset.s32 @!p0 $0xFFFFF086;
	s6 =	sadd.s32 @!p0 s3, s7;
	s7 =	simm.s32 @!p0 $0x108  }
0x21: {  	s3 =	sadd.s32 s3, s9;
	s6 =	sadd.s32 @!p0 $0x88, s6;
	s7 =	simm.s32 @p2 $0x1082  }
0x22: {  	[simem:s7], [sflag:s8] =	dma.local @!p0 [hbm:s6], $0xF7A  }
0x23: {  	s9 =	sor.u32 $0xD0000000, s2;
	s6 =	simm.s32 $0x108;
	_ =	swait.ge @!p0 [sflag:s8], $0x0  }
0x24: {  	s3 =	sadd.s32 $0x88, s3;
	s6 =	simm.s32 @!p1 $0x1082;
	[sflag:s4] =	ssyncset.s32 $0xFFFFF086  }
0x25: {  	[simem:s6], [sflag:s4] =	dma.local [hbm:s3], $0xF7A  }
0x26: {  	[smem:$0x3F96] =	sst s1;
	(tag) =	ssettag s2;
	_ =	strace s9  }
0x27: {  	s1 =	sld [smem:$0x3FA6]  }
0x28: {  	s2 =	sld [smem:$0x3FA7]  }
0x29: {  	s4 =	sld [smem:$0x3FA9]  }
0x2a: {  	p0 =	seq.s32 s5, $0x0;
	s5 =	sld [smem:$0x3FAA]  }
0x2b: {  	s6 =	sld [smem:$0x3FAB]  }
0x2c: {  	s7 =	sld [smem:$0x3FAC]  }
0x2d: {  	s3 =	simm.s32 $0x108;
	s8 =	sld [smem:$0x3FAD]  }
0x2e: {  	s3 =	simm.s32 @!p0 $0x1082;
	s9 =	sld [smem:$0x3FAE]  }
0x2f: {  	lr =	sadd.s32 s0, s3;
	s0 =	sld [smem:$0x3FA5]  }
0x30: {  	s3 =	sld [smem:$0x3FA8]  }
0x31: {  	[smem:$0x3FB1] =	sst s10  }
0x32: {  	s10 =	sld [smem:$0x3FAF];
	_ =	sdelay $0x3  }
0x33: {  	p0 =	seq.s32 s10, $0x1;
	s10 =	sld [smem:$0x3FB1];
	_ =	sdelay $0x3  }
0x34: {  	[smem:$0x3FB1] =	sst s10  }
0x35: {  	s10 =	sld [smem:$0x3FB0];
	_ =	sdelay $0x3  }
0x36: {  	p1 =	seq.s32 s10, $0x1;
	s10 =	sld [smem:$0x3FB1];
	_ =	sdelay $0x3  }
0x37: {  	[smem:$0x3FB1] =	sst s10  }
0x38: {  	s10 =	sld [smem:$0x3FB2]  }
0x39: {  	_ = 	snop;
	(pc) =	sbr.ind lr, $3  }
0x3a: {  	_ = 	snop  }
0x3b: {  	_ = 	snop  }
0x3c: {  	p2 =	seq.s32 s10, $0x1;
	s10 =	sld [smem:$0x3FB1]  }
0x3d: {  	_ =	shalt  }
0x3e: {  	_ =	shalt  }
0x3f: {  	_ =	shalt  }
0x40: {  	_ =	shalt  }
0x41: {  	_ =	shalt  }
0x42: {  	_ =	shalt  }
0x43: {  	_ =	shalt  }
0x44: {  	_ =	shalt  }
0x45: {  	_ =	shalt  }
0x46: {  	_ =	shalt  }
0x47: {  	_ =	shalt  }
0x48: {  	_ =	shalt  }
0x49: {  	_ =	shalt  }
0x4a: {  	_ =	shalt  }
0x4b: {  	_ =	shalt  }
0x4c: {  	_ =	shalt  }
0x4d: {  	_ =	shalt  }
0x4e: {  	_ =	shalt  }
0x4f: {  	_ =	shalt  }
0x50: {  	_ =	shalt  }
0x51: {  	_ =	shalt  }
0x52: {  	_ =	shalt  }
0x53: {  	_ =	shalt  }
0x54: {  	_ =	shalt  }
0x55: {  	_ =	shalt  }
0x56: {  	_ =	shalt  }
0x57: {  	_ =	shalt  }
0x58: {  	_ =	shalt  }
0x59: {  	_ =	shalt  }
0x5a: {  	_ =	shalt  }
0x5b: {  	_ =	shalt  }
0x5c: {  	_ =	shalt  }
0x5d: {  	_ =	shalt  }
0x5e: {  	_ =	shalt  }
0x5f: {  	_ =	shalt  }
0x60: {  	_ =	shalt  }
0x61: {  	_ =	shalt  }
0x62: {  	_ =	shalt  }
0x63: {  	_ =	shalt  }
0x64: {  	_ =	shalt  }
0x65: {  	_ =	shalt  }
0x66: {  	_ =	shalt  }
0x67: {  	_ =	shalt  }
0x68: {  	_ =	shalt  }
0x69: {  	_ =	shalt  }
0x6a: {  	_ =	shalt  }
0x6b: {  	_ =	shalt  }
0x6c: {  	_ =	shalt  }
0x6d: {  	_ =	shalt  }
0x6e: {  	_ =	shalt  }
0x6f: {  	_ =	shalt  }
0x70: {  	_ =	shalt  }
0x71: {  	_ =	shalt  }
0x72: {  	_ =	shalt  }
0x73: {  	_ =	shalt  }
0x74: {  	_ =	shalt  }
0x75: {  	_ =	shalt  }
0x76: {  	_ =	shalt  }
0x77: {  	_ =	shalt  }
0x78: {  	_ =	shalt  }
0x79: {  	_ =	shalt  }
0x7a: {  	_ =	shalt  }
0x7b: {  	_ =	shalt  }
0x7c: {  	_ =	shalt  }
0x7d: {  	_ =	shalt  }
0x7e: {  	_ =	shalt  }
0x7f: {  	_ =	shalt  }
0x80: {  	_ =	shalt  }
0x81: {  	_ =	shalt  }
0x82: {  	_ =	shalt  }
0x83: {  	_ =	shalt  }
0x84: {  	_ =	shalt  }
0x85: {  	_ =	shalt  }
0x86: {  	_ =	shalt  }
0x87: {  	_ =	shalt  }
.Lfunc_end0:
.L_simem_size_0:
called_computation_lowered:
.L_overlay_start_0:
0x88: {  	s2 =	sld [smem:$0x3FD9]  }
0x89: {  	s3 =	sld [smem:$0x3FFE];
	_ =	sdelay $0x1  }
0x8a: {  	s1 =	srdreg.scid  }
0x8b: {  	s0 =	sand.u32 $0x1, s1  }
0x8c: {  	s17 =	sshll.u32 s0, $0xA;
	s2 =	sadd.s32 s3, s2  }
0x8d: {  	s2 =	sadd.s32 s2, s17  }
0x8e: {  	[smem:$0x3FBD] =	sst s2  }
0x8f: {  	_ = 	snop  }
0x90: {  	s2 =	sld [smem:$0x3FD0];
	(tm) =	ssettm $0x1  }
0x91: {  	s18 =	sld [smem:$0x3FFB];
	_ =	sdelay $0x3  }
0x92: {  	_ =	strace s18  }
0x93: {  	s3 =	sld [smem:$0x3FFC];
	_ =	sdelay $0x3  }
0x94: {  	_ =	strace s3  }
0x95: {  	s3 =	sld [smem:$0x3FFD];
	_ =	sdelay $0x3  }
0x96: {  	_ =	strace s3  }
0x97: {  	_ =	strace $0x8FFFFFFF  }
0x98: {  	s19 =	sld [smem:$0x3FDB];
	_ =	sdelay $0x1  }
0x99: {  	s4 =	simm.s32 $_scs_section_size  }
0x9a: {  	s5 =	simm.s32 $_size__tile_overlayer_lowered;
	s6 =	simm.s32 $_tile_overlayer_lowered  }
0x9b: {  	s22 =	simm.s32 $0x1BFF;
	s21 =	sshll.u32 s6, $0x1;
	s3 =	sadd.s32 s4, s19  }
0x9c: {  	s7 =	simm.s32 $0x0;
	s20 =	sshll.u32 s5, $0x1;
	s5 =	sadd.s32 s21, s3  }
0x9d: {  	[timem:s7], [sflag:s22] =	dma.local [hbm:s5], s20  }
0x9e: {  	_ =	swait.ge [sflag:s22], s20  }
0x9f: {  	s4 =	ssub.s32 $0x0, s20;
	[sflag:s22] =	ssyncset.done $0x0  }
0xa0: {  	[sflag:s22] =	ssyncadd.s32 s4;
	_ =	sdelay $0x1  }
0xa1: {  	s23 =	simm.s32 $0x1B8B  }
0xa2: {  	_ =	swait.ge [sflag:s23], $0x1  }
0xa3: {  	[sflag:s23] =	ssyncset.done $0x0  }
0xa4: {  	s25 =	simm.s32 $0x1B8E;
	s24 =	sld [smem:$0x3FFE];
	[sflag:s23] =	ssyncadd.s32 $0xFFFFFFFF  }
0xa5: {  	s26 =	simm.s32 $execute0_lowered;
	[smem:$0x3FD2] =	sst s25  }
0xa6: {  	s5 =	sshll.u32 s26, $0x1;
	_ =	strace $0x80000046;
	[dreg:$0x1] =	wrdreg $0xFFFFFFFF  }
0xa7: {  	s28 =	simm.s32 $_size_execute0_lowered;
	s3 =	sadd.s32 s3, s5;
	[dreg:$0x0] =	wrdreg $0x0  }
0xa8: {  	s5 =	sshll.u32 s28, $0x1;
	[dreg:$0x2] =	wrdreg s3  }
0xa9: {  	[dreg:$0x3] =	wrdreg s5  }
0xaa: {  	[dreg:$0x4] =	wrdreg $0xC0  }
0xab: {  	_ =	task [dreg:s7], $0x5FFFF  }
0xac: {  	[dreg:$0x1] =	wrdreg $0xFFFFFFFF  }
0xad: {  	[dreg:$0x0] =	wrdreg $0x60  }
0xae: {  	[dreg:$0x2] =	wrdreg s2  }
0xaf: {  	[dreg:$0x3] =	wrdreg s24  }
0xb0: {  	[dreg:$0x4] =	wrdreg $0x9  }
0xb1: {  	_ =	task.clear_ibuf [dreg:s7], $0x5FFFF;
	_ =	strace $0x90000046  }
0xb2: {  	s29 =	simm.s32 $0x9;
	_ =	strace $0x80000048  }
0xb3: {  	_ =	swait.ge [sflag:s29], $0x1  }
0xb4: {  	[sflag:s29] =	ssyncadd.s32 $0xFFFFFFFF  }
0xb5: {  	_ =	strace $0x90000048  }
0xb6: {  	_ =	sfence  }
0xb7: {  	s30 =	sld [smem:$0x0];
	_ =	sdelay $0x2  }
0xb8: {  	s31 =	sshll.u32 s1, $0xD;
	s1 =	sshrl.u32 s1, $0x2  }
0xb9: {  	s3 =	sand.u32 $0x4000, s31;
	s1 =	sadd.s32 s1, s30  }
0xba: {  	s0 =	sor.u32 s3, s0;
	s1 =	sshll.u32 s1, $0x11  }
0xbb: {  	s0 =	sor.u32 s1, s0  }
0xbc: {  	s0 =	sadd.s32 $0x8F2B, s0  }
0xbd: {  	[sflag:s0] =	ssyncadd.remote.s32 $0x1  }
0xbe: {  	_ =	sfence.sel $0xFFFF  }
0xbf: {  	[dreg:$0x0] =	wrdreg $0xFFFFFFFF;
	(pc) =	sbr.abs _section_cstart, $3  }
0xc0: {  	[dreg:$0x1] =	wrdreg $0xFFFFFFFF  }
0xc1: {  	_ =	task.clear_ibuf [dreg:s7], $0x2FFFF;
	_ =	strace $0x9FFFFFFF  }
0xc2: {  	(tm) =	ssettm $0x7FFFFFFF  }
0xc3: {  	_ =	shalt  }
tec
execute0_lowered:
.L_overlay_start_1:
0x0: {  	(tag) =	ssettag $0x1  }
0x1: {  	s0 =	srdreg.scid;
	s3 =	rddreg [dreg:$0x0]  }
0x2: {  	s5 =	rddreg [dreg:$0x1];
	s4 =	sand.u32 $0x1, s0  }
0x3: {  	s1 =	stileid.u32;
	s8 =	simm.s32 $0x0;
	s2 =	sshll.u32 s4, $0x4  }
0x4: {  	s4 =	ssub.s32 $0x2, s4;
	s6 =	sor.u32 s1, s2;
	s2 =	simm.s32 $0x0  }
0x5: {  	s7 =	sshrl.u32 s4, $0x1;
	s6 =	smul.u32 $0x500, s6;
	[smem:$0x7FF] =	sst s2  }
0x6: {  	s0 =	rddreg [dreg:$0x2];
	s7 =	ssub.s32 s4, s7;
	_ =	strace $0x80000047  }
0x7: {  	s5 =	sadd.s32 s6, s5;
	s3 =	sadd.s32 s3, s6;
	s6 =	simm.s32 $0x1  }
0x8: {  	v0 =	vimm.f32 $0.0e+00;
	v1 =	vimm.f32 $1.000000000e+00;
	s4 =	sadd.s32 $0x1C00, s5;
	s5 =	smax.u32 s7, $0x1;
	s7 =	simm.s32 $0x2800  }
.LBB2_1:
0x9: {  	[tilespmem:s2], [sflag:$0x1] =	stream.linear.gather [hbm4b:s3+s2], $0x2800, $0x38;
	[tilespmem:$0x5000] =	vst v63  }
0xa: {  	_ =	swait.ge [sflag:s6], $0x2800  }
0xb: {  	[sflag:s6] =	ssyncset.done $0x0  }
0xc: {  	s9 =	simm.s32 $0x0;
	[sflag:s6] =	ssyncadd.s32 $0xFFFFD800  }
.LBB2_2:
0xd: {  	p0 =	sne.s32 s9, $0x9FC0  }
.Ltmp0:
0xe: {  	_ = 	snop;
	(pc) =	sbr.rel @p0 .LBB2_2-.Ltmp0, $3  }
0xf: {  	_ =	sdelay $0x1  }
0x10: {  	s10 =	sshra.s32 s9, $0x2  }
0x11: {  	s9 =	sadd.s32 $0x40, s9;
	[tilespmem:s10+$0x2800] =	vst v0  }
0x12: {  	s9 =	simm.s32 $0x0  }
.LBB2_4:
0x13: {  	s10 =	sshra.s32 s9, $0x2  }
0x14: {  	v2 =	vld [tilespmem:s10+$0x0];
	_ =	sdelay $0x7  }
0x15: {  	[tilespmem:v2+s7+$0x0] =	vst.idx.add.f32.msk $0xffff, v1  }
0x16: {  	v2 =	vld [tilespmem:s10+$0x10];
	_ =	sdelay $0x7  }
0x17: {  	[tilespmem:v2+s7+$0x0] =	vst.idx.add.f32.msk $0xffff, v1  }
0x18: {  	v2 =	vld [tilespmem:s10+$0x20];
	_ =	sdelay $0x7  }
0x19: {  	[tilespmem:v2+s7+$0x0] =	vst.idx.add.f32.msk $0xffff, v1  }
0x1a: {  	v2 =	vld [tilespmem:s10+$0x30];
	_ =	sdelay $0x7  }
0x1b: {  	[tilespmem:v2+s7+$0x0] =	vst.idx.add.f32.msk $0xffff, v1  }
0x1c: {  	v2 =	vld [tilespmem:s10+$0x40];
	_ =	sdelay $0x7  }
0x1d: {  	[tilespmem:v2+s7+$0x0] =	vst.idx.add.f32.msk $0xffff, v1  }
0x1e: {  	v2 =	vld [tilespmem:s10+$0x50];
	_ =	sdelay $0x7  }
0x1f: {  	[tilespmem:v2+s7+$0x0] =	vst.idx.add.f32.msk $0xffff, v1  }
0x20: {  	v2 =	vld [tilespmem:s10+$0x60];
	_ =	sdelay $0x7  }
0x21: {  	[tilespmem:v2+s7+$0x0] =	vst.idx.add.f32.msk $0xffff, v1  }
0x22: {  	v2 =	vld [tilespmem:s10+$0x70];
	_ =	sdelay $0x2  }
0x23: {  	p0 =	sne.s32 s9, $0x9E00  }
.Ltmp1:
0x24: {  	_ = 	snop;
	(pc) =	sbr.rel @p0 .LBB2_4-.Ltmp1, $2  }
0x25: {  	_ =	sdelay $0x2  }
0x26: {  	s9 =	sadd.s32 $0x200, s9;
	[tilespmem:v2+s7+$0x0] =	vst.idx.add.f32.msk $0xffff, v1  }
0x27: {  	s8 =	sadd.s32 $0x1, s8  }
0x28: {  	p0 =	sne.s32 s8, s5  }
.Ltmp2:
0x29: {  	_ = 	snop;
	(pc) =	sbr.rel @p0 .LBB2_1-.Ltmp2, $4  }
0x2a: {  	[hbm4b:s4+s2] =	stream.linear.scatter [tilespmem:s7], [sflag:$0x1], $0x2800, $0x38;
	[tilespmem:$0x5000] =	vst v63  }
0x2b: {  	_ =	swait.ge [sflag:s6], $0x2800  }
0x2c: {  	[sflag:s6] =	ssyncset.done $0x0  }
0x2d: {  	[sflag:s6] =	ssyncadd.s32 $0xFFFFD800  }
0x2e: {  	_ =	sfence.sel $0x180000  }
0x2f: {  	[bflag:$0x0] =	sbarrier.arrive $0xFFFF  }
0x30: {  	p0 =	sne.s32 s1, $0x0;
	_ =	strace $0x90000047  }
0x31: {  	s0 =	sadd.s32 @!p0 $0x100000, s0;
	[bflag:$0x2] =	sbarrier.arrive $0xFFFF  }
0x32: {  	[sflag:s0] =	ssyncadd.tile.s32 @!p0 $0x1;
	_ =	shalt  }
.Lfunc_end2:
_tile_overlayer_lowered:
.L_overlay_start_2:
0x33: {  	(tag) =	ssettag $0x2  }
0x34: {  	s0 =	rddreg [dreg:$0x0];
	s2 =	stileid.u32  }
0x35: {  	s1 =	rddreg [dreg:$0x1];
	p0 =	sne.s32 s2, $0x0  }
0x36: {  	s3 =	rddreg [dreg:$0x2];
	[bflag:$0x3] =	sbarrier.arrive $0xFFFF;
	s2 =	simm.s32 @!p0 $0x1C01  }
0x37: {  	[timem:s3], [sflag:s2] =	dma.local @!p0 [hbm:s0], s1  }
0x38: {  	s0 =	simm.s32 @!p0 $0x1  }
0x39: {  	_ =	swait.ge @!p0 [sflag:s0], s1  }
0x3a: {  	s1 =	ssub.s32 @!p0 $0x0, s1;
	[sflag:s0] =	ssyncset.done @!p0 $0x0  }
0x3b: {  	[sflag:s0] =	ssyncadd.s32 @!p0 s1  }
0x3c: {  	[bflag:$0x3] =	sbarrier.arrive $0xFFFF  }
0x3d: {  	_ =	shalt  }

// kernel: kernel.9.cloned.1.call-start
scs
__scs_entry_jumppad:
0x0: {  	(pc) =	sbr.rel $0x88, $3  }
0x1: {  	(tag) =	ssettag $0x0;
	lr =	simm.s32 $0x1  }
0x2: {  	[smem:$0x3F96] =	sst lr;
	_ =	strace $0xD0000000  }
0x3: {  	_ = 	snop  }
0x4: {  	_ = 	snop  }
0x5: {  	_ = 	snop  }
0x6: {  	_ = 	snop  }
0x7: {  	_ = 	snop  }
__scs_overlays_trampoline_lowered:
0x8: {  	[smem:$0x3FA5] =	sst s0  }
0x9: {  	[smem:$0x3FA6] =	sst s1  }
0xa: {  	[smem:$0x3FA7] =	sst s2  }
0xb: {  	[smem:$0x3FA8] =	sst s3  }
0xc: {  	[smem:$0x3FA9] =	sst s4  }
0xd: {  	[smem:$0x3FAA] =	sst s5  }
0xe: {  	[smem:$0x3FAB] =	sst s6  }
0xf: {  	[smem:$0x3FAC] =	sst s7  }
0x10: {  	[smem:$0x3FAD] =	sst s8  }
0x11: {  	[smem:$0x3FAE] =	sst s9;
	s0 =	simm.s32 @!p0 $0x0  }
0x12: {  	s1 =	sld [smem:$0x3F94];
	s0 =	simm.s32 @p0 $0x1  }
0x13: {  	[smem:$0x3FAF] =	sst s0;
	s0 =	simm.s32 @!p1 $0x0  }
0x14: {  	s2 =	sld [smem:$0x3F93];
	s0 =	simm.s32 @p1 $0x1  }
0x15: {  	[smem:$0x3FB0] =	sst s0;
	s0 =	simm.s32 @!p2 $0x0  }
0x16: {  	s3 =	sld [smem:$0x3FDB];
	s0 =	simm.s32 @p2 $0x1  }
0x17: {  	s4 =	simm.s32 $0x1BF5;
	[smem:$0x3FB2] =	sst s0  }
0x18: {  	s0 =	sld [smem:$0x3F95];
	_ =	swait.ge [sflag:s4], $0x0  }
0x19: {  	s7 =	sld [smem:$0x3F96]  }
0x1a: {  	s8 =	sadd.s32 $0xFFFFE003, lr  }
0x1b: {  	s9 =	sadd.s32 $0xFFFFFEF7, lr;
	s5 =	simm.s32 $0xFFFFFFFF;
	p2 =	slt.u32 s8, $0xFFFFF086  }
0x1c: {  	p1 =	slt.u32 s9, $0xF7A;
	s5 =	simm.s32 @!p2 $0x0  }
0x1d: {  	s5 =	simm.s32 @p1 $0x1;
	p0 =	seq.s32 s7, s2  }
0x1e: {  	s7 =	smul.u32 @!p0 $0xF7A, s2;
	p2 =	seq.s32 @!p0 s5, $0x0  }
0x1f: {  	s9 =	smul.u32 $0xF7A, s1;
	s8 =	simm.s32 @!p0 $0x1BF5;
	p2 =	por !p2, p0  }
0x20: {  	[sflag:s8] =	ssyncset.s32 @!p0 $0xFFFFF086;
	s6 =	sadd.s32 @!p0 s3, s7;
	s7 =	simm.s32 @!p0 $0x108  }
0x21: {  	s3 =	sadd.s32 s3, s9;
	s6 =	sadd.s32 @!p0 $0x88, s6;
	s7 =	simm.s32 @p2 $0x1082  }
0x22: {  	[simem:s7], [sflag:s8] =	dma.local @!p0 [hbm:s6], $0xF7A  }
0x23: {  	s9 =	sor.u32 $0xD0000000, s2;
	s6 =	simm.s32 $0x108;
	_ =	swait.ge @!p0 [sflag:s8], $0x0  }
0x24: {  	s3 =	sadd.s32 $0x88, s3;
	s6 =	simm.s32 @!p1 $0x1082;
	[sflag:s4] =	ssyncset.s32 $0xFFFFF086  }
0x25: {  	[simem:s6], [sflag:s4] =	dma.local [hbm:s3], $0xF7A  }
0x26: {  	[smem:$0x3F96] =	sst s1;
	(tag) =	ssettag s2;
	_ =	strace s9  }
0x27: {  	s1 =	sld [smem:$0x3FA6]  }
0x28: {  	s2 =	sld [smem:$0x3FA7]  }
0x29: {  	s4 =	sld [smem:$0x3FA9]  }
0x2a: {  	p0 =	seq.s32 s5, $0x0;
	s5 =	sld [smem:$0x3FAA]  }
0x2b: {  	s6 =	sld [smem:$0x3FAB]  }
0x2c: {  	s7 =	sld [smem:$0x3FAC]  }
0x2d: {  	s3 =	simm.s32 $0x108;
	s8 =	sld [smem:$0x3FAD]  }
0x2e: {  	s3 =	simm.s32 @!p0 $0x1082;
	s9 =	sld [smem:$0x3FAE]  }
0x2f: {  	lr =	sadd.s32 s0, s3;
	s0 =	sld [smem:$0x3FA5]  }
0x30: {  	s3 =	sld [smem:$0x3FA8]  }
0x31: {  	[smem:$0x3FB1] =	sst s10  }
0x32: {  	s10 =	sld [smem:$0x3FAF];
	_ =	sdelay $0x3  }
0x33: {  	p0 =	seq.s32 s10, $0x1;
	s10 =	sld [smem:$0x3FB1];
	_ =	sdelay $0x3  }
0x34: {  	[smem:$0x3FB1] =	sst s10  }
0x35: {  	s10 =	sld [smem:$0x3FB0];
	_ =	sdelay $0x3  }
0x36: {  	p1 =	seq.s32 s10, $0x1;
	s10 =	sld [smem:$0x3FB1];
	_ =	sdelay $0x3  }
0x37: {  	[smem:$0x3FB1] =	sst s10  }
0x38: {  	s10 =	sld [smem:$0x3FB2]  }
0x39: {  	_ = 	snop;
	(pc) =	sbr.ind lr, $3  }
0x3a: {  	_ = 	snop  }
0x3b: {  	_ = 	snop  }
0x3c: {  	p2 =	seq.s32 s10, $0x1;
	s10 =	sld [smem:$0x3FB1]  }
0x3d: {  	_ =	shalt  }
0x3e: {  	_ =	shalt  }
0x3f: {  	_ =	shalt  }
0x40: {  	_ =	shalt  }
0x41: {  	_ =	shalt  }
0x42: {  	_ =	shalt  }
0x43: {  	_ =	shalt  }
0x44: {  	_ =	shalt  }
0x45: {  	_ =	shalt  }
0x46: {  	_ =	shalt  }
0x47: {  	_ =	shalt  }
0x48: {  	_ =	shalt  }
0x49: {  	_ =	shalt  }
0x4a: {  	_ =	shalt  }
0x4b: {  	_ =	shalt  }
0x4c: {  	_ =	shalt  }
0x4d: {  	_ =	shalt  }
0x4e: {  	_ =	shalt  }
0x4f: {  	_ =	shalt  }
0x50: {  	_ =	shalt  }
0x51: {  	_ =	shalt  }
0x52: {  	_ =	shalt  }
0x53: {  	_ =	shalt  }
0x54: {  	_ =	shalt  }
0x55: {  	_ =	shalt  }
0x56: {  	_ =	shalt  }
0x57: {  	_ =	shalt  }
0x58: {  	_ =	shalt  }
0x59: {  	_ =	shalt  }
0x5a: {  	_ =	shalt  }
0x5b: {  	_ =	shalt  }
0x5c: {  	_ =	shalt  }
0x5d: {  	_ =	shalt  }
0x5e: {  	_ =	shalt  }
0x5f: {  	_ =	shalt  }
0x60: {  	_ =	shalt  }
0x61: {  	_ =	shalt  }
0x62: {  	_ =	shalt  }
0x63: {  	_ =	shalt  }
0x64: {  	_ =	shalt  }
0x65: {  	_ =	shalt  }
0x66: {  	_ =	shalt  }
0x67: {  	_ =	shalt  }
0x68: {  	_ =	shalt  }
0x69: {  	_ =	shalt  }
0x6a: {  	_ =	shalt  }
0x6b: {  	_ =	shalt  }
0x6c: {  	_ =	shalt  }
0x6d: {  	_ =	shalt  }
0x6e: {  	_ =	shalt  }
0x6f: {  	_ =	shalt  }
0x70: {  	_ =	shalt  }
0x71: {  	_ =	shalt  }
0x72: {  	_ =	shalt  }
0x73: {  	_ =	shalt  }
0x74: {  	_ =	shalt  }
0x75: {  	_ =	shalt  }
0x76: {  	_ =	shalt  }
0x77: {  	_ =	shalt  }
0x78: {  	_ =	shalt  }
0x79: {  	_ =	shalt  }
0x7a: {  	_ =	shalt  }
0x7b: {  	_ =	shalt  }
0x7c: {  	_ =	shalt  }
0x7d: {  	_ =	shalt  }
0x7e: {  	_ =	shalt  }
0x7f: {  	_ =	shalt  }
0x80: {  	_ =	shalt  }
0x81: {  	_ =	shalt  }
0x82: {  	_ =	shalt  }
0x83: {  	_ =	shalt  }
0x84: {  	_ =	shalt  }
0x85: {  	_ =	shalt  }
0x86: {  	_ =	shalt  }
0x87: {  	_ =	shalt  }
.Lfunc_end0:
.L_simem_size_0:
called_computation.1_lowered:
.L_overlay_start_0:
0x88: {  	s2 =	sld [smem:$0x3FD9]  }
0x89: {  	s3 =	sld [smem:$0x3FFE];
	_ =	sdelay $0x1  }
0x8a: {  	s1 =	srdreg.scid  }
0x8b: {  	s0 =	sand.u32 $0x1, s1  }
0x8c: {  	s17 =	sshll.u32 s0, $0xA;
	s2 =	sadd.s32 s3, s2  }
0x8d: {  	s2 =	sadd.s32 s2, s17  }
0x8e: {  	[smem:$0x3FBD] =	sst s2  }
0x8f: {  	_ = 	snop  }
0x90: {  	s2 =	sld [smem:$0x3FD0];
	(tm) =	ssettm $0x1  }
0x91: {  	s18 =	sld [smem:$0x3FFB];
	_ =	sdelay $0x3  }
0x92: {  	_ =	strace s18  }
0x93: {  	s3 =	sld [smem:$0x3FFC];
	_ =	sdelay $0x3  }
0x94: {  	_ =	strace s3  }
0x95: {  	s3 =	sld [smem:$0x3FFD];
	_ =	sdelay $0x3  }
0x96: {  	_ =	strace s3  }
0x97: {  	_ =	strace $0x8FFFFFFF  }
0x98: {  	s19 =	sld [smem:$0x3FDB];
	_ =	sdelay $0x1  }
0x99: {  	s4 =	simm.s32 $_scs_section_size  }
0x9a: {  	s5 =	simm.s32 $_size__tile_overlayer_lowered;
	s6 =	simm.s32 $_tile_overlayer_lowered  }
0x9b: {  	s22 =	simm.s32 $0x1BFF;
	s21 =	sshll.u32 s6, $0x1;
	s3 =	sadd.s32 s4, s19  }
0x9c: {  	s7 =	simm.s32 $0x0;
	s20 =	sshll.u32 s5, $0x1;
	s5 =	sadd.s32 s21, s3  }
0x9d: {  	[timem:s7], [sflag:s22] =	dma.local [hbm:s5], s20  }
0x9e: {  	_ =	swait.ge [sflag:s22], s20  }
0x9f: {  	s4 =	ssub.s32 $0x0, s20;
	[sflag:s22] =	ssyncset.done $0x0  }
0xa0: {  	[sflag:s22] =	ssyncadd.s32 s4;
	_ =	sdelay $0x1  }
0xa1: {  	s23 =	simm.s32 $0x1B8B  }
0xa2: {  	_ =	swait.ge [sflag:s23], $0x1  }
0xa3: {  	[sflag:s23] =	ssyncset.done $0x0  }
0xa4: {  	s25 =	simm.s32 $0x1B8E;
	s24 =	sld [smem:$0x3FFE];
	[sflag:s23] =	ssyncadd.s32 $0xFFFFFFFF  }
0xa5: {  	s26 =	simm.s32 $execute0_lowered;
	[smem:$0x3FD2] =	sst s25  }
0xa6: {  	s5 =	sshll.u32 s26, $0x1;
	_ =	strace $0x80000049;
	[dreg:$0x1] =	wrdreg $0xFFFFFFFF  }
0xa7: {  	s28 =	simm.s32 $_size_execute0_lowered;
	s3 =	sadd.s32 s3, s5;
	[dreg:$0x0] =	wrdreg $0x0  }
0xa8: {  	s5 =	sshll.u32 s28, $0x1;
	[dreg:$0x2] =	wrdreg s3  }
0xa9: {  	[dreg:$0x3] =	wrdreg s5  }
0xaa: {  	[dreg:$0x4] =	wrdreg $0xC0  }
0xab: {  	_ =	task [dreg:s7], $0x5FFFF  }
0xac: {  	[dreg:$0x1] =	wrdreg $0xFFFFFFFF  }
0xad: {  	[dreg:$0x0] =	wrdreg $0x60  }
0xae: {  	[dreg:$0x2] =	wrdreg s24  }
0xaf: {  	[dreg:$0x3] =	wrdreg s2  }
0xb0: {  	[dreg:$0x4] =	wrdreg $0xAC000  }
0xb1: {  	[dreg:$0x5] =	wrdreg $0x14C000  }
0xb2: {  	[dreg:$0x6] =	wrdreg $0x9  }
0xb3: {  	_ =	task.clear_ibuf [dreg:s7], $0x7FFFF;
	_ =	strace $0x90000049  }
0xb4: {  	s29 =	simm.s32 $0x9;
	_ =	strace $0x8000004B  }
0xb5: {  	_ =	swait.ge [sflag:s29], $0x1  }
0xb6: {  	[sflag:s29] =	ssyncadd.s32 $0xFFFFFFFF  }
0xb7: {  	_ =	strace $0x9000004B  }
0xb8: {  	_ =	sfence  }
0xb9: {  	s30 =	sld [smem:$0x0];
	_ =	sdelay $0x2  }
0xba: {  	s31 =	sshll.u32 s1, $0xD;
	s1 =	sshrl.u32 s1, $0x2  }
0xbb: {  	s3 =	sand.u32 $0x4000, s31;
	s1 =	sadd.s32 s1, s30  }
0xbc: {  	s0 =	sor.u32 s3, s0;
	s1 =	sshll.u32 s1, $0x11  }
0xbd: {  	s0 =	sor.u32 s1, s0  }
0xbe: {  	s0 =	sadd.s32 $0x8F2B, s0  }
0xbf: {  	[sflag:s0] =	ssyncadd.remote.s32 $0x1  }
0xc0: {  	_ =	sfence.sel $0xFFFF  }
0xc1: {  	[dreg:$0x0] =	wrdreg $0xFFFFFFFF;
	(pc) =	sbr.abs _section_cstart, $3  }
0xc2: {  	[dreg:$0x1] =	wrdreg $0xFFFFFFFF  }
0xc3: {  	_ =	task.clear_ibuf [dreg:s7], $0x2FFFF;
	_ =	strace $0x9FFFFFFF  }
0xc4: {  	(tm) =	ssettm $0x7FFFFFFF  }
0xc5: {  	_ =	shalt  }
tec
execute0_lowered:
.L_overlay_start_1:
0x0: {  	(tag) =	ssettag $0x1  }
0x1: {  	s0 =	rddreg [dreg:$0x0]  }
0x2: {  	s1 =	rddreg [dreg:$0x1]  }
0x3: {  	s2 =	rddreg [dreg:$0x2];
	s4 =	srdreg.scid  }
0x4: {  	s12 =	stileid.u32;
	s3 =	rddreg [dreg:$0x3];
	s19 =	simm.s32 $0x9  }
0x5: {  	s20 =	simm.s32 $0xA800;
	s21 =	simm.s32 $0x1400;
	s22 =	simm.s32 $0x80  }
0x6: {  	s23 =	simm.s32 $0x2800;
	s24 =	simm.s32 $0x4800;
	s28 =	simm.s32 $0x6800  }
0x7: {  	s29 =	simm.s32 $0x180;
	s30 =	simm.s32 $0x8800;
	s8 =	smul.u32 $0xA000, s12  }
0x8: {  	s31 =	simm.s32 $0x1;
	s5 =	sand.u32 $0x1, s4;
	s7 =	smul.u32 $0x28000, s12  }
0x9: {  	s4 =	simm.s32 $0x0;
	s9 =	sadd.s32 $0xBC00, s0;
	s11 =	smul.u32 $0x5000, s12  }
0xa: {  	s13 =	sshll.u32 s12, $0x6;
	s12 =	smul.u32 $0xA00, s12;
	[smem:$0x7FF] =	sst s4  }
0xb: {  	s6 =	smul.u32 $0xA0000, s5;
	s5 =	ssub.s32 $0x2, s5;
	_ =	strace $0x8000004A  }
0xc: {  	s25 =	sshrl.u32 s5, $0x1;
	s10 =	sadd.s32 s8, s2;
	s7 =	sshrl.u32 s7, $0x2  }
0xd: {  	s11 =	sshrl.u32 s11, $0x3;
	s18 =	sadd.s32 s8, s3;
	s6 =	sadd.s32 s8, s6  }
0xe: {  	s5 =	ssub.s32 s5, s25;
	s7 =	sadd.s32 s7, s3;
	s14 =	sadd.s32 $0x280, s11  }
0xf: {  	s16 =	sadd.s32 $0x500, s11;
	s11 =	sadd.s32 $0x780, s11;
	s15 =	sadd.s32 s9, s14  }
0x10: {  	s6 =	sshrl.u32 s6, $0x3;
	s17 =	sadd.s32 s9, s16;
	[dreg:$0x8] =	wrdreg s15  }
0x11: {  	s25 =	smax.u32 s5, $0x1;
	s0 =	sadd.s32 s6, s0;
	[dreg:$0xa] =	wrdreg s17  }
0x12: {  	s6 =	sor.u32 $0x1C09, s13;
	s13 =	sadd.s32 s9, s12;
	[dreg:$0xf] =	wrdreg s25  }
0x13: {  	s8 =	simm.s32 $0x5;
	s12 =	sadd.s32 s1, s12;
	[dreg:$0x6] =	wrdreg s13  }
0x14: {  	s5 =	simm.s32 $0x4;
	s9 =	sadd.s32 s9, s11;
	[dreg:$0x7] =	wrdreg s12  }
0x15: {  	s25 =	sshrl.u32 s18, $0x3;
	s26 =	sadd.s32 $0x65C00, s0;
	[dreg:$0xc] =	wrdreg s9  }
0x16: {  	s15 =	simm.s32 $0x2780;
	s13 =	sadd.s32 s1, s14;
	[dreg:$0x5] =	wrdreg s26  }
0x17: {  	s12 =	sadd.s32 s1, s16;
	s1 =	sadd.s32 s1, s11;
	[dreg:$0x9] =	wrdreg s13  }
0x18: {  	s0 =	sadd.s32 $0x8DC00, s0;
	s9 =	simm.s32 $0x6;
	[dreg:$0xb] =	wrdreg s12  }
0x19: {  	s11 =	simm.s32 $0x8;
	s14 =	simm.s32 $0x2700;
	[dreg:$0xd] =	wrdreg s1  }
0x1a: {  	[dreg:$0xe] =	wrdreg s0;
	s26 =	sshrl.u32 s10, $0x3;
	s1 =	simm.s32 $0x2  }
0x1b: {  	s0 =	simm.s32 $0x3;
	s10 =	simm.s32 $0x7;
	s12 =	simm.s32 $0x2600  }
0x1c: {  	v0 =	vimm.f32 $0.0e+00;
	s13 =	simm.s32 $0x2680;
	[dreg:$0x10] =	wrdreg s26;
	s26 =	simm.s32 $0x100  }
.LBB2_1:
0x1d: {  	s16 =	rddreg [dreg:$0x5]  }
0x1e: {  	s17 =	rddreg [dreg:$0x10]  }
0x1f: {  	[spmem:s17], [sflag:s6] =	dma.local [hbm:s16], $0x1400  }
0x20: {  	_ =	swait.ge [sflag:s19], $0x1400  }
0x21: {  	[sflag:s19] =	ssyncset.done $0x0  }
0x22: {  	[sflag:s19] =	ssyncadd.s32 $0xFFFFEC00  }
0x23: {  	[tilespmem:$0xA800] =	vst v0  }
0x24: {  	[tilespmem:$0xA810] =	vst v0  }
0x25: {  	[tilespmem:$0xA820] =	vst v0  }
0x26: {  	[tilespmem:$0xA830] =	vst v0  }
0x27: {  	[tilespmem:$0xA840] =	vst v0  }
0x28: {  	[tilespmem:$0xA850] =	vst v0  }
0x29: {  	[tilespmem:$0xA860] =	vst v0  }
0x2a: {  	[tilespmem:$0xA870] =	vst v0  }
0x2b: {  	[tilespmem:$0xA880] =	vst v0  }
0x2c: {  	[tilespmem:$0xA890] =	vst v0  }
0x2d: {  	[tilespmem:$0xA8A0] =	vst v0  }
0x2e: {  	[tilespmem:$0xA8B0] =	vst v0  }
0x2f: {  	[tilespmem:$0xA8C0] =	vst v0  }
0x30: {  	[tilespmem:$0xA8D0] =	vst v0  }
0x31: {  	[tilespmem:$0xA8E0] =	vst v0  }
0x32: {  	[tilespmem:$0xA8F0] =	vst v0  }
0x33: {  	[tilespmem:$0xA900] =	vst v0  }
0x34: {  	[tilespmem:$0xA910] =	vst v0  }
0x35: {  	[tilespmem:$0xA920] =	vst v0  }
0x36: {  	[tilespmem:$0xA930] =	vst v0  }
0x37: {  	[tilespmem:$0xA940] =	vst v0  }
0x38: {  	[tilespmem:$0xA950] =	vst v0  }
0x39: {  	[tilespmem:$0xA960] =	vst v0  }
0x3a: {  	[tilespmem:$0xA970] =	vst v0  }
0x3b: {  	[tilespmem:$0xA980] =	vst v0  }
0x3c: {  	[tilespmem:$0xA990] =	vst v0  }
0x3d: {  	[tilespmem:$0xA9A0] =	vst v0  }
0x3e: {  	[tilespmem:$0xA9B0] =	vst v0  }
0x3f: {  	[tilespmem:$0xA9C0] =	vst v0  }
0x40: {  	[tilespmem:$0xA9D0] =	vst v0  }
0x41: {  	[tilespmem:$0xA9E0] =	vst v0  }
0x42: {  	[tilespmem:$0xA9F0] =	vst v0  }
0x43: {  	[tilespmem:$0xAA00] =	vst v0  }
0x44: {  	[tilespmem:$0xAA10] =	vst v0  }
0x45: {  	[tilespmem:$0xAA20] =	vst v0  }
0x46: {  	[tilespmem:$0xAA30] =	vst v0  }
0x47: {  	[tilespmem:$0xAA40] =	vst v0  }
0x48: {  	[tilespmem:$0xAA50] =	vst v0  }
0x49: {  	[tilespmem:$0xAA60] =	vst v0  }
0x4a: {  	[tilespmem:$0xAA70] =	vst v0  }
0x4b: {  	[tilespmem:$0xAA80] =	vst v0  }
0x4c: {  	[tilespmem:$0xAA90] =	vst v0  }
0x4d: {  	[tilespmem:$0xAAA0] =	vst v0  }
0x4e: {  	[tilespmem:$0xAAB0] =	vst v0  }
0x4f: {  	[tilespmem:$0xAAC0] =	vst v0  }
0x50: {  	[tilespmem:$0xAAD0] =	vst v0  }
0x51: {  	[tilespmem:$0xAAE0] =	vst v0  }
0x52: {  	[tilespmem:$0xAAF0] =	vst v0  }
0x53: {  	[tilespmem:$0xAB00] =	vst v0  }
0x54: {  	[tilespmem:$0xAB10] =	vst v0  }
0x55: {  	[tilespmem:$0xAB20] =	vst v0  }
0x56: {  	[tilespmem:$0xAB30] =	vst v0  }
0x57: {  	[tilespmem:$0xAB40] =	vst v0  }
0x58: {  	[tilespmem:$0xAB50] =	vst v0  }
0x59: {  	[tilespmem:$0xAB60] =	vst v0  }
0x5a: {  	[tilespmem:$0xAB70] =	vst v0  }
0x5b: {  	[tilespmem:$0xAB80] =	vst v0  }
0x5c: {  	[tilespmem:$0xAB90] =	vst v0  }
0x5d: {  	[tilespmem:$0xABA0] =	vst v0  }
0x5e: {  	[tilespmem:$0xABB0] =	vst v0  }
0x5f: {  	[tilespmem:$0xABC0] =	vst v0  }
0x60: {  	[tilespmem:$0xABD0] =	vst v0  }
0x61: {  	[tilespmem:$0xABE0] =	vst v0  }
0x62: {  	s18 =	sadd.s32 $0x0, s7;
	[tilespmem:$0xABF0] =	vst v0  }
0x63: {  	[spmem:s18] =	stream.linear.scatter [tilespmem:s20], [sflag:$0x9], $0x400, $0x38;
	[tilespmem:$0x1EC00] =	vst v63  }
0x64: {  	s16 =	simm.s32 $0x1000;
	_ =	swait.ge [sflag:s19], $0x400  }
.LBB2_2:
0x65: {  	s17 =	sshra.s32 s16, $0x2;
	[sflag:s19] =	ssyncset.done $0x0;
	p0 =	sne.s32 s16, $0x27000  }
.Ltmp0:
0x66: {  	s17 =	sadd.s32 s17, s7;
	[sflag:s19] =	ssyncadd.s32 $0xFFFFFC00;
	(pc) =	sbr.rel @p0 .LBB2_2-.Ltmp0, $3  }
0x67: {  	[spmem:s17] =	stream.linear.scatter [tilespmem:s20], [sflag:$0x9], $0x400, $0x38;
	[tilespmem:$0x1EC00] =	vst v63  }
0x68: {  	s16 =	sadd.s32 $0x1000, s16;
	_ =	sdelay $0x1  }
0x69: {  	_ =	swait.ge [sflag:s19], $0x400  }
0x6a: {  	[sflag:s19] =	ssyncset.done $0x0  }
0x6b: {  	[sflag:s19] =	ssyncadd.s32 $0xFFFFFC00  }
0x6c: {  	[bflag:$0x0] =	sbarrier.arrive $0xFFFF  }
0x6d: {  	s16 =	simm.s32 $0x0;
	s17 =	rddreg [dreg:$0x6]  }
0x6e: {  	[tilespmem:s16], [sflag:$0x9] =	stream.linear.gather [hbm4b:s17+s16], $0x1400, $0x38;
	[tilespmem:$0x1EC00] =	vst v63  }
0x6f: {  	_ =	swait.ge [sflag:s19], $0x1400  }
0x70: {  	[sflag:s19] =	ssyncset.done $0x0  }
0x71: {  	s18 =	rddreg [dreg:$0x7];
	[sflag:s19] =	ssyncadd.s32 $0xFFFFEC00  }
0x72: {  	[tilespmem:s21], [sflag:$0x9] =	stream.linear.gather [hbm4b:s18+s16], $0x1400, $0x38;
	[tilespmem:$0x1EC00] =	vst v63  }
0x73: {  	_ =	swait.ge [sflag:s19], $0x1400  }
0x74: {  	[sflag:s19] =	ssyncset.done $0x0  }
0x75: {  	[sflag:s19] =	ssyncadd.s32 $0xFFFFEC00  }
0x76: {  	[tilespmem:s23], [sflag:$0x1] =	stream.indirect.gather [spmem:s2], $0x40, s16, s22, $0xb8;
	[tilespmem:$0x1EC00] =	vst v63  }
0x77: {  	_ = 	snop  }
0x78: {  	[tilespmem:s24], [sflag:$0x2] =	stream.indirect.gather [spmem:s2], $0x40, s22, s22, $0xb8;
	[tilespmem:$0x1EC00] =	vst v63  }
0x79: {  	_ = 	snop  }
0x7a: {  	[tilespmem:s28], [sflag:$0x3] =	stream.indirect.gather [spmem:s2], $0x40, s26, s22, $0xb8;
	[tilespmem:$0x1EC00] =	vst v63  }
0x7b: {  	_ = 	snop  }
0x7c: {  	[tilespmem:s30], [sflag:$0x4] =	stream.indirect.gather [spmem:s2], $0x40, s29, s22, $0xb8;
	[tilespmem:$0x1EC00] =	vst v63  }
0x7d: {  	_ =	swait.ge [sflag:s31], $0x2000  }
0x7e: {  	[sflag:s31] =	ssyncset.done $0x0  }
0x7f: {  	s18 =	simm.s32 $0x1400;
	[sflag:s31] =	ssyncadd.s32 $0xFFFFE000  }
0x80: {  	[spmem:s3] =	stream.indirect.scatter.add.f32 [tilespmem:s23], [sflag:$0x5], $0x40, s18, s22, $0xb8;
	[tilespmem:$0x1EC00] =	vst v63  }
0x81: {  	_ =	swait.ge [sflag:s1], $0x2000  }
0x82: {  	[sflag:s1] =	ssyncset.done $0x0  }
0x83: {  	s17 =	simm.s32 $0x1480;
	[sflag:s1] =	ssyncadd.s32 $0xFFFFE000  }
0x84: {  	[spmem:s3] =	stream.indirect.scatter.add.f32 [tilespmem:s24], [sflag:$0x6], $0x40, s17, s22, $0xb8;
	[tilespmem:$0x1EC00] =	vst v63  }
0x85: {  	_ =	swait.ge [sflag:s0], $0x2000  }
0x86: {  	[sflag:s0] =	ssyncset.done $0x0  }
0x87: {  	s18 =	simm.s32 $0x1500;
	[sflag:s0] =	ssyncadd.s32 $0xFFFFE000  }
0x88: {  	[spmem:s3] =	stream.indirect.scatter.add.f32 [tilespmem:s28], [sflag:$0x7], $0x40, s18, s22, $0xb8;
	[tilespmem:$0x1EC00] =	vst v63  }
0x89: {  	_ =	swait.ge [sflag:s5], $0x2000  }
0x8a: {  	[sflag:s5] =	ssyncset.done $0x0  }
0x8b: {  	s17 =	simm.s32 $0x1580;
	[sflag:s5] =	ssyncadd.s32 $0xFFFFE000  }
0x8c: {  	[spmem:s3] =	stream.indirect.scatter.add.f32 [tilespmem:s30], [sflag:$0x8], $0x40, s17, s22, $0xb8;
	[tilespmem:$0x1EC00] =	vst v63  }
0x8d: {  	_ =	swait.ge [sflag:s8], $0x2000  }
0x8e: {  	[sflag:s8] =	ssyncset.done $0x0  }
0x8f: {  	s18 =	simm.s32 $0x200;
	[sflag:s8] =	ssyncadd.s32 $0xFFFFE000  }
0x90: {  	[tilespmem:s23], [sflag:$0x1] =	stream.indirect.gather [spmem:s2], $0x40, s18, s22, $0xb8;
	[tilespmem:$0x1EC00] =	vst v63  }
0x91: {  	_ =	swait.ge [sflag:s9], $0x2000  }
0x92: {  	[sflag:s9] =	ssyncset.done $0x0  }
0x93: {  	s17 =	simm.s32 $0x280;
	[sflag:s9] =	ssyncadd.s32 $0xFFFFE000  }
0x94: {  	[tilespmem:s24], [sflag:$0x2] =	stream.indirect.gather [spmem:s2], $0x40, s17, s22, $0xb8;
	[tilespmem:$0x1EC00] =	vst v63  }
0x95: {  	_ =	swait.ge [sflag:s10], $0x2000  }
0x96: {  	[sflag:s10] =	ssyncset.done $0x0  }
0x97: {  	s18 =	simm.s32 $0x300;
	[sflag:s10] =	ssyncadd.s32 $0xFFFFE000  }
0x98: {  	[tilespmem:s28], [sflag:$0x3] =	stream.indirect.gather [spmem:s2], $0x40, s18, s22, $0xb8;
	[tilespmem:$0x1EC00] =	vst v63  }
0x99: {  	_ =	swait.ge [sflag:s11], $0x2000  }
0x9a: {  	[sflag:s11] =	ssyncset.done $0x0  }
0x9b: {  	s16 =	simm.s32 $0x800;
	s17 =	simm.s32 $0x380;
	[sflag:s11] =	ssyncadd.s32 $0xFFFFE000  }
.LBB2_4:
0x9c: {  	[tilespmem:s30], [sflag:$0x4] =	stream.indirect.gather [spmem:s2], $0x40, s17, s22, $0xb8;
	[tilespmem:$0x1EC00] =	vst v63  }
0x9d: {  	s17 =	smov.u32 s16  }
0x9e: {  	p0 =	sne.s32 s16, $0x4000;
	s16 =	sadd.s32 $0x800, s16;
	_ =	swait.ge [sflag:s31], $0x2000  }
0x9f: {  	s17 =	sshra.s32 s17, $0x2;
	[sflag:s31] =	ssyncset.done $0x0  }
0xa0: {  	s18 =	sadd.s32 $0x1400, s17;
	[sflag:s31] =	ssyncadd.s32 $0xFFFFE000  }
0xa1: {  	[spmem:s3] =	stream.indirect.scatter.add.f32 [tilespmem:s23], [sflag:$0x5], $0x40, s18, s22, $0xb8;
	[tilespmem:$0x1EC00] =	vst v63  }
0xa2: {  	_ =	swait.ge [sflag:s1], $0x2000  }
0xa3: {  	[sflag:s1] =	ssyncset.done $0x0  }
0xa4: {  	s18 =	sadd.s32 $0x1480, s17;
	[sflag:s1] =	ssyncadd.s32 $0xFFFFE000  }
0xa5: {  	[spmem:s3] =	stream.indirect.scatter.add.f32 [tilespmem:s24], [sflag:$0x6], $0x40, s18, s22, $0xb8;
	[tilespmem:$0x1EC00] =	vst v63  }
0xa6: {  	_ =	swait.ge [sflag:s0], $0x2000  }
0xa7: {  	[sflag:s0] =	ssyncset.done $0x0  }
0xa8: {  	s18 =	sadd.s32 $0x1500, s17;
	[sflag:s0] =	ssyncadd.s32 $0xFFFFE000  }
0xa9: {  	[spmem:s3] =	stream.indirect.scatter.add.f32 [tilespmem:s28], [sflag:$0x7], $0x40, s18, s22, $0xb8;
	[tilespmem:$0x1EC00] =	vst v63  }
0xaa: {  	_ =	swait.ge [sflag:s5], $0x2000  }
0xab: {  	[sflag:s5] =	ssyncset.done $0x0  }
0xac: {  	s18 =	sadd.s32 $0x1580, s17;
	[sflag:s5] =	ssyncadd.s32 $0xFFFFE000  }
0xad: {  	[spmem:s3] =	stream.indirect.scatter.add.f32 [tilespmem:s30], [sflag:$0x8], $0x40, s18, s22, $0xb8;
	[tilespmem:$0x1EC00] =	vst v63  }
0xae: {  	_ =	swait.ge [sflag:s8], $0x2000  }
0xaf: {  	[sflag:s8] =	ssyncset.done $0x0  }
0xb0: {  	s18 =	sadd.s32 $0x200, s17;
	[sflag:s8] =	ssyncadd.s32 $0xFFFFE000  }
0xb1: {  	[tilespmem:s23], [sflag:$0x1] =	stream.indirect.gather [spmem:s2], $0x40, s18, s22, $0xb8;
	[tilespmem:$0x1EC00] =	vst v63  }
0xb2: {  	_ =	swait.ge [sflag:s9], $0x2000  }
0xb3: {  	[sflag:s9] =	ssyncset.done $0x0  }
0xb4: {  	s18 =	sadd.s32 $0x280, s17;
	[sflag:s9] =	ssyncadd.s32 $0xFFFFE000  }
0xb5: {  	[tilespmem:s24], [sflag:$0x2] =	stream.indirect.gather [spmem:s2], $0x40, s18, s22, $0xb8;
	[tilespmem:$0x1EC00] =	vst v63  }
0xb6: {  	_ =	swait.ge [sflag:s10], $0x2000  }
0xb7: {  	[sflag:s10] =	ssyncset.done $0x0  }
.Ltmp1:
0xb8: {  	s18 =	sadd.s32 $0x300, s17;
	[sflag:s10] =	ssyncadd.s32 $0xFFFFE000;
	(pc) =	sbr.rel @p0 .LBB2_4-.Ltmp1, $4  }
0xb9: {  	[tilespmem:s28], [sflag:$0x3] =	stream.indirect.gather [spmem:s2], $0x40, s18, s22, $0xb8;
	[tilespmem:$0x1EC00] =	vst v63  }
0xba: {  	_ =	swait.ge [sflag:s11], $0x2000  }
0xbb: {  	[sflag:s11] =	ssyncset.done $0x0  }
0xbc: {  	s17 =	sadd.s32 $0x380, s17;
	[sflag:s11] =	ssyncadd.s32 $0xFFFFE000  }
0xbd: {  	[tilespmem:s30], [sflag:$0x4] =	stream.indirect.gather [spmem:s2], $0x40, s17, s22, $0xb8;
	[tilespmem:$0x1EC00] =	vst v63  }
0xbe: {  	_ =	swait.ge [sflag:s31], $0x2000  }
0xbf: {  	[sflag:s31] =	ssyncset.done $0x0  }
0xc0: {  	[sflag:s31] =	ssyncadd.s32 $0xFFFFE000  }
0xc1: {  	[spmem:s3] =	stream.indirect.scatter.add.f32 [tilespmem:s23], [sflag:$0x5], $0x40, s12, s22, $0xb8;
	[tilespmem:$0x1EC00] =	vst v63  }
0xc2: {  	_ =	swait.ge [sflag:s1], $0x2000  }
0xc3: {  	[sflag:s1] =	ssyncset.done $0x0  }
0xc4: {  	[sflag:s1] =	ssyncadd.s32 $0xFFFFE000  }
0xc5: {  	[spmem:s3] =	stream.indirect.scatter.add.f32 [tilespmem:s24], [sflag:$0x6], $0x40, s13, s22, $0xb8;
	[tilespmem:$0x1EC00] =	vst v63  }
0xc6: {  	_ =	swait.ge [sflag:s0], $0x2000  }
0xc7: {  	[sflag:s0] =	ssyncset.done $0x0  }
0xc8: {  	[sflag:s0] =	ssyncadd.s32 $0xFFFFE000  }
0xc9: {  	[spmem:s3] =	stream.indirect.scatter.add.f32 [tilespmem:s28], [sflag:$0x7], $0x40, s14, s22, $0xb8;
	[tilespmem:$0x1EC00] =	vst v63  }
0xca: {  	_ =	swait.ge [sflag:s5], $0x2000  }
0xcb: {  	[sflag:s5] =	ssyncset.done $0x0  }
0xcc: {  	[sflag:s5] =	ssyncadd.s32 $0xFFFFE000  }
0xcd: {  	[spmem:s3] =	stream.indirect.scatter.add.f32 [tilespmem:s30], [sflag:$0x8], $0x40, s15, s22, $0xb8;
	[tilespmem:$0x1EC00] =	vst v63  }
0xce: {  	_ =	swait.ge [sflag:s8], $0x2000  }
0xcf: {  	[sflag:s8] =	ssyncset.done $0x0  }
0xd0: {  	[sflag:s8] =	ssyncadd.s32 $0xFFFFE000  }
0xd1: {  	_ =	swait.ge [sflag:s9], $0x2000  }
0xd2: {  	[sflag:s9] =	ssyncset.done $0x0  }
0xd3: {  	[sflag:s9] =	ssyncadd.s32 $0xFFFFE000  }
0xd4: {  	_ =	swait.ge [sflag:s10], $0x2000  }
0xd5: {  	[sflag:s10] =	ssyncset.done $0x0  }
0xd6: {  	[sflag:s10] =	ssyncadd.s32 $0xFFFFE000  }
0xd7: {  	_ =	swait.ge [sflag:s11], $0x2000  }
0xd8: {  	[sflag:s11] =	ssyncset.done $0x0  }
0xd9: {  	s16 =	simm.s32 $0x0;
	s18 =	rddreg [dreg:$0x8];
	[sflag:s11] =	ssyncadd.s32 $0xFFFFE000  }
0xda: {  	[tilespmem:s16], [sflag:$0x9] =	stream.linear.gather [hbm4b:s18+s16], $0x1400, $0x38;
	[tilespmem:$0x1EC00] =	vst v63  }
0xdb: {  	_ =	swait.ge [sflag:s19], $0x1400  }
0xdc: {  	[sflag:s19] =	ssyncset.done $0x0  }
0xdd: {  	s18 =	rddreg [dreg:$0x9];
	[sflag:s19] =	ssyncadd.s32 $0xFFFFEC00  }
0xde: {  	[tilespmem:s21], [sflag:$0x9] =	stream.linear.gather [hbm4b:s18+s16], $0x1400, $0x38;
	[tilespmem:$0x1EC00] =	vst v63  }
0xdf: {  	_ =	swait.ge [sflag:s19], $0x1400  }
0xe0: {  	[sflag:s19] =	ssyncset.done $0x0  }
0xe1: {  	[sflag:s19] =	ssyncadd.s32 $0xFFFFEC00  }
0xe2: {  	[tilespmem:s23], [sflag:$0x1] =	stream.indirect.gather [spmem:s2], $0x40, s16, s22, $0xb8;
	[tilespmem:$0x1EC00] =	vst v63  }
0xe3: {  	_ = 	snop  }
0xe4: {  	[tilespmem:s24], [sflag:$0x2] =	stream.indirect.gather [spmem:s2], $0x40, s22, s22, $0xb8;
	[tilespmem:$0x1EC00] =	vst v63  }
0xe5: {  	_ = 	snop  }
0xe6: {  	[tilespmem:s28], [sflag:$0x3] =	stream.indirect.gather [spmem:s2], $0x40, s26, s22, $0xb8;
	[tilespmem:$0x1EC00] =	vst v63  }
0xe7: {  	_ = 	snop  }
0xe8: {  	[tilespmem:s30], [sflag:$0x4] =	stream.indirect.gather [spmem:s2], $0x40, s29, s22, $0xb8;
	[tilespmem:$0x1EC00] =	vst v63  }
0xe9: {  	_ =	swait.ge [sflag:s31], $0x2000  }
0xea: {  	[sflag:s31] =	ssyncset.done $0x0  }
0xeb: {  	s18 =	simm.s32 $0x1400;
	[sflag:s31] =	ssyncadd.s32 $0xFFFFE000  }
0xec: {  	[spmem:s3] =	stream.indirect.scatter.add.f32 [tilespmem:s23], [sflag:$0x5], $0x40, s18, s22, $0xb8;
	[tilespmem:$0x1EC00] =	vst v63  }
0xed: {  	_ =	swait.ge [sflag:s1], $0x2000  }
0xee: {  	[sflag:s1] =	ssyncset.done $0x0  }
0xef: {  	s17 =	simm.s32 $0x1480;
	[sflag:s1] =	ssyncadd.s32 $0xFFFFE000  }
0xf0: {  	[spmem:s3] =	stream.indirect.scatter.add.f32 [tilespmem:s24], [sflag:$0x6], $0x40, s17, s22, $0xb8;
	[tilespmem:$0x1EC00] =	vst v63  }
0xf1: {  	_ =	swait.ge [sflag:s0], $0x2000  }
0xf2: {  	[sflag:s0] =	ssyncset.done $0x0  }
0xf3: {  	s18 =	simm.s32 $0x1500;
	[sflag:s0] =	ssyncadd.s32 $0xFFFFE000  }
0xf4: {  	[spmem:s3] =	stream.indirect.scatter.add.f32 [tilespmem:s28], [sflag:$0x7], $0x40, s18, s22, $0xb8;
	[tilespmem:$0x1EC00] =	vst v63  }
0xf5: {  	_ =	swait.ge [sflag:s5], $0x2000  }
0xf6: {  	[sflag:s5] =	ssyncset.done $0x0  }
0xf7: {  	s17 =	simm.s32 $0x1580;
	[sflag:s5] =	ssyncadd.s32 $0xFFFFE000  }
0xf8: {  	[spmem:s3] =	stream.indirect.scatter.add.f32 [tilespmem:s30], [sflag:$0x8], $0x40, s17, s22, $0xb8;
	[tilespmem:$0x1EC00] =	vst v63  }
0xf9: {  	_ =	swait.ge [sflag:s8], $0x2000  }
0xfa: {  	[sflag:s8] =	ssyncset.done $0x0  }
0xfb: {  	s18 =	simm.s32 $0x200;
	[sflag:s8] =	ssyncadd.s32 $0xFFFFE000  }
0xfc: {  	[tilespmem:s23], [sflag:$0x1] =	stream.indirect.gather [spmem:s2], $0x40, s18, s22, $0xb8;
	[tilespmem:$0x1EC00] =	vst v63  }
0xfd: {  	_ =	swait.ge [sflag:s9], $0x2000  }
0xfe: {  	[sflag:s9] =	ssyncset.done $0x0  }
0xff: {  	s17 =	simm.s32 $0x280;
	[sflag:s9] =	ssyncadd.s32 $0xFFFFE000  }
0x100: {  	[tilespmem:s24], [sflag:$0x2] =	stream.indirect.gather [spmem:s2], $0x40, s17, s22, $0xb8;
	[tilespmem:$0x1EC00] =	vst v63  }
0x101: {  	_ =	swait.ge [sflag:s10], $0x2000  }
0x102: {  	[sflag:s10] =	ssyncset.done $0x0  }
0x103: {  	s18 =	simm.s32 $0x300;
	[sflag:s10] =	ssyncadd.s32 $0xFFFFE000  }
0x104: {  	[tilespmem:s28], [sflag:$0x3] =	stream.indirect.gather [spmem:s2], $0x40, s18, s22, $0xb8;
	[tilespmem:$0x1EC00] =	vst v63  }
0x105: {  	_ =	swait.ge [sflag:s11], $0x2000  }
0x106: {  	[sflag:s11] =	ssyncset.done $0x0  }
0x107: {  	s16 =	simm.s32 $0x800;
	s17 =	simm.s32 $0x380;
	[sflag:s11] =	ssyncadd.s32 $0xFFFFE000  }
.LBB2_6:
0x108: {  	[tilespmem:s30], [sflag:$0x4] =	stream.indirect.gather [spmem:s2], $0x40, s17, s22, $0xb8;
	[tilespmem:$0x1EC00] =	vst v63  }
0x109: {  	s17 =	smov.u32 s16  }
0x10a: {  	p0 =	sne.s32 s16, $0x4000;
	s16 =	sadd.s32 $0x800, s16;
	_ =	swait.ge [sflag:s31], $0x2000  }
0x10b: {  	s17 =	sshra.s32 s17, $0x2;
	[sflag:s31] =	ssyncset.done $0x0  }
0x10c: {  	s18 =	sadd.s32 $0x1400, s17;
	[sflag:s31] =	ssyncadd.s32 $0xFFFFE000  }
0x10d: {  	[spmem:s3] =	stream.indirect.scatter.add.f32 [tilespmem:s23], [sflag:$0x5], $0x40, s18, s22, $0xb8;
	[tilespmem:$0x1EC00] =	vst v63  }
0x10e: {  	_ =	swait.ge [sflag:s1], $0x2000  }
0x10f: {  	[sflag:s1] =	ssyncset.done $0x0  }
0x110: {  	s18 =	sadd.s32 $0x1480, s17;
	[sflag:s1] =	ssyncadd.s32 $0xFFFFE000  }
0x111: {  	[spmem:s3] =	stream.indirect.scatter.add.f32 [tilespmem:s24], [sflag:$0x6], $0x40, s18, s22, $0xb8;
	[tilespmem:$0x1EC00] =	vst v63  }
0x112: {  	_ =	swait.ge [sflag:s0], $0x2000  }
0x113: {  	[sflag:s0] =	ssyncset.done $0x0  }
0x114: {  	s18 =	sadd.s32 $0x1500, s17;
	[sflag:s0] =	ssyncadd.s32 $0xFFFFE000  }
0x115: {  	[spmem:s3] =	stream.indirect.scatter.add.f32 [tilespmem:s28], [sflag:$0x7], $0x40, s18, s22, $0xb8;
	[tilespmem:$0x1EC00] =	vst v63  }
0x116: {  	_ =	swait.ge [sflag:s5], $0x2000  }
0x117: {  	[sflag:s5] =	ssyncset.done $0x0  }
0x118: {  	s18 =	sadd.s32 $0x1580, s17;
	[sflag:s5] =	ssyncadd.s32 $0xFFFFE000  }
0x119: {  	[spmem:s3] =	stream.indirect.scatter.add.f32 [tilespmem:s30], [sflag:$0x8], $0x40, s18, s22, $0xb8;
	[tilespmem:$0x1EC00] =	vst v63  }
0x11a: {  	_ =	swait.ge [sflag:s8], $0x2000  }
0x11b: {  	[sflag:s8] =	ssyncset.done $0x0  }
0x11c: {  	s18 =	sadd.s32 $0x200, s17;
	[sflag:s8] =	ssyncadd.s32 $0xFFFFE000  }
0x11d: {  	[tilespmem:s23], [sflag:$0x1] =	stream.indirect.gather [spmem:s2], $0x40, s18, s22, $0xb8;
	[tilespmem:$0x1EC00] =	vst v63  }
0x11e: {  	_ =	swait.ge [sflag:s9], $0x2000  }
0x11f: {  	[sflag:s9] =	ssyncset.done $0x0  }
0x120: {  	s18 =	sadd.s32 $0x280, s17;
	[sflag:s9] =	ssyncadd.s32 $0xFFFFE000  }
0x121: {  	[tilespmem:s24], [sflag:$0x2] =	stream.indirect.gather [spmem:s2], $0x40, s18, s22, $0xb8;
	[tilespmem:$0x1EC00] =	vst v63  }
0x122: {  	_ =	swait.ge [sflag:s10], $0x2000  }
0x123: {  	[sflag:s10] =	ssyncset.done $0x0  }
.Ltmp2:
0x124: {  	s18 =	sadd.s32 $0x300, s17;
	[sflag:s10] =	ssyncadd.s32 $0xFFFFE000;
	(pc) =	sbr.rel @p0 .LBB2_6-.Ltmp2, $4  }
0x125: {  	[tilespmem:s28], [sflag:$0x3] =	stream.indirect.gather [spmem:s2], $0x40, s18, s22, $0xb8;
	[tilespmem:$0x1EC00] =	vst v63  }
0x126: {  	_ =	swait.ge [sflag:s11], $0x2000  }
0x127: {  	[sflag:s11] =	ssyncset.done $0x0  }
0x128: {  	s17 =	sadd.s32 $0x380, s17;
	[sflag:s11] =	ssyncadd.s32 $0xFFFFE000  }
0x129: {  	[tilespmem:s30], [sflag:$0x4] =	stream.indirect.gather [spmem:s2], $0x40, s17, s22, $0xb8;
	[tilespmem:$0x1EC00] =	vst v63  }
0x12a: {  	_ =	swait.ge [sflag:s31], $0x2000  }
0x12b: {  	[sflag:s31] =	ssyncset.done $0x0  }
0x12c: {  	[sflag:s31] =	ssyncadd.s32 $0xFFFFE000  }
0x12d: {  	[spmem:s3] =	stream.indirect.scatter.add.f32 [tilespmem:s23], [sflag:$0x5], $0x40, s12, s22, $0xb8;
	[tilespmem:$0x1EC00] =	vst v63  }
0x12e: {  	_ =	swait.ge [sflag:s1], $0x2000  }
0x12f: {  	[sflag:s1] =	ssyncset.done $0x0  }
0x130: {  	[sflag:s1] =	ssyncadd.s32 $0xFFFFE000  }
0x131: {  	[spmem:s3] =	stream.indirect.scatter.add.f32 [tilespmem:s24], [sflag:$0x6], $0x40, s13, s22, $0xb8;
	[tilespmem:$0x1EC00] =	vst v63  }
0x132: {  	_ =	swait.ge [sflag:s0], $0x2000  }
0x133: {  	[sflag:s0] =	ssyncset.done $0x0  }
0x134: {  	[sflag:s0] =	ssyncadd.s32 $0xFFFFE000  }
0x135: {  	[spmem:s3] =	stream.indirect.scatter.add.f32 [tilespmem:s28], [sflag:$0x7], $0x40, s14, s22, $0xb8;
	[tilespmem:$0x1EC00] =	vst v63  }
0x136: {  	_ =	swait.ge [sflag:s5], $0x2000  }
0x137: {  	[sflag:s5] =	ssyncset.done $0x0  }
0x138: {  	[sflag:s5] =	ssyncadd.s32 $0xFFFFE000  }
0x139: {  	[spmem:s3] =	stream.indirect.scatter.add.f32 [tilespmem:s30], [sflag:$0x8], $0x40, s15, s22, $0xb8;
	[tilespmem:$0x1EC00] =	vst v63  }
0x13a: {  	_ =	swait.ge [sflag:s8], $0x2000  }
0x13b: {  	[sflag:s8] =	ssyncset.done $0x0  }
0x13c: {  	[sflag:s8] =	ssyncadd.s32 $0xFFFFE000  }
0x13d: {  	_ =	swait.ge [sflag:s9], $0x2000  }
0x13e: {  	[sflag:s9] =	ssyncset.done $0x0  }
0x13f: {  	[sflag:s9] =	ssyncadd.s32 $0xFFFFE000  }
0x140: {  	_ =	swait.ge [sflag:s10], $0x2000  }
0x141: {  	[sflag:s10] =	ssyncset.done $0x0  }
0x142: {  	[sflag:s10] =	ssyncadd.s32 $0xFFFFE000  }
0x143: {  	_ =	swait.ge [sflag:s11], $0x2000  }
0x144: {  	[sflag:s11] =	ssyncset.done $0x0  }
0x145: {  	s16 =	simm.s32 $0x0;
	s18 =	rddreg [dreg:$0xa];
	[sflag:s11] =	ssyncadd.s32 $0xFFFFE000  }
0x146: {  	[tilespmem:s16], [sflag:$0x9] =	stream.linear.gather [hbm4b:s18+s16], $0x1400, $0x38;
	[tilespmem:$0x1EC00] =	vst v63  }
0x147: {  	_ =	swait.ge [sflag:s19], $0x1400  }
0x148: {  	[sflag:s19] =	ssyncset.done $0x0  }
0x149: {  	s18 =	rddreg [dreg:$0xb];
	[sflag:s19] =	ssyncadd.s32 $0xFFFFEC00  }
0x14a: {  	[tilespmem:s21], [sflag:$0x9] =	stream.linear.gather [hbm4b:s18+s16], $0x1400, $0x38;
	[tilespmem:$0x1EC00] =	vst v63  }
0x14b: {  	_ =	swait.ge [sflag:s19], $0x1400  }
0x14c: {  	[sflag:s19] =	ssyncset.done $0x0  }
0x14d: {  	[sflag:s19] =	ssyncadd.s32 $0xFFFFEC00  }
0x14e: {  	[tilespmem:s23], [sflag:$0x1] =	stream.indirect.gather [spmem:s2], $0x40, s16, s22, $0xb8;
	[tilespmem:$0x1EC00] =	vst v63  }
0x14f: {  	_ = 	snop  }
0x150: {  	[tilespmem:s24], [sflag:$0x2] =	stream.indirect.gather [spmem:s2], $0x40, s22, s22, $0xb8;
	[tilespmem:$0x1EC00] =	vst v63  }
0x151: {  	_ = 	snop  }
0x152: {  	[tilespmem:s28], [sflag:$0x3] =	stream.indirect.gather [spmem:s2], $0x40, s26, s22, $0xb8;
	[tilespmem:$0x1EC00] =	vst v63  }
0x153: {  	_ = 	snop  }
0x154: {  	[tilespmem:s30], [sflag:$0x4] =	stream.indirect.gather [spmem:s2], $0x40, s29, s22, $0xb8;
	[tilespmem:$0x1EC00] =	vst v63  }
0x155: {  	_ =	swait.ge [sflag:s31], $0x2000  }
0x156: {  	[sflag:s31] =	ssyncset.done $0x0  }
0x157: {  	s18 =	simm.s32 $0x1400;
	[sflag:s31] =	ssyncadd.s32 $0xFFFFE000  }
0x158: {  	[spmem:s3] =	stream.indirect.scatter.add.f32 [tilespmem:s23], [sflag:$0x5], $0x40, s18, s22, $0xb8;
	[tilespmem:$0x1EC00] =	vst v63  }
0x159: {  	_ =	swait.ge [sflag:s1], $0x2000  }
0x15a: {  	[sflag:s1] =	ssyncset.done $0x0  }
0x15b: {  	s17 =	simm.s32 $0x1480;
	[sflag:s1] =	ssyncadd.s32 $0xFFFFE000  }
0x15c: {  	[spmem:s3] =	stream.indirect.scatter.add.f32 [tilespmem:s24], [sflag:$0x6], $0x40, s17, s22, $0xb8;
	[tilespmem:$0x1EC00] =	vst v63  }
0x15d: {  	_ =	swait.ge [sflag:s0], $0x2000  }
0x15e: {  	[sflag:s0] =	ssyncset.done $0x0  }
0x15f: {  	s18 =	simm.s32 $0x1500;
	[sflag:s0] =	ssyncadd.s32 $0xFFFFE000  }
0x160: {  	[spmem:s3] =	stream.indirect.scatter.add.f32 [tilespmem:s28], [sflag:$0x7], $0x40, s18, s22, $0xb8;
	[tilespmem:$0x1EC00] =	vst v63  }
0x161: {  	_ =	swait.ge [sflag:s5], $0x2000  }
0x162: {  	[sflag:s5] =	ssyncset.done $0x0  }
0x163: {  	s17 =	simm.s32 $0x1580;
	[sflag:s5] =	ssyncadd.s32 $0xFFFFE000  }
0x164: {  	[spmem:s3] =	stream.indirect.scatter.add.f32 [tilespmem:s30], [sflag:$0x8], $0x40, s17, s22, $0xb8;
	[tilespmem:$0x1EC00] =	vst v63  }
0x165: {  	_ =	swait.ge [sflag:s8], $0x2000  }
0x166: {  	[sflag:s8] =	ssyncset.done $0x0  }
0x167: {  	s18 =	simm.s32 $0x200;
	[sflag:s8] =	ssyncadd.s32 $0xFFFFE000  }
0x168: {  	[tilespmem:s23], [sflag:$0x1] =	stream.indirect.gather [spmem:s2], $0x40, s18, s22, $0xb8;
	[tilespmem:$0x1EC00] =	vst v63  }
0x169: {  	_ =	swait.ge [sflag:s9], $0x2000  }
0x16a: {  	[sflag:s9] =	ssyncset.done $0x0  }
0x16b: {  	s17 =	simm.s32 $0x280;
	[sflag:s9] =	ssyncadd.s32 $0xFFFFE000  }
0x16c: {  	[tilespmem:s24], [sflag:$0x2] =	stream.indirect.gather [spmem:s2], $0x40, s17, s22, $0xb8;
	[tilespmem:$0x1EC00] =	vst v63  }
0x16d: {  	_ =	swait.ge [sflag:s10], $0x2000  }
0x16e: {  	[sflag:s10] =	ssyncset.done $0x0  }
0x16f: {  	s18 =	simm.s32 $0x300;
	[sflag:s10] =	ssyncadd.s32 $0xFFFFE000  }
0x170: {  	[tilespmem:s28], [sflag:$0x3] =	stream.indirect.gather [spmem:s2], $0x40, s18, s22, $0xb8;
	[tilespmem:$0x1EC00] =	vst v63  }
0x171: {  	_ =	swait.ge [sflag:s11], $0x2000  }
0x172: {  	[sflag:s11] =	ssyncset.done $0x0  }
0x173: {  	s16 =	simm.s32 $0x800;
	s17 =	simm.s32 $0x380;
	[sflag:s11] =	ssyncadd.s32 $0xFFFFE000  }
.LBB2_8:
0x174: {  	[tilespmem:s30], [sflag:$0x4] =	stream.indirect.gather [spmem:s2], $0x40, s17, s22, $0xb8;
	[tilespmem:$0x1EC00] =	vst v63  }
0x175: {  	s17 =	smov.u32 s16  }
0x176: {  	p0 =	sne.s32 s16, $0x4000;
	s16 =	sadd.s32 $0x800, s16;
	_ =	swait.ge [sflag:s31], $0x2000  }
0x177: {  	s17 =	sshra.s32 s17, $0x2;
	[sflag:s31] =	ssyncset.done $0x0  }
0x178: {  	s18 =	sadd.s32 $0x1400, s17;
	[sflag:s31] =	ssyncadd.s32 $0xFFFFE000  }
0x179: {  	[spmem:s3] =	stream.indirect.scatter.add.f32 [tilespmem:s23], [sflag:$0x5], $0x40, s18, s22, $0xb8;
	[tilespmem:$0x1EC00] =	vst v63  }
0x17a: {  	_ =	swait.ge [sflag:s1], $0x2000  }
0x17b: {  	[sflag:s1] =	ssyncset.done $0x0  }
0x17c: {  	s18 =	sadd.s32 $0x1480, s17;
	[sflag:s1] =	ssyncadd.s32 $0xFFFFE000  }
0x17d: {  	[spmem:s3] =	stream.indirect.scatter.add.f32 [tilespmem:s24], [sflag:$0x6], $0x40, s18, s22, $0xb8;
	[tilespmem:$0x1EC00] =	vst v63  }
0x17e: {  	_ =	swait.ge [sflag:s0], $0x2000  }
0x17f: {  	[sflag:s0] =	ssyncset.done $0x0  }
0x180: {  	s18 =	sadd.s32 $0x1500, s17;
	[sflag:s0] =	ssyncadd.s32 $0xFFFFE000  }
0x181: {  	[spmem:s3] =	stream.indirect.scatter.add.f32 [tilespmem:s28], [sflag:$0x7], $0x40, s18, s22, $0xb8;
	[tilespmem:$0x1EC00] =	vst v63  }
0x182: {  	_ =	swait.ge [sflag:s5], $0x2000  }
0x183: {  	[sflag:s5] =	ssyncset.done $0x0  }
0x184: {  	s18 =	sadd.s32 $0x1580, s17;
	[sflag:s5] =	ssyncadd.s32 $0xFFFFE000  }
0x185: {  	[spmem:s3] =	stream.indirect.scatter.add.f32 [tilespmem:s30], [sflag:$0x8], $0x40, s18, s22, $0xb8;
	[tilespmem:$0x1EC00] =	vst v63  }
0x186: {  	_ =	swait.ge [sflag:s8], $0x2000  }
0x187: {  	[sflag:s8] =	ssyncset.done $0x0  }
0x188: {  	s18 =	sadd.s32 $0x200, s17;
	[sflag:s8] =	ssyncadd.s32 $0xFFFFE000  }
0x189: {  	[tilespmem:s23], [sflag:$0x1] =	stream.indirect.gather [spmem:s2], $0x40, s18, s22, $0xb8;
	[tilespmem:$0x1EC00] =	vst v63  }
0x18a: {  	_ =	swait.ge [sflag:s9], $0x2000  }
0x18b: {  	[sflag:s9] =	ssyncset.done $0x0  }
0x18c: {  	s18 =	sadd.s32 $0x280, s17;
	[sflag:s9] =	ssyncadd.s32 $0xFFFFE000  }
0x18d: {  	[tilespmem:s24], [sflag:$0x2] =	stream.indirect.gather [spmem:s2], $0x40, s18, s22, $0xb8;
	[tilespmem:$0x1EC00] =	vst v63  }
0x18e: {  	_ =	swait.ge [sflag:s10], $0x2000  }
0x18f: {  	[sflag:s10] =	ssyncset.done $0x0  }
.Ltmp3:
0x190: {  	s18 =	sadd.s32 $0x300, s17;
	[sflag:s10] =	ssyncadd.s32 $0xFFFFE000;
	(pc) =	sbr.rel @p0 .LBB2_8-.Ltmp3, $4  }
0x191: {  	[tilespmem:s28], [sflag:$0x3] =	stream.indirect.gather [spmem:s2], $0x40, s18, s22, $0xb8;
	[tilespmem:$0x1EC00] =	vst v63  }
0x192: {  	_ =	swait.ge [sflag:s11], $0x2000  }
0x193: {  	[sflag:s11] =	ssyncset.done $0x0  }
0x194: {  	s17 =	sadd.s32 $0x380, s17;
	[sflag:s11] =	ssyncadd.s32 $0xFFFFE000  }
0x195: {  	[tilespmem:s30], [sflag:$0x4] =	stream.indirect.gather [spmem:s2], $0x40, s17, s22, $0xb8;
	[tilespmem:$0x1EC00] =	vst v63  }
0x196: {  	_ =	swait.ge [sflag:s31], $0x2000  }
0x197: {  	[sflag:s31] =	ssyncset.done $0x0  }
0x198: {  	[sflag:s31] =	ssyncadd.s32 $0xFFFFE000  }
0x199: {  	[spmem:s3] =	stream.indirect.scatter.add.f32 [tilespmem:s23], [sflag:$0x5], $0x40, s12, s22, $0xb8;
	[tilespmem:$0x1EC00] =	vst v63  }
0x19a: {  	_ =	swait.ge [sflag:s1], $0x2000  }
0x19b: {  	[sflag:s1] =	ssyncset.done $0x0  }
0x19c: {  	[sflag:s1] =	ssyncadd.s32 $0xFFFFE000  }
0x19d: {  	[spmem:s3] =	stream.indirect.scatter.add.f32 [tilespmem:s24], [sflag:$0x6], $0x40, s13, s22, $0xb8;
	[tilespmem:$0x1EC00] =	vst v63  }
0x19e: {  	_ =	swait.ge [sflag:s0], $0x2000  }
0x19f: {  	[sflag:s0] =	ssyncset.done $0x0  }
0x1a0: {  	[sflag:s0] =	ssyncadd.s32 $0xFFFFE000  }
0x1a1: {  	[spmem:s3] =	stream.indirect.scatter.add.f32 [tilespmem:s28], [sflag:$0x7], $0x40, s14, s22, $0xb8;
	[tilespmem:$0x1EC00] =	vst v63  }
0x1a2: {  	_ =	swait.ge [sflag:s5], $0x2000  }
0x1a3: {  	[sflag:s5] =	ssyncset.done $0x0  }
0x1a4: {  	[sflag:s5] =	ssyncadd.s32 $0xFFFFE000  }
0x1a5: {  	[spmem:s3] =	stream.indirect.scatter.add.f32 [tilespmem:s30], [sflag:$0x8], $0x40, s15, s22, $0xb8;
	[tilespmem:$0x1EC00] =	vst v63  }
0x1a6: {  	_ =	swait.ge [sflag:s8], $0x2000  }
0x1a7: {  	[sflag:s8] =	ssyncset.done $0x0  }
0x1a8: {  	[sflag:s8] =	ssyncadd.s32 $0xFFFFE000  }
0x1a9: {  	_ =	swait.ge [sflag:s9], $0x2000  }
0x1aa: {  	[sflag:s9] =	ssyncset.done $0x0  }
0x1ab: {  	[sflag:s9] =	ssyncadd.s32 $0xFFFFE000  }
0x1ac: {  	_ =	swait.ge [sflag:s10], $0x2000  }
0x1ad: {  	[sflag:s10] =	ssyncset.done $0x0  }
0x1ae: {  	[sflag:s10] =	ssyncadd.s32 $0xFFFFE000  }
0x1af: {  	_ =	swait.ge [sflag:s11], $0x2000  }
0x1b0: {  	[sflag:s11] =	ssyncset.done $0x0  }
0x1b1: {  	s16 =	simm.s32 $0x0;
	s18 =	rddreg [dreg:$0xc];
	[sflag:s11] =	ssyncadd.s32 $0xFFFFE000  }
0x1b2: {  	[tilespmem:s16], [sflag:$0x9] =	stream.linear.gather [hbm4b:s18+s16], $0x1400, $0x38;
	[tilespmem:$0x1EC00] =	vst v63  }
0x1b3: {  	_ =	swait.ge [sflag:s19], $0x1400  }
0x1b4: {  	[sflag:s19] =	ssyncset.done $0x0  }
0x1b5: {  	s18 =	rddreg [dreg:$0xd];
	[sflag:s19] =	ssyncadd.s32 $0xFFFFEC00  }
0x1b6: {  	[tilespmem:s21], [sflag:$0x9] =	stream.linear.gather [hbm4b:s18+s16], $0x1400, $0x38;
	[tilespmem:$0x1EC00] =	vst v63  }
0x1b7: {  	_ =	swait.ge [sflag:s19], $0x1400  }
0x1b8: {  	[sflag:s19] =	ssyncset.done $0x0  }
0x1b9: {  	[sflag:s19] =	ssyncadd.s32 $0xFFFFEC00  }
0x1ba: {  	[tilespmem:s23], [sflag:$0x1] =	stream.indirect.gather [spmem:s2], $0x40, s16, s22, $0xb8;
	[tilespmem:$0x1EC00] =	vst v63  }
0x1bb: {  	_ = 	snop  }
0x1bc: {  	[tilespmem:s24], [sflag:$0x2] =	stream.indirect.gather [spmem:s2], $0x40, s22, s22, $0xb8;
	[tilespmem:$0x1EC00] =	vst v63  }
0x1bd: {  	_ = 	snop  }
0x1be: {  	[tilespmem:s28], [sflag:$0x3] =	stream.indirect.gather [spmem:s2], $0x40, s26, s22, $0xb8;
	[tilespmem:$0x1EC00] =	vst v63  }
0x1bf: {  	_ = 	snop  }
0x1c0: {  	[tilespmem:s30], [sflag:$0x4] =	stream.indirect.gather [spmem:s2], $0x40, s29, s22, $0xb8;
	[tilespmem:$0x1EC00] =	vst v63  }
0x1c1: {  	_ =	swait.ge [sflag:s31], $0x2000  }
0x1c2: {  	[sflag:s31] =	ssyncset.done $0x0  }
0x1c3: {  	s18 =	simm.s32 $0x1400;
	[sflag:s31] =	ssyncadd.s32 $0xFFFFE000  }
0x1c4: {  	[spmem:s3] =	stream.indirect.scatter.add.f32 [tilespmem:s23], [sflag:$0x5], $0x40, s18, s22, $0xb8;
	[tilespmem:$0x1EC00] =	vst v63  }
0x1c5: {  	_ =	swait.ge [sflag:s1], $0x2000  }
0x1c6: {  	[sflag:s1] =	ssyncset.done $0x0  }
0x1c7: {  	s17 =	simm.s32 $0x1480;
	[sflag:s1] =	ssyncadd.s32 $0xFFFFE000  }
0x1c8: {  	[spmem:s3] =	stream.indirect.scatter.add.f32 [tilespmem:s24], [sflag:$0x6], $0x40, s17, s22, $0xb8;
	[tilespmem:$0x1EC00] =	vst v63  }
0x1c9: {  	_ =	swait.ge [sflag:s0], $0x2000  }
0x1ca: {  	[sflag:s0] =	ssyncset.done $0x0  }
0x1cb: {  	s18 =	simm.s32 $0x1500;
	[sflag:s0] =	ssyncadd.s32 $0xFFFFE000  }
0x1cc: {  	[spmem:s3] =	stream.indirect.scatter.add.f32 [tilespmem:s28], [sflag:$0x7], $0x40, s18, s22, $0xb8;
	[tilespmem:$0x1EC00] =	vst v63  }
0x1cd: {  	_ =	swait.ge [sflag:s5], $0x2000  }
0x1ce: {  	[sflag:s5] =	ssyncset.done $0x0  }
0x1cf: {  	s17 =	simm.s32 $0x1580;
	[sflag:s5] =	ssyncadd.s32 $0xFFFFE000  }
0x1d0: {  	[spmem:s3] =	stream.indirect.scatter.add.f32 [tilespmem:s30], [sflag:$0x8], $0x40, s17, s22, $0xb8;
	[tilespmem:$0x1EC00] =	vst v63  }
0x1d1: {  	_ =	swait.ge [sflag:s8], $0x2000  }
0x1d2: {  	[sflag:s8] =	ssyncset.done $0x0  }
0x1d3: {  	s18 =	simm.s32 $0x200;
	[sflag:s8] =	ssyncadd.s32 $0xFFFFE000  }
0x1d4: {  	[tilespmem:s23], [sflag:$0x1] =	stream.indirect.gather [spmem:s2], $0x40, s18, s22, $0xb8;
	[tilespmem:$0x1EC00] =	vst v63  }
0x1d5: {  	_ =	swait.ge [sflag:s9], $0x2000  }
0x1d6: {  	[sflag:s9] =	ssyncset.done $0x0  }
0x1d7: {  	s17 =	simm.s32 $0x280;
	[sflag:s9] =	ssyncadd.s32 $0xFFFFE000  }
0x1d8: {  	[tilespmem:s24], [sflag:$0x2] =	stream.indirect.gather [spmem:s2], $0x40, s17, s22, $0xb8;
	[tilespmem:$0x1EC00] =	vst v63  }
0x1d9: {  	_ =	swait.ge [sflag:s10], $0x2000  }
0x1da: {  	[sflag:s10] =	ssyncset.done $0x0  }
0x1db: {  	s18 =	simm.s32 $0x300;
	[sflag:s10] =	ssyncadd.s32 $0xFFFFE000  }
0x1dc: {  	[tilespmem:s28], [sflag:$0x3] =	stream.indirect.gather [spmem:s2], $0x40, s18, s22, $0xb8;
	[tilespmem:$0x1EC00] =	vst v63  }
0x1dd: {  	_ =	swait.ge [sflag:s11], $0x2000  }
0x1de: {  	[sflag:s11] =	ssyncset.done $0x0  }
0x1df: {  	s16 =	simm.s32 $0x800;
	s17 =	simm.s32 $0x380;
	[sflag:s11] =	ssyncadd.s32 $0xFFFFE000  }
.LBB2_10:
0x1e0: {  	[tilespmem:s30], [sflag:$0x4] =	stream.indirect.gather [spmem:s2], $0x40, s17, s22, $0xb8;
	[tilespmem:$0x1EC00] =	vst v63  }
0x1e1: {  	s17 =	smov.u32 s16  }
0x1e2: {  	p0 =	sne.s32 s16, $0x4000;
	s16 =	sadd.s32 $0x800, s16;
	_ =	swait.ge [sflag:s31], $0x2000  }
0x1e3: {  	s17 =	sshra.s32 s17, $0x2;
	[sflag:s31] =	ssyncset.done $0x0  }
0x1e4: {  	s18 =	sadd.s32 $0x1400, s17;
	[sflag:s31] =	ssyncadd.s32 $0xFFFFE000  }
0x1e5: {  	[spmem:s3] =	stream.indirect.scatter.add.f32 [tilespmem:s23], [sflag:$0x5], $0x40, s18, s22, $0xb8;
	[tilespmem:$0x1EC00] =	vst v63  }
0x1e6: {  	_ =	swait.ge [sflag:s1], $0x2000  }
0x1e7: {  	[sflag:s1] =	ssyncset.done $0x0  }
0x1e8: {  	s18 =	sadd.s32 $0x1480, s17;
	[sflag:s1] =	ssyncadd.s32 $0xFFFFE000  }
0x1e9: {  	[spmem:s3] =	stream.indirect.scatter.add.f32 [tilespmem:s24], [sflag:$0x6], $0x40, s18, s22, $0xb8;
	[tilespmem:$0x1EC00] =	vst v63  }
0x1ea: {  	_ =	swait.ge [sflag:s0], $0x2000  }
0x1eb: {  	[sflag:s0] =	ssyncset.done $0x0  }
0x1ec: {  	s18 =	sadd.s32 $0x1500, s17;
	[sflag:s0] =	ssyncadd.s32 $0xFFFFE000  }
0x1ed: {  	[spmem:s3] =	stream.indirect.scatter.add.f32 [tilespmem:s28], [sflag:$0x7], $0x40, s18, s22, $0xb8;
	[tilespmem:$0x1EC00] =	vst v63  }
0x1ee: {  	_ =	swait.ge [sflag:s5], $0x2000  }
0x1ef: {  	[sflag:s5] =	ssyncset.done $0x0  }
0x1f0: {  	s18 =	sadd.s32 $0x1580, s17;
	[sflag:s5] =	ssyncadd.s32 $0xFFFFE000  }
0x1f1: {  	[spmem:s3] =	stream.indirect.scatter.add.f32 [tilespmem:s30], [sflag:$0x8], $0x40, s18, s22, $0xb8;
	[tilespmem:$0x1EC00] =	vst v63  }
0x1f2: {  	_ =	swait.ge [sflag:s8], $0x2000  }
0x1f3: {  	[sflag:s8] =	ssyncset.done $0x0  }
0x1f4: {  	s18 =	sadd.s32 $0x200, s17;
	[sflag:s8] =	ssyncadd.s32 $0xFFFFE000  }
0x1f5: {  	[tilespmem:s23], [sflag:$0x1] =	stream.indirect.gather [spmem:s2], $0x40, s18, s22, $0xb8;
	[tilespmem:$0x1EC00] =	vst v63  }
0x1f6: {  	_ =	swait.ge [sflag:s9], $0x2000  }
0x1f7: {  	[sflag:s9] =	ssyncset.done $0x0  }
0x1f8: {  	s18 =	sadd.s32 $0x280, s17;
	[sflag:s9] =	ssyncadd.s32 $0xFFFFE000  }
0x1f9: {  	[tilespmem:s24], [sflag:$0x2] =	stream.indirect.gather [spmem:s2], $0x40, s18, s22, $0xb8;
	[tilespmem:$0x1EC00] =	vst v63  }
0x1fa: {  	_ =	swait.ge [sflag:s10], $0x2000  }
0x1fb: {  	[sflag:s10] =	ssyncset.done $0x0  }
.Ltmp4:
0x1fc: {  	s18 =	sadd.s32 $0x300, s17;
	[sflag:s10] =	ssyncadd.s32 $0xFFFFE000;
	(pc) =	sbr.rel @p0 .LBB2_10-.Ltmp4, $4  }
0x1fd: {  	[tilespmem:s28], [sflag:$0x3] =	stream.indirect.gather [spmem:s2], $0x40, s18, s22, $0xb8;
	[tilespmem:$0x1EC00] =	vst v63  }
0x1fe: {  	_ =	swait.ge [sflag:s11], $0x2000  }
0x1ff: {  	[sflag:s11] =	ssyncset.done $0x0  }
0x200: {  	s17 =	sadd.s32 $0x380, s17;
	[sflag:s11] =	ssyncadd.s32 $0xFFFFE000  }
0x201: {  	[tilespmem:s30], [sflag:$0x4] =	stream.indirect.gather [spmem:s2], $0x40, s17, s22, $0xb8;
	[tilespmem:$0x1EC00] =	vst v63  }
0x202: {  	_ =	swait.ge [sflag:s31], $0x2000  }
0x203: {  	[sflag:s31] =	ssyncset.done $0x0  }
0x204: {  	[sflag:s31] =	ssyncadd.s32 $0xFFFFE000  }
0x205: {  	[spmem:s3] =	stream.indirect.scatter.add.f32 [tilespmem:s23], [sflag:$0x5], $0x40, s12, s22, $0xb8;
	[tilespmem:$0x1EC00] =	vst v63  }
0x206: {  	_ =	swait.ge [sflag:s1], $0x2000  }
0x207: {  	[sflag:s1] =	ssyncset.done $0x0  }
0x208: {  	[sflag:s1] =	ssyncadd.s32 $0xFFFFE000  }
0x209: {  	[spmem:s3] =	stream.indirect.scatter.add.f32 [tilespmem:s24], [sflag:$0x6], $0x40, s13, s22, $0xb8;
	[tilespmem:$0x1EC00] =	vst v63  }
0x20a: {  	_ =	swait.ge [sflag:s0], $0x2000  }
0x20b: {  	[sflag:s0] =	ssyncset.done $0x0  }
0x20c: {  	[sflag:s0] =	ssyncadd.s32 $0xFFFFE000  }
0x20d: {  	[spmem:s3] =	stream.indirect.scatter.add.f32 [tilespmem:s28], [sflag:$0x7], $0x40, s14, s22, $0xb8;
	[tilespmem:$0x1EC00] =	vst v63  }
0x20e: {  	_ =	swait.ge [sflag:s5], $0x2000  }
0x20f: {  	[sflag:s5] =	ssyncset.done $0x0  }
0x210: {  	[sflag:s5] =	ssyncadd.s32 $0xFFFFE000  }
0x211: {  	[spmem:s3] =	stream.indirect.scatter.add.f32 [tilespmem:s30], [sflag:$0x8], $0x40, s15, s22, $0xb8;
	[tilespmem:$0x1EC00] =	vst v63  }
0x212: {  	_ =	swait.ge [sflag:s8], $0x2000  }
0x213: {  	[sflag:s8] =	ssyncset.done $0x0  }
0x214: {  	[sflag:s8] =	ssyncadd.s32 $0xFFFFE000  }
0x215: {  	_ =	swait.ge [sflag:s9], $0x2000  }
0x216: {  	[sflag:s9] =	ssyncset.done $0x0  }
0x217: {  	[sflag:s9] =	ssyncadd.s32 $0xFFFFE000  }
0x218: {  	_ =	swait.ge [sflag:s10], $0x2000  }
0x219: {  	[sflag:s10] =	ssyncset.done $0x0  }
0x21a: {  	[sflag:s10] =	ssyncadd.s32 $0xFFFFE000  }
0x21b: {  	_ =	swait.ge [sflag:s11], $0x2000  }
0x21c: {  	[sflag:s11] =	ssyncset.done $0x0  }
0x21d: {  	[sflag:s11] =	ssyncadd.s32 $0xFFFFE000  }
0x21e: {  	[bflag:$0x0] =	sbarrier.arrive $0xFFFF  }
0x21f: {  	s16 =	rddreg [dreg:$0xe]  }
0x220: {  	[hbm:s16], [sflag:s6] =	dma.local [spmem:s25], $0x1400  }
0x221: {  	_ =	swait.ge [sflag:s19], $0x1400  }
0x222: {  	s4 =	sadd.s32 $0x1, s4;
	s18 =	rddreg [dreg:$0xf]  }
0x223: {  	p0 =	sne.s32 s4, s18  }
.Ltmp5:
0x224: {  	_ = 	snop;
	(pc) =	sbr.rel @p0 .LBB2_1-.Ltmp5, $3  }
0x225: {  	_ =	sdelay $0x1  }
0x226: {  	[sflag:s19] =	ssyncset.done $0x0  }
0x227: {  	[sflag:s19] =	ssyncadd.s32 $0xFFFFEC00  }
0x228: {  	_ =	sfence.sel $0x180000  }
0x229: {  	[bflag:$0x0] =	sbarrier.arrive $0xFFFF  }
0x22a: {  	_ =	strace $0x9000004A  }
0x22b: {  	s0 =	stileid.u32;
	[bflag:$0x2] =	sbarrier.arrive $0xFFFF  }
0x22c: {  	p0 =	sne.s32 s0, $0x0;
	s0 =	rddreg [dreg:$0x4]  }
0x22d: {  	s0 =	sadd.s32 @!p0 $0x100000, s0  }
0x22e: {  	[sflag:s0] =	ssyncadd.tile.s32 @!p0 $0x1;
	_ =	shalt  }
.Lfunc_end2:
_tile_overlayer_lowered:
.L_overlay_start_2:
0x22f: {  	(tag) =	ssettag $0x2  }
0x230: {  	s0 =	rddreg [dreg:$0x0];
	s2 =	stileid.u32  }
0x231: {  	s1 =	rddreg [dreg:$0x1];
	p0 =	sne.s32 s2, $0x0  }
0x232: {  	s3 =	rddreg [dreg:$0x2];
	[bflag:$0x3] =	sbarrier.arrive $0xFFFF;
	s2 =	simm.s32 @!p0 $0x1C09  }
0x233: {  	[timem:s3], [sflag:s2] =	dma.local @!p0 [hbm:s0], s1  }
0x234: {  	s0 =	simm.s32 @!p0 $0x9  }
0x235: {  	_ =	swait.ge @!p0 [sflag:s0], s1  }
0x236: {  	s1 =	ssub.s32 @!p0 $0x0, s1;
	[sflag:s0] =	ssyncset.done @!p0 $0x0  }
0x237: {  	[sflag:s0] =	ssyncadd.s32 @!p0 s1  }
0x238: {  	[bflag:$0x3] =	sbarrier.arrive $0xFFFF  }
0x239: {  	_ =	shalt  }

</sc_bundles>
